<compile_context>
chip_gen: v7x
topology: tpu7x:2x2x1
jax: 0.10.2.dev20260603
libtpu: 0.0.44.dev20260713+nightly
codegen_flags: <defaults>
</compile_context>

<pallas_src>
import functools

import jax
import jax.numpy as jnp
from jax import lax
from jax.experimental import pallas as pl
from jax.experimental.pallas import tpu as pltpu
from jax.experimental.pallas import tpu_sc as plsc

EMBED = 64
BATCH = 4096
HIST = 200
STRIP = 128


@functools.lru_cache(maxsize=None)
def _gather_fn(nc, ns):
    nw = nc * ns
    assert nw * STRIP == BATCH
    mesh = plsc.VectorSubcoreMesh(core_axis_name="c", subcore_axis_name="s")

    scratch = (
        [pltpu.VMEM((HIST, STRIP), jnp.int32)]
        + [pltpu.VMEM((STRIP, EMBED), jnp.float32) for _ in range(2)]
        + [pltpu.VMEM((2, 8, STRIP + 1), jnp.float32) for _ in range(8)]
        + [pltpu.SemaphoreType.DMA]
        + [pltpu.SemaphoreType.DMA for _ in range(2)]
        + [pltpu.SemaphoreType.DMA for _ in range(2)]
    )

    @functools.partial(
        pl.kernel,
        mesh=mesh,
        out_type=jax.ShapeDtypeStruct((HIST, 8, BATCH // STRIP, 8, STRIP), jnp.float32),
        scratch_types=scratch,
        compiler_params=pltpu.CompilerParams(
            use_tc_tiling_on_sc=False, needs_layout_passes=False
        ),
    )
    def k(ids_hbm, table_hbm, out_hbm, ids_v, rows0, rows1,
          t00, t01, t02, t03, t10, t11, t12, t13,
          sem_i, sg0, sg1, sw0, sw1):
        rows_v = (rows0, rows1)
        t_v = ((t00, t01, t02, t03), (t10, t11, t12, t13))
        sem_g = (sg0, sg1)
        sem_w = (sw0, sw1)
        w = lax.axis_index("s") * nc + lax.axis_index("c")
        b0 = w * STRIP

        pltpu.async_copy(ids_hbm.at[:, pl.ds(b0, STRIP)], ids_v, sem_i).wait()

        iota = lax.iota(jnp.int32, 16)
        evecs = [(((f0 + iota) >> 3) & 1, (f0 + iota) & 7) for f0 in (0, 16, 32, 48)]

        def gather(h, p):
            pltpu.async_copy(table_hbm.at[ids_v.at[h]], rows_v[p], sem_g[p])

        def transpose_block(p):
            rv = rows_v[p]
            tv = t_v[p]

            def quad_body(q, carry):
                q4 = q * 4
                base = jnp.zeros((16,), jnp.int32) + q4
                for dj in range(4):
                    jv = base + dj
                    for fi, f0 in enumerate((0, 16, 32, 48)):
                        v = rv[q4 + dj, pl.ds(f0, 16)]
                        plsc.store_scatter(tv[fi], [evecs[fi][0], evecs[fi][1], jv], v)
                return carry

            lax.fori_loop(0, STRIP // 4, quad_body, 0, unroll=2)

        def write(h, p):
            for fi in range(4):
                pltpu.async_copy(
                    t_v[p][fi].at[:, :, pl.ds(0, STRIP)],
                    out_hbm.at[h, pl.ds(2 * fi, 2), w],
                    sem_w[p],
                )

        def wait_gather(p):
            pltpu.make_async_copy(
                table_hbm.at[pl.ds(0, STRIP)], rows_v[p], sem_g[p]
            ).wait()

        def wait_write(p):
            for fi in range(4):
                pltpu.make_async_copy(
                    t_v[p][fi].at[:, :, pl.ds(0, STRIP)],
                    out_hbm.at[0, pl.ds(2 * fi, 2), w],
                    sem_w[p],
                ).wait()

        gather(0, 0)
        gather(1, 1)
        for p in range(2):
            wait_gather(p)
            transpose_block(p)
            write(p, p)
            gather(p + 2, p)

        def round_body(g, carry):
            for p in range(2):
                h = 2 * g + p
                wait_gather(p)
                wait_write(p)
                transpose_block(p)
                write(h, p)

                @pl.when(h + 2 < HIST)
                def _():
                    gather(h + 2, p)

            return carry

        lax.fori_loop(1, HIST // 2, round_body, 0)
        for p in range(2):
            wait_write(p)

    return k


def kernel(input_ids, table):
    info = plsc.get_sparse_core_info()
    ids_t = input_ids.T.astype(jnp.int32)
    out5 = _gather_fn(info.num_cores, info.num_subcores)(ids_t, table)
    return jnp.reshape(jnp.transpose(out5, (2, 4, 0, 1, 3)), (BATCH, HIST, EMBED))

# --- scband reference (transcript-rebuilt; emitter-appended) ---
"""Pipeline reference for scband-embedding-projection-6012954214785 (READ-ONLY COPY).

The authoritative reference and input builder live on the scoring server;
editing this copy changes nothing except your own understanding.
"""

import jax, jax.numpy as jnp
import numpy as np

VOCAB_SIZE = 1000000
EMBED_DIM = 64
BATCH = 4096
HIST_LEN = 200

def setup_inputs(seed: int = 0) -> dict:
    key = jax.random.key(seed)
    k_idx, k_tab = jax.random.split(key)
    input_ids = jax.random.randint(k_idx, (BATCH, HIST_LEN), 0, VOCAB_SIZE, dtype=jnp.int64 if jax.config.jax_enable_x64 else jnp.int32)
    table = jax.random.normal(k_tab, (VOCAB_SIZE, EMBED_DIM), dtype=jnp.float32) * (1.0 / np.sqrt(EMBED_DIM))
    return {"input_ids": input_ids, "table": table}

def reference(input_ids, table):
    # nn.Embedding forward: gather rows of the table by token id
    return jnp.take(table, input_ids, axis=0)

if __name__ == "__main__":
    import jax
    _d = setup_inputs()
    print(jax.jit(kernel)(*tuple(_d.values())))

</pallas_src>

<mosaic_0001>
#map = affine_map<(d0, d1) -> (0, 0)>
#map1 = affine_map<(d0, d1) -> (0, 0, 0, 0, 0)>
module attributes {stable_mosaic.version = 14 : i64} {
  func.func @k(%arg0: i32, %arg1: i32, %arg2: memref<200x4096xi32, #tpu.memory_space<hbm>>, %arg3: memref<1000000x64xf32, #tpu.memory_space<hbm>>, %arg4: memref<200x8x32x8x128xf32, #tpu.memory_space<hbm>>, %arg5: memref<200x128xi32, #tpu.memory_space<vmem>>, %arg6: memref<128x64xf32, #tpu.memory_space<vmem>>, %arg7: memref<128x64xf32, #tpu.memory_space<vmem>>, %arg8: memref<2x8x129xf32, #tpu.memory_space<vmem>>, %arg9: memref<2x8x129xf32, #tpu.memory_space<vmem>>, %arg10: memref<2x8x129xf32, #tpu.memory_space<vmem>>, %arg11: memref<2x8x129xf32, #tpu.memory_space<vmem>>, %arg12: memref<2x8x129xf32, #tpu.memory_space<vmem>>, %arg13: memref<2x8x129xf32, #tpu.memory_space<vmem>>, %arg14: memref<2x8x129xf32, #tpu.memory_space<vmem>>, %arg15: memref<2x8x129xf32, #tpu.memory_space<vmem>>, %arg16: memref<!tpu.dma_semaphore, #tpu.memory_space<semaphore_mem>>, %arg17: memref<!tpu.dma_semaphore, #tpu.memory_space<semaphore_mem>>, %arg18: memref<!tpu.dma_semaphore, #tpu.memory_space<semaphore_mem>>, %arg19: memref<!tpu.dma_semaphore, #tpu.memory_space<semaphore_mem>>, %arg20: memref<!tpu.dma_semaphore, #tpu.memory_space<semaphore_mem>>) attributes {dimension_semantics = [#tpu.dimension_semantics<core_parallel>, #tpu.dimension_semantics<subcore_parallel>], iteration_bounds = array<i64: 2, 16>, scalar_prefetch = 0 : i64, scratch_operands = 16 : i64, tpu.core_type = #tpu.core_type<sc_vector_subcore>, window_params = [{transform_indices = #map}, {transform_indices = #map}, {transform_indices = #map1}]} {
    %mul3A = arith.constant 2 : i32
    %mul3A_0 = arith.muli %arg1, %mul3A : i32
    %add3A = arith.addi %mul3A_0, %arg0 : i32
    %mul3A_1 = arith.constant 128 : i32
    %mul3A_2 = arith.muli %add3A, %mul3A_1 : i32
    %dma_start3A = arith.constant 0 : i32
    %dma_start3A_3 = tpu.memref_slice %arg2[%dma_start3A, %mul3A_2] : memref<200x4096xi32, #tpu.memory_space<hbm>> -> memref<200x128xi32, #tpu.memory_space<hbm>>
    %dma_start3A_4 = arith.constant 0 : i32
    %dma_start3A_5 = tpu.memref_slice %arg2[%dma_start3A_4, %mul3A_2] : memref<200x4096xi32, #tpu.memory_space<hbm>> -> memref<200x128xi32, #tpu.memory_space<hbm>>
    tpu.enqueue_dma source(%dma_start3A_5 : memref<200x128xi32, #tpu.memory_space<hbm>>) target(%arg5 : memref<200x128xi32, #tpu.memory_space<vmem>>) target_semaphore(%arg16 : memref<!tpu.dma_semaphore, #tpu.memory_space<semaphore_mem>>)
    %dma_wait3A = arith.constant 0 : i32
    %dma_wait3A_6 = tpu.memref_slice %arg2[%dma_wait3A, %mul3A_2] : memref<200x4096xi32, #tpu.memory_space<hbm>> -> memref<200x128xi32, #tpu.memory_space<hbm>>
    %dma_wait3A_7 = arith.constant 0 : i32
    %dma_wait3A_8 = tpu.memref_slice %arg2[%dma_wait3A_7, %mul3A_2] : memref<200x4096xi32, #tpu.memory_space<hbm>> -> memref<200x128xi32, #tpu.memory_space<hbm>>
    tpu.wait_dma2 semaphore(%arg16 : memref<!tpu.dma_semaphore, #tpu.memory_space<semaphore_mem>>) src(%dma_wait3A_8 : memref<200x128xi32, #tpu.memory_space<hbm>>) dst(%arg5 : memref<200x128xi32, #tpu.memory_space<vmem>>)
    %iota3A = tpu.iota {dimensions = array<i32: 0>} : vector<16xi32>
    %add3A_9 = arith.constant 0 : i32
    %add3A_10 = vector.broadcast %add3A_9 : i32 to vector<16xi32>
    %add3A_11 = arith.addi %add3A_10, %iota3A : vector<16xi32>
    %shift_right_arithmetic3A = arith.constant 3 : i32
    %shift_right_arithmetic3A_12 = vector.broadcast %shift_right_arithmetic3A : i32 to vector<16xi32>
    %shift_right_arithmetic3A_13 = arith.shrsi %add3A_11, %shift_right_arithmetic3A_12 : vector<16xi32>
    %and3A = arith.constant 1 : i32
    %and3A_14 = vector.broadcast %and3A : i32 to vector<16xi32>
    %and3A_15 = arith.andi %shift_right_arithmetic3A_13, %and3A_14 : vector<16xi32>
    %add3A_16 = arith.constant 0 : i32
    %add3A_17 = vector.broadcast %add3A_16 : i32 to vector<16xi32>
    %add3A_18 = arith.addi %add3A_17, %iota3A : vector<16xi32>
    %and3A_19 = arith.constant 7 : i32
    %and3A_20 = vector.broadcast %and3A_19 : i32 to vector<16xi32>
    %and3A_21 = arith.andi %add3A_18, %and3A_20 : vector<16xi32>
    %add3A_22 = arith.constant 16 : i32
    %add3A_23 = vector.broadcast %add3A_22 : i32 to vector<16xi32>
    %add3A_24 = arith.addi %add3A_23, %iota3A : vector<16xi32>
    %shift_right_arithmetic3A_25 = arith.constant 3 : i32
    %shift_right_arithmetic3A_26 = vector.broadcast %shift_right_arithmetic3A_25 : i32 to vector<16xi32>
    %shift_right_arithmetic3A_27 = arith.shrsi %add3A_24, %shift_right_arithmetic3A_26 : vector<16xi32>
    %and3A_28 = arith.constant 1 : i32
    %and3A_29 = vector.broadcast %and3A_28 : i32 to vector<16xi32>
    %and3A_30 = arith.andi %shift_right_arithmetic3A_27, %and3A_29 : vector<16xi32>
    %add3A_31 = arith.constant 16 : i32
    %add3A_32 = vector.broadcast %add3A_31 : i32 to vector<16xi32>
    %add3A_33 = arith.addi %add3A_32, %iota3A : vector<16xi32>
    %and3A_34 = arith.constant 7 : i32
    %and3A_35 = vector.broadcast %and3A_34 : i32 to vector<16xi32>
    %and3A_36 = arith.andi %add3A_33, %and3A_35 : vector<16xi32>
    %add3A_37 = arith.constant 32 : i32
    %add3A_38 = vector.broadcast %add3A_37 : i32 to vector<16xi32>
    %add3A_39 = arith.addi %add3A_38, %iota3A : vector<16xi32>
    %shift_right_arithmetic3A_40 = arith.constant 3 : i32
    %shift_right_arithmetic3A_41 = vector.broadcast %shift_right_arithmetic3A_40 : i32 to vector<16xi32>
    %shift_right_arithmetic3A_42 = arith.shrsi %add3A_39, %shift_right_arithmetic3A_41 : vector<16xi32>
    %and3A_43 = arith.constant 1 : i32
    %and3A_44 = vector.broadcast %and3A_43 : i32 to vector<16xi32>
    %and3A_45 = arith.andi %shift_right_arithmetic3A_42, %and3A_44 : vector<16xi32>
    %add3A_46 = arith.constant 32 : i32
    %add3A_47 = vector.broadcast %add3A_46 : i32 to vector<16xi32>
    %add3A_48 = arith.addi %add3A_47, %iota3A : vector<16xi32>
    %and3A_49 = arith.constant 7 : i32
    %and3A_50 = vector.broadcast %and3A_49 : i32 to vector<16xi32>
    %and3A_51 = arith.andi %add3A_48, %and3A_50 : vector<16xi32>
    %add3A_52 = arith.constant 48 : i32
    %add3A_53 = vector.broadcast %add3A_52 : i32 to vector<16xi32>
    %add3A_54 = arith.addi %add3A_53, %iota3A : vector<16xi32>
    %shift_right_arithmetic3A_55 = arith.constant 3 : i32
    %shift_right_arithmetic3A_56 = vector.broadcast %shift_right_arithmetic3A_55 : i32 to vector<16xi32>
    %shift_right_arithmetic3A_57 = arith.shrsi %add3A_54, %shift_right_arithmetic3A_56 : vector<16xi32>
    %and3A_58 = arith.constant 1 : i32
    %and3A_59 = vector.broadcast %and3A_58 : i32 to vector<16xi32>
    %and3A_60 = arith.andi %shift_right_arithmetic3A_57, %and3A_59 : vector<16xi32>
    %add3A_61 = arith.constant 48 : i32
    %add3A_62 = vector.broadcast %add3A_61 : i32 to vector<16xi32>
    %add3A_63 = arith.addi %add3A_62, %iota3A : vector<16xi32>
    %and3A_64 = arith.constant 7 : i32
    %and3A_65 = vector.broadcast %and3A_64 : i32 to vector<16xi32>
    %and3A_66 = arith.andi %add3A_63, %and3A_65 : vector<16xi32>
    %dma_start3A_67 = arith.constant 0 : i32
    %dma_start3A_68 = arith.constant 0 : i32
    %dma_start3A_69 = tpu.memref_slice %arg5[%dma_start3A_67, %dma_start3A_68] : memref<200x128xi32, #tpu.memory_space<vmem>> -> memref<1x128xi32, #tpu.memory_space<vmem>>
    %dma_start3A_70 = tpu.memref_squeeze %dma_start3A_69 : memref<1x128xi32, #tpu.memory_space<vmem>> -> memref<128xi32, #tpu.memory_space<vmem>>
    %dma_start3A_71 = arith.constant 0 : i32
    %dma_start3A_72 = arith.constant 0 : i32
    %dma_start3A_73 = tpu.memref_slice %arg3[%dma_start3A_71, %dma_start3A_72] : memref<1000000x64xf32, #tpu.memory_space<hbm>> -> memref<1000000x64xf32, #tpu.memory_space<hbm>>
    tpu.enqueue_indirect_dma source(%dma_start3A_73 : memref<1000000x64xf32, #tpu.memory_space<hbm>>) target(%arg6 : memref<128x64xf32, #tpu.memory_space<vmem>>) offsets(%dma_start3A_70 : memref<128xi32, #tpu.memory_space<vmem>>) semaphore(%arg17 : memref<!tpu.dma_semaphore, #tpu.memory_space<semaphore_mem>>)
    %dma_start3A_74 = arith.constant 1 : i32
    %dma_start3A_75 = arith.constant 0 : i32
    %dma_start3A_76 = tpu.memref_slice %arg5[%dma_start3A_74, %dma_start3A_75] : memref<200x128xi32, #tpu.memory_space<vmem>> -> memref<1x128xi32, #tpu.memory_space<vmem>>
    %dma_start3A_77 = tpu.memref_squeeze %dma_start3A_76 : memref<1x128xi32, #tpu.memory_space<vmem>> -> memref<128xi32, #tpu.memory_space<vmem>>
    %dma_start3A_78 = arith.constant 0 : i32
    %dma_start3A_79 = arith.constant 0 : i32
    %dma_start3A_80 = tpu.memref_slice %arg3[%dma_start3A_78, %dma_start3A_79] : memref<1000000x64xf32, #tpu.memory_space<hbm>> -> memref<1000000x64xf32, #tpu.memory_space<hbm>>
    tpu.enqueue_indirect_dma source(%dma_start3A_80 : memref<1000000x64xf32, #tpu.memory_space<hbm>>) target(%arg7 : memref<128x64xf32, #tpu.memory_space<vmem>>) offsets(%dma_start3A_77 : memref<128xi32, #tpu.memory_space<vmem>>) semaphore(%arg18 : memref<!tpu.dma_semaphore, #tpu.memory_space<semaphore_mem>>)
    %dma_wait3A_81 = arith.constant 0 : i32
    %dma_wait3A_82 = arith.constant 0 : i32
    %dma_wait3A_83 = tpu.memref_slice %arg3[%dma_wait3A_81, %dma_wait3A_82] : memref<1000000x64xf32, #tpu.memory_space<hbm>> -> memref<128x64xf32, #tpu.memory_space<hbm>>
    %dma_wait3A_84 = arith.constant 0 : i32
    %dma_wait3A_85 = arith.constant 0 : i32
    %dma_wait3A_86 = tpu.memref_slice %arg3[%dma_wait3A_84, %dma_wait3A_85] : memref<1000000x64xf32, #tpu.memory_space<hbm>> -> memref<128x64xf32, #tpu.memory_space<hbm>>
    tpu.wait_dma2 semaphore(%arg17 : memref<!tpu.dma_semaphore, #tpu.memory_space<semaphore_mem>>) src(%dma_wait3A_86 : memref<128x64xf32, #tpu.memory_space<hbm>>) dst(%arg6 : memref<128x64xf32, #tpu.memory_space<vmem>>)
    %scan3A = arith.constant 0 : i32
    %scan3A_87 = arith.constant 0 : i32
    %scan3A_88 = arith.constant 32 : i32
    %scan3A_89 = arith.addi %scan3A_87, %scan3A_88 : i32
    %scan3A_90 = arith.constant 2 : i32
    scf.for %scan3A_428 = %scan3A_87 to %scan3A_89 step %scan3A_90  : i32 {
      %mul3A_429 = arith.constant 4 : i32
      %mul3A_430 = arith.muli %scan3A_428, %mul3A_429 : i32
      %broadcast_in_dim3A = arith.constant 0 : i32
      %broadcast_in_dim3A_431 = vector.broadcast %broadcast_in_dim3A : i32 to vector<16xi32>
      %add3A_432 = vector.broadcast %mul3A_430 : i32 to vector<16xi32>
      %add3A_433 = arith.addi %broadcast_in_dim3A_431, %add3A_432 : vector<16xi32>
      %add3A_434 = arith.constant 0 : i32
      %add3A_435 = vector.broadcast %add3A_434 : i32 to vector<16xi32>
      %add3A_436 = arith.addi %add3A_433, %add3A_435 : vector<16xi32>
      %add3A_437 = arith.constant 0 : i32
      %add3A_438 = arith.addi %mul3A_430, %add3A_437 : i32
      %get3A = arith.index_cast %add3A_438 : i32 to index
      %get3A_439 = arith.constant 0 : index
      %get3A_440 = tpu.vector_load %arg6[%get3A, %get3A_439] {strides = array<i32>} : memref<128x64xf32, #tpu.memory_space<vmem>>, vector<16xf32>,
      tpu.vector_store_idx %arg8[%and3A_15, %and3A_21, %add3A_436], %get3A_440 : memref<2x8x129xf32, #tpu.memory_space<vmem>>[vector<16xi32>, vector<16xi32>, vector<16xi32>], vector<16xf32>,
      %add3A_441 = arith.constant 0 : i32
      %add3A_442 = arith.addi %mul3A_430, %add3A_441 : i32
      %get3A_443 = arith.index_cast %add3A_442 : i32 to index
      %get3A_444 = arith.constant 16 : index
      %get3A_445 = tpu.vector_load %arg6[%get3A_443, %get3A_444] {strides = array<i32>} : memref<128x64xf32, #tpu.memory_space<vmem>>, vector<16xf32>,
      tpu.vector_store_idx %arg9[%and3A_30, %and3A_36, %add3A_436], %get3A_445 : memref<2x8x129xf32, #tpu.memory_space<vmem>>[vector<16xi32>, vector<16xi32>, vector<16xi32>], vector<16xf32>,
      %add3A_446 = arith.constant 0 : i32
      %add3A_447 = arith.addi %mul3A_430, %add3A_446 : i32
      %get3A_448 = arith.index_cast %add3A_447 : i32 to index
      %get3A_449 = arith.constant 32 : index
      %get3A_450 = tpu.vector_load %arg6[%get3A_448, %get3A_449] {strides = array<i32>} : memref<128x64xf32, #tpu.memory_space<vmem>>, vector<16xf32>,
      tpu.vector_store_idx %arg10[%and3A_45, %and3A_51, %add3A_436], %get3A_450 : memref<2x8x129xf32, #tpu.memory_space<vmem>>[vector<16xi32>, vector<16xi32>, vector<16xi32>], vector<16xf32>,
      %add3A_451 = arith.constant 0 : i32
      %add3A_452 = arith.addi %mul3A_430, %add3A_451 : i32
      %get3A_453 = arith.index_cast %add3A_452 : i32 to index
      %get3A_454 = arith.constant 48 : index
      %get3A_455 = tpu.vector_load %arg6[%get3A_453, %get3A_454] {strides = array<i32>} : memref<128x64xf32, #tpu.memory_space<vmem>>, vector<16xf32>,
      tpu.vector_store_idx %arg11[%and3A_60, %and3A_66, %add3A_436], %get3A_455 : memref<2x8x129xf32, #tpu.memory_space<vmem>>[vector<16xi32>, vector<16xi32>, vector<16xi32>], vector<16xf32>,
      %add3A_456 = arith.constant 1 : i32
      %add3A_457 = vector.broadcast %add3A_456 : i32 to vector<16xi32>
      %add3A_458 = arith.addi %add3A_433, %add3A_457 : vector<16xi32>
      %add3A_459 = arith.constant 1 : i32
      %add3A_460 = arith.addi %mul3A_430, %add3A_459 : i32
      %get3A_461 = arith.index_cast %add3A_460 : i32 to index
      %get3A_462 = arith.constant 0 : index
      %get3A_463 = tpu.vector_load %arg6[%get3A_461, %get3A_462] {strides = array<i32>} : memref<128x64xf32, #tpu.memory_space<vmem>>, vector<16xf32>,
      tpu.vector_store_idx %arg8[%and3A_15, %and3A_21, %add3A_458], %get3A_463 : memref<2x8x129xf32, #tpu.memory_space<vmem>>[vector<16xi32>, vector<16xi32>, vector<16xi32>], vector<16xf32>,
      %add3A_464 = arith.constant 1 : i32
      %add3A_465 = arith.addi %mul3A_430, %add3A_464 : i32
      %get3A_466 = arith.index_cast %add3A_465 : i32 to index
      %get3A_467 = arith.constant 16 : index
      %get3A_468 = tpu.vector_load %arg6[%get3A_466, %get3A_467] {strides = array<i32>} : memref<128x64xf32, #tpu.memory_space<vmem>>, vector<16xf32>,
      tpu.vector_store_idx %arg9[%and3A_30, %and3A_36, %add3A_458], %get3A_468 : memref<2x8x129xf32, #tpu.memory_space<vmem>>[vector<16xi32>, vector<16xi32>, vector<16xi32>], vector<16xf32>,
      %add3A_469 = arith.constant 1 : i32
      %add3A_470 = arith.addi %mul3A_430, %add3A_469 : i32
      %get3A_471 = arith.index_cast %add3A_470 : i32 to index
      %get3A_472 = arith.constant 32 : index
      %get3A_473 = tpu.vector_load %arg6[%get3A_471, %get3A_472] {strides = array<i32>} : memref<128x64xf32, #tpu.memory_space<vmem>>, vector<16xf32>,
      tpu.vector_store_idx %arg10[%and3A_45, %and3A_51, %add3A_458], %get3A_473 : memref<2x8x129xf32, #tpu.memory_space<vmem>>[vector<16xi32>, vector<16xi32>, vector<16xi32>], vector<16xf32>,
      %add3A_474 = arith.constant 1 : i32
      %add3A_475 = arith.addi %mul3A_430, %add3A_474 : i32
      %get3A_476 = arith.index_cast %add3A_475 : i32 to index
      %get3A_477 = arith.constant 48 : index
      %get3A_478 = tpu.vector_load %arg6[%get3A_476, %get3A_477] {strides = array<i32>} : memref<128x64xf32, #tpu.memory_space<vmem>>, vector<16xf32>,
      tpu.vector_store_idx %arg11[%and3A_60, %and3A_66, %add3A_458], %get3A_478 : memref<2x8x129xf32, #tpu.memory_space<vmem>>[vector<16xi32>, vector<16xi32>, vector<16xi32>], vector<16xf32>,
      %add3A_479 = arith.constant 2 : i32
      %add3A_480 = vector.broadcast %add3A_479 : i32 to vector<16xi32>
      %add3A_481 = arith.addi %add3A_433, %add3A_480 : vector<16xi32>
      %add3A_482 = arith.constant 2 : i32
      %add3A_483 = arith.addi %mul3A_430, %add3A_482 : i32
      %get3A_484 = arith.index_cast %add3A_483 : i32 to index
      %get3A_485 = arith.constant 0 : index
      %get3A_486 = tpu.vector_load %arg6[%get3A_484, %get3A_485] {strides = array<i32>} : memref<128x64xf32, #tpu.memory_space<vmem>>, vector<16xf32>,
      tpu.vector_store_idx %arg8[%and3A_15, %and3A_21, %add3A_481], %get3A_486 : memref<2x8x129xf32, #tpu.memory_space<vmem>>[vector<16xi32>, vector<16xi32>, vector<16xi32>], vector<16xf32>,
      %add3A_487 = arith.constant 2 : i32
      %add3A_488 = arith.addi %mul3A_430, %add3A_487 : i32
      %get3A_489 = arith.index_cast %add3A_488 : i32 to index
      %get3A_490 = arith.constant 16 : index
      %get3A_491 = tpu.vector_load %arg6[%get3A_489, %get3A_490] {strides = array<i32>} : memref<128x64xf32, #tpu.memory_space<vmem>>, vector<16xf32>,
      tpu.vector_store_idx %arg9[%and3A_30, %and3A_36, %add3A_481], %get3A_491 : memref<2x8x129xf32, #tpu.memory_space<vmem>>[vector<16xi32>, vector<16xi32>, vector<16xi32>], vector<16xf32>,
      %add3A_492 = arith.constant 2 : i32
      %add3A_493 = arith.addi %mul3A_430, %add3A_492 : i32
      %get3A_494 = arith.index_cast %add3A_493 : i32 to index
      %get3A_495 = arith.constant 32 : index
      %get3A_496 = tpu.vector_load %arg6[%get3A_494, %get3A_495] {strides = array<i32>} : memref<128x64xf32, #tpu.memory_space<vmem>>, vector<16xf32>,
      tpu.vector_store_idx %arg10[%and3A_45, %and3A_51, %add3A_481], %get3A_496 : memref<2x8x129xf32, #tpu.memory_space<vmem>>[vector<16xi32>, vector<16xi32>, vector<16xi32>], vector<16xf32>,
      %add3A_497 = arith.constant 2 : i32
      %add3A_498 = arith.addi %mul3A_430, %add3A_497 : i32
      %get3A_499 = arith.index_cast %add3A_498 : i32 to index
      %get3A_500 = arith.constant 48 : index
      %get3A_501 = tpu.vector_load %arg6[%get3A_499, %get3A_500] {strides = array<i32>} : memref<128x64xf32, #tpu.memory_space<vmem>>, vector<16xf32>,
      tpu.vector_store_idx %arg11[%and3A_60, %and3A_66, %add3A_481], %get3A_501 : memref<2x8x129xf32, #tpu.memory_space<vmem>>[vector<16xi32>, vector<16xi32>, vector<16xi32>], vector<16xf32>,
      %add3A_502 = arith.constant 3 : i32
      %add3A_503 = vector.broadcast %add3A_502 : i32 to vector<16xi32>
      %add3A_504 = arith.addi %add3A_433, %add3A_503 : vector<16xi32>
      %add3A_505 = arith.constant 3 : i32
      %add3A_506 = arith.addi %mul3A_430, %add3A_505 : i32
      %get3A_507 = arith.index_cast %add3A_506 : i32 to index
      %get3A_508 = arith.constant 0 : index
      %get3A_509 = tpu.vector_load %arg6[%get3A_507, %get3A_508] {strides = array<i32>} : memref<128x64xf32, #tpu.memory_space<vmem>>, vector<16xf32>,
      tpu.vector_store_idx %arg8[%and3A_15, %and3A_21, %add3A_504], %get3A_509 : memref<2x8x129xf32, #tpu.memory_space<vmem>>[vector<16xi32>, vector<16xi32>, vector<16xi32>], vector<16xf32>,
      %add3A_510 = arith.constant 3 : i32
      %add3A_511 = arith.addi %mul3A_430, %add3A_510 : i32
      %get3A_512 = arith.index_cast %add3A_511 : i32 to index
      %get3A_513 = arith.constant 16 : index
      %get3A_514 = tpu.vector_load %arg6[%get3A_512, %get3A_513] {strides = array<i32>} : memref<128x64xf32, #tpu.memory_space<vmem>>, vector<16xf32>,
      tpu.vector_store_idx %arg9[%and3A_30, %and3A_36, %add3A_504], %get3A_514 : memref<2x8x129xf32, #tpu.memory_space<vmem>>[vector<16xi32>, vector<16xi32>, vector<16xi32>], vector<16xf32>,
      %add3A_515 = arith.constant 3 : i32
      %add3A_516 = arith.addi %mul3A_430, %add3A_515 : i32
      %get3A_517 = arith.index_cast %add3A_516 : i32 to index
      %get3A_518 = arith.constant 32 : index
      %get3A_519 = tpu.vector_load %arg6[%get3A_517, %get3A_518] {strides = array<i32>} : memref<128x64xf32, #tpu.memory_space<vmem>>, vector<16xf32>,
      tpu.vector_store_idx %arg10[%and3A_45, %and3A_51, %add3A_504], %get3A_519 : memref<2x8x129xf32, #tpu.memory_space<vmem>>[vector<16xi32>, vector<16xi32>, vector<16xi32>], vector<16xf32>,
      %add3A_520 = arith.constant 3 : i32
      %add3A_521 = arith.addi %mul3A_430, %add3A_520 : i32
      %get3A_522 = arith.index_cast %add3A_521 : i32 to index
      %get3A_523 = arith.constant 48 : index
      %get3A_524 = tpu.vector_load %arg6[%get3A_522, %get3A_523] {strides = array<i32>} : memref<128x64xf32, #tpu.memory_space<vmem>>, vector<16xf32>,
      tpu.vector_store_idx %arg11[%and3A_60, %and3A_66, %add3A_504], %get3A_524 : memref<2x8x129xf32, #tpu.memory_space<vmem>>[vector<16xi32>, vector<16xi32>, vector<16xi32>], vector<16xf32>,
      %scan3A_525 = arith.constant 1 : i32
      %scan3A_526 = arith.addi %scan3A_428, %scan3A_525 : i32
      %mul3A_527 = arith.constant 4 : i32
      %mul3A_528 = arith.muli %scan3A_526, %mul3A_527 : i32
      %broadcast_in_dim3A_529 = arith.constant 0 : i32
      %broadcast_in_dim3A_530 = vector.broadcast %broadcast_in_dim3A_529 : i32 to vector<16xi32>
      %add3A_531 = vector.broadcast %mul3A_528 : i32 to vector<16xi32>
      %add3A_532 = arith.addi %broadcast_in_dim3A_530, %add3A_531 : vector<16xi32>
      %add3A_533 = arith.constant 0 : i32
      %add3A_534 = vector.broadcast %add3A_533 : i32 to vector<16xi32>
      %add3A_535 = arith.addi %add3A_532, %add3A_534 : vector<16xi32>
      %add3A_536 = arith.constant 0 : i32
      %add3A_537 = arith.addi %mul3A_528, %add3A_536 : i32
      %get3A_538 = arith.index_cast %add3A_537 : i32 to index
      %get3A_539 = arith.constant 0 : index
      %get3A_540 = tpu.vector_load %arg6[%get3A_538, %get3A_539] {strides = array<i32>} : memref<128x64xf32, #tpu.memory_space<vmem>>, vector<16xf32>,
      tpu.vector_store_idx %arg8[%and3A_15, %and3A_21, %add3A_535], %get3A_540 : memref<2x8x129xf32, #tpu.memory_space<vmem>>[vector<16xi32>, vector<16xi32>, vector<16xi32>], vector<16xf32>,
      %add3A_541 = arith.constant 0 : i32
      %add3A_542 = arith.addi %mul3A_528, %add3A_541 : i32
      %get3A_543 = arith.index_cast %add3A_542 : i32 to index
      %get3A_544 = arith.constant 16 : index
      %get3A_545 = tpu.vector_load %arg6[%get3A_543, %get3A_544] {strides = array<i32>} : memref<128x64xf32, #tpu.memory_space<vmem>>, vector<16xf32>,
      tpu.vector_store_idx %arg9[%and3A_30, %and3A_36, %add3A_535], %get3A_545 : memref<2x8x129xf32, #tpu.memory_space<vmem>>[vector<16xi32>, vector<16xi32>, vector<16xi32>], vector<16xf32>,
      %add3A_546 = arith.constant 0 : i32
      %add3A_547 = arith.addi %mul3A_528, %add3A_546 : i32
      %get3A_548 = arith.index_cast %add3A_547 : i32 to index
      %get3A_549 = arith.constant 32 : index
      %get3A_550 = tpu.vector_load %arg6[%get3A_548, %get3A_549] {strides = array<i32>} : memref<128x64xf32, #tpu.memory_space<vmem>>, vector<16xf32>,
      tpu.vector_store_idx %arg10[%and3A_45, %and3A_51, %add3A_535], %get3A_550 : memref<2x8x129xf32, #tpu.memory_space<vmem>>[vector<16xi32>, vector<16xi32>, vector<16xi32>], vector<16xf32>,
      %add3A_551 = arith.constant 0 : i32
      %add3A_552 = arith.addi %mul3A_528, %add3A_551 : i32
      %get3A_553 = arith.index_cast %add3A_552 : i32 to index
      %get3A_554 = arith.constant 48 : index
      %get3A_555 = tpu.vector_load %arg6[%get3A_553, %get3A_554] {strides = array<i32>} : memref<128x64xf32, #tpu.memory_space<vmem>>, vector<16xf32>,
      tpu.vector_store_idx %arg11[%and3A_60, %and3A_66, %add3A_535], %get3A_555 : memref<2x8x129xf32, #tpu.memory_space<vmem>>[vector<16xi32>, vector<16xi32>, vector<16xi32>], vector<16xf32>,
      %add3A_556 = arith.constant 1 : i32
      %add3A_557 = vector.broadcast %add3A_556 : i32 to vector<16xi32>
      %add3A_558 = arith.addi %add3A_532, %add3A_557 : vector<16xi32>
      %add3A_559 = arith.constant 1 : i32
      %add3A_560 = arith.addi %mul3A_528, %add3A_559 : i32
      %get3A_561 = arith.index_cast %add3A_560 : i32 to index
      %get3A_562 = arith.constant 0 : index
      %get3A_563 = tpu.vector_load %arg6[%get3A_561, %get3A_562] {strides = array<i32>} : memref<128x64xf32, #tpu.memory_space<vmem>>, vector<16xf32>,
      tpu.vector_store_idx %arg8[%and3A_15, %and3A_21, %add3A_558], %get3A_563 : memref<2x8x129xf32, #tpu.memory_space<vmem>>[vector<16xi32>, vector<16xi32>, vector<16xi32>], vector<16xf32>,
      %add3A_564 = arith.constant 1 : i32
      %add3A_565 = arith.addi %mul3A_528, %add3A_564 : i32
      %get3A_566 = arith.index_cast %add3A_565 : i32 to index
      %get3A_567 = arith.constant 16 : index
      %get3A_568 = tpu.vector_load %arg6[%get3A_566, %get3A_567] {strides = array<i32>} : memref<128x64xf32, #tpu.memory_space<vmem>>, vector<16xf32>,
      tpu.vector_store_idx %arg9[%and3A_30, %and3A_36, %add3A_558], %get3A_568 : memref<2x8x129xf32, #tpu.memory_space<vmem>>[vector<16xi32>, vector<16xi32>, vector<16xi32>], vector<16xf32>,
      %add3A_569 = arith.constant 1 : i32
      %add3A_570 = arith.addi %mul3A_528, %add3A_569 : i32
      %get3A_571 = arith.index_cast %add3A_570 : i32 to index
      %get3A_572 = arith.constant 32 : index
      %get3A_573 = tpu.vector_load %arg6[%get3A_571, %get3A_572] {strides = array<i32>} : memref<128x64xf32, #tpu.memory_space<vmem>>, vector<16xf32>,
      tpu.vector_store_idx %arg10[%and3A_45, %and3A_51, %add3A_558], %get3A_573 : memref<2x8x129xf32, #tpu.memory_space<vmem>>[vector<16xi32>, vector<16xi32>, vector<16xi32>], vector<16xf32>,
      %add3A_574 = arith.constant 1 : i32
      %add3A_575 = arith.addi %mul3A_528, %add3A_574 : i32
      %get3A_576 = arith.index_cast %add3A_575 : i32 to index
      %get3A_577 = arith.constant 48 : index
      %get3A_578 = tpu.vector_load %arg6[%get3A_576, %get3A_577] {strides = array<i32>} : memref<128x64xf32, #tpu.memory_space<vmem>>, vector<16xf32>,
      tpu.vector_store_idx %arg11[%and3A_60, %and3A_66, %add3A_558], %get3A_578 : memref<2x8x129xf32, #tpu.memory_space<vmem>>[vector<16xi32>, vector<16xi32>, vector<16xi32>], vector<16xf32>,
      %add3A_579 = arith.constant 2 : i32
      %add3A_580 = vector.broadcast %add3A_579 : i32 to vector<16xi32>
      %add3A_581 = arith.addi %add3A_532, %add3A_580 : vector<16xi32>
      %add3A_582 = arith.constant 2 : i32
      %add3A_583 = arith.addi %mul3A_528, %add3A_582 : i32
      %get3A_584 = arith.index_cast %add3A_583 : i32 to index
      %get3A_585 = arith.constant 0 : index
      %get3A_586 = tpu.vector_load %arg6[%get3A_584, %get3A_585] {strides = array<i32>} : memref<128x64xf32, #tpu.memory_space<vmem>>, vector<16xf32>,
      tpu.vector_store_idx %arg8[%and3A_15, %and3A_21, %add3A_581], %get3A_586 : memref<2x8x129xf32, #tpu.memory_space<vmem>>[vector<16xi32>, vector<16xi32>, vector<16xi32>], vector<16xf32>,
      %add3A_587 = arith.constant 2 : i32
      %add3A_588 = arith.addi %mul3A_528, %add3A_587 : i32
      %get3A_589 = arith.index_cast %add3A_588 : i32 to index
      %get3A_590 = arith.constant 16 : index
      %get3A_591 = tpu.vector_load %arg6[%get3A_589, %get3A_590] {strides = array<i32>} : memref<128x64xf32, #tpu.memory_space<vmem>>, vector<16xf32>,
      tpu.vector_store_idx %arg9[%and3A_30, %and3A_36, %add3A_581], %get3A_591 : memref<2x8x129xf32, #tpu.memory_space<vmem>>[vector<16xi32>, vector<16xi32>, vector<16xi32>], vector<16xf32>,
      %add3A_592 = arith.constant 2 : i32
      %add3A_593 = arith.addi %mul3A_528, %add3A_592 : i32
      %get3A_594 = arith.index_cast %add3A_593 : i32 to index
      %get3A_595 = arith.constant 32 : index
      %get3A_596 = tpu.vector_load %arg6[%get3A_594, %get3A_595] {strides = array<i32>} : memref<128x64xf32, #tpu.memory_space<vmem>>, vector<16xf32>,
      tpu.vector_store_idx %arg10[%and3A_45, %and3A_51, %add3A_581], %get3A_596 : memref<2x8x129xf32, #tpu.memory_space<vmem>>[vector<16xi32>, vector<16xi32>, vector<16xi32>], vector<16xf32>,
      %add3A_597 = arith.constant 2 : i32
      %add3A_598 = arith.addi %mul3A_528, %add3A_597 : i32
      %get3A_599 = arith.index_cast %add3A_598 : i32 to index
      %get3A_600 = arith.constant 48 : index
      %get3A_601 = tpu.vector_load %arg6[%get3A_599, %get3A_600] {strides = array<i32>} : memref<128x64xf32, #tpu.memory_space<vmem>>, vector<16xf32>,
      tpu.vector_store_idx %arg11[%and3A_60, %and3A_66, %add3A_581], %get3A_601 : memref<2x8x129xf32, #tpu.memory_space<vmem>>[vector<16xi32>, vector<16xi32>, vector<16xi32>], vector<16xf32>,
      %add3A_602 = arith.constant 3 : i32
      %add3A_603 = vector.broadcast %add3A_602 : i32 to vector<16xi32>
      %add3A_604 = arith.addi %add3A_532, %add3A_603 : vector<16xi32>
      %add3A_605 = arith.constant 3 : i32
      %add3A_606 = arith.addi %mul3A_528, %add3A_605 : i32
      %get3A_607 = arith.index_cast %add3A_606 : i32 to index
      %get3A_608 = arith.constant 0 : index
      %get3A_609 = tpu.vector_load %arg6[%get3A_607, %get3A_608] {strides = array<i32>} : memref<128x64xf32, #tpu.memory_space<vmem>>, vector<16xf32>,
      tpu.vector_store_idx %arg8[%and3A_15, %and3A_21, %add3A_604], %get3A_609 : memref<2x8x129xf32, #tpu.memory_space<vmem>>[vector<16xi32>, vector<16xi32>, vector<16xi32>], vector<16xf32>,
      %add3A_610 = arith.constant 3 : i32
      %add3A_611 = arith.addi %mul3A_528, %add3A_610 : i32
      %get3A_612 = arith.index_cast %add3A_611 : i32 to index
      %get3A_613 = arith.constant 16 : index
      %get3A_614 = tpu.vector_load %arg6[%get3A_612, %get3A_613] {strides = array<i32>} : memref<128x64xf32, #tpu.memory_space<vmem>>, vector<16xf32>,
      tpu.vector_store_idx %arg9[%and3A_30, %and3A_36, %add3A_604], %get3A_614 : memref<2x8x129xf32, #tpu.memory_space<vmem>>[vector<16xi32>, vector<16xi32>, vector<16xi32>], vector<16xf32>,
      %add3A_615 = arith.constant 3 : i32
      %add3A_616 = arith.addi %mul3A_528, %add3A_615 : i32
      %get3A_617 = arith.index_cast %add3A_616 : i32 to index
      %get3A_618 = arith.constant 32 : index
      %get3A_619 = tpu.vector_load %arg6[%get3A_617, %get3A_618] {strides = array<i32>} : memref<128x64xf32, #tpu.memory_space<vmem>>, vector<16xf32>,
      tpu.vector_store_idx %arg10[%and3A_45, %and3A_51, %add3A_604], %get3A_619 : memref<2x8x129xf32, #tpu.memory_space<vmem>>[vector<16xi32>, vector<16xi32>, vector<16xi32>], vector<16xf32>,
      %add3A_620 = arith.constant 3 : i32
      %add3A_621 = arith.addi %mul3A_528, %add3A_620 : i32
      %get3A_622 = arith.index_cast %add3A_621 : i32 to index
      %get3A_623 = arith.constant 48 : index
      %get3A_624 = tpu.vector_load %arg6[%get3A_622, %get3A_623] {strides = array<i32>} : memref<128x64xf32, #tpu.memory_space<vmem>>, vector<16xf32>,
      tpu.vector_store_idx %arg11[%and3A_60, %and3A_66, %add3A_604], %get3A_624 : memref<2x8x129xf32, #tpu.memory_space<vmem>>[vector<16xi32>, vector<16xi32>, vector<16xi32>], vector<16xf32>,
    }
    %scan3A_91 = arith.constant 32 : i32
    %dma_start3A_92 = arith.constant 0 : i32
    %dma_start3A_93 = arith.constant 0 : i32
    %dma_start3A_94 = arith.constant 0 : i32
    %dma_start3A_95 = arith.constant 0 : i32
    %dma_start3A_96 = tpu.memref_slice %arg8[%dma_start3A_93, %dma_start3A_94, %dma_start3A_95] : memref<2x8x129xf32, #tpu.memory_space<vmem>> -> memref<2x8x128xf32, #tpu.memory_space<vmem>>
    %dma_start3A_97 = arith.constant 0 : i32
    %dma_start3A_98 = arith.constant 0 : i32
    %dma_start3A_99 = arith.constant 0 : i32
    %dma_start3A_100 = tpu.memref_slice %arg4[%dma_start3A_92, %dma_start3A_97, %add3A, %dma_start3A_98, %dma_start3A_99] : memref<200x8x32x8x128xf32, #tpu.memory_space<hbm>> -> memref<1x2x1x8x128xf32, #tpu.memory_space<hbm>>
    %dma_start3A_101 = tpu.memref_squeeze %dma_start3A_100 : memref<1x2x1x8x128xf32, #tpu.memory_space<hbm>> -> memref<2x8x128xf32, #tpu.memory_space<hbm>>
    %dma_start3A_102 = arith.constant 0 : i32
    %dma_start3A_103 = arith.constant 0 : i32
    %dma_start3A_104 = arith.constant 0 : i32
    %dma_start3A_105 = tpu.memref_slice %arg4[%dma_start3A_92, %dma_start3A_102, %add3A, %dma_start3A_103, %dma_start3A_104] : memref<200x8x32x8x128xf32, #tpu.memory_space<hbm>> -> memref<1x2x1x8x128xf32, #tpu.memory_space<hbm>>
    %dma_start3A_106 = tpu.memref_squeeze %dma_start3A_105 : memref<1x2x1x8x128xf32, #tpu.memory_space<hbm>> -> memref<2x8x128xf32, #tpu.memory_space<hbm>>
    %dma_start3A_107 = arith.constant 0 : i32
    %dma_start3A_108 = arith.constant 0 : i32
    %dma_start3A_109 = arith.constant 0 : i32
    %dma_start3A_110 = tpu.memref_slice %arg8[%dma_start3A_107, %dma_start3A_108, %dma_start3A_109] : memref<2x8x129xf32, #tpu.memory_space<vmem>> -> memref<2x8x128xf32, #tpu.memory_space<vmem>>
    tpu.enqueue_dma source(%dma_start3A_110 : memref<2x8x128xf32, #tpu.memory_space<vmem>>) target(%dma_start3A_106 : memref<2x8x128xf32, #tpu.memory_space<hbm>>) target_semaphore(%arg19 : memref<!tpu.dma_semaphore, #tpu.memory_space<semaphore_mem>>)
    %dma_start3A_111 = arith.constant 0 : i32
    %dma_start3A_112 = arith.constant 0 : i32
    %dma_start3A_113 = arith.constant 0 : i32
    %dma_start3A_114 = arith.constant 0 : i32
    %dma_start3A_115 = tpu.memref_slice %arg9[%dma_start3A_112, %dma_start3A_113, %dma_start3A_114] : memref<2x8x129xf32, #tpu.memory_space<vmem>> -> memref<2x8x128xf32, #tpu.memory_space<vmem>>
    %dma_start3A_116 = arith.constant 2 : i32
    %dma_start3A_117 = arith.constant 0 : i32
    %dma_start3A_118 = arith.constant 0 : i32
    %dma_start3A_119 = tpu.memref_slice %arg4[%dma_start3A_111, %dma_start3A_116, %add3A, %dma_start3A_117, %dma_start3A_118] : memref<200x8x32x8x128xf32, #tpu.memory_space<hbm>> -> memref<1x2x1x8x128xf32, #tpu.memory_space<hbm>>
    %dma_start3A_120 = tpu.memref_squeeze %dma_start3A_119 : memref<1x2x1x8x128xf32, #tpu.memory_space<hbm>> -> memref<2x8x128xf32, #tpu.memory_space<hbm>>
    %dma_start3A_121 = arith.constant 2 : i32
    %dma_start3A_122 = arith.constant 0 : i32
    %dma_start3A_123 = arith.constant 0 : i32
    %dma_start3A_124 = tpu.memref_slice %arg4[%dma_start3A_111, %dma_start3A_121, %add3A, %dma_start3A_122, %dma_start3A_123] : memref<200x8x32x8x128xf32, #tpu.memory_space<hbm>> -> memref<1x2x1x8x128xf32, #tpu.memory_space<hbm>>
    %dma_start3A_125 = tpu.memref_squeeze %dma_start3A_124 : memref<1x2x1x8x128xf32, #tpu.memory_space<hbm>> -> memref<2x8x128xf32, #tpu.memory_space<hbm>>
    %dma_start3A_126 = arith.constant 0 : i32
    %dma_start3A_127 = arith.constant 0 : i32
    %dma_start3A_128 = arith.constant 0 : i32
    %dma_start3A_129 = tpu.memref_slice %arg9[%dma_start3A_126, %dma_start3A_127, %dma_start3A_128] : memref<2x8x129xf32, #tpu.memory_space<vmem>> -> memref<2x8x128xf32, #tpu.memory_space<vmem>>
    tpu.enqueue_dma source(%dma_start3A_129 : memref<2x8x128xf32, #tpu.memory_space<vmem>>) target(%dma_start3A_125 : memref<2x8x128xf32, #tpu.memory_space<hbm>>) target_semaphore(%arg19 : memref<!tpu.dma_semaphore, #tpu.memory_space<semaphore_mem>>)
    %dma_start3A_130 = arith.constant 0 : i32
    %dma_start3A_131 = arith.constant 0 : i32
    %dma_start3A_132 = arith.constant 0 : i32
    %dma_start3A_133 = arith.constant 0 : i32
    %dma_start3A_134 = tpu.memref_slice %arg10[%dma_start3A_131, %dma_start3A_132, %dma_start3A_133] : memref<2x8x129xf32, #tpu.memory_space<vmem>> -> memref<2x8x128xf32, #tpu.memory_space<vmem>>
    %dma_start3A_135 = arith.constant 4 : i32
    %dma_start3A_136 = arith.constant 0 : i32
    %dma_start3A_137 = arith.constant 0 : i32
    %dma_start3A_138 = tpu.memref_slice %arg4[%dma_start3A_130, %dma_start3A_135, %add3A, %dma_start3A_136, %dma_start3A_137] : memref<200x8x32x8x128xf32, #tpu.memory_space<hbm>> -> memref<1x2x1x8x128xf32, #tpu.memory_space<hbm>>
    %dma_start3A_139 = tpu.memref_squeeze %dma_start3A_138 : memref<1x2x1x8x128xf32, #tpu.memory_space<hbm>> -> memref<2x8x128xf32, #tpu.memory_space<hbm>>
    %dma_start3A_140 = arith.constant 4 : i32
    %dma_start3A_141 = arith.constant 0 : i32
    %dma_start3A_142 = arith.constant 0 : i32
    %dma_start3A_143 = tpu.memref_slice %arg4[%dma_start3A_130, %dma_start3A_140, %add3A, %dma_start3A_141, %dma_start3A_142] : memref<200x8x32x8x128xf32, #tpu.memory_space<hbm>> -> memref<1x2x1x8x128xf32, #tpu.memory_space<hbm>>
    %dma_start3A_144 = tpu.memref_squeeze %dma_start3A_143 : memref<1x2x1x8x128xf32, #tpu.memory_space<hbm>> -> memref<2x8x128xf32, #tpu.memory_space<hbm>>
    %dma_start3A_145 = arith.constant 0 : i32
    %dma_start3A_146 = arith.constant 0 : i32
    %dma_start3A_147 = arith.constant 0 : i32
    %dma_start3A_148 = tpu.memref_slice %arg10[%dma_start3A_145, %dma_start3A_146, %dma_start3A_147] : memref<2x8x129xf32, #tpu.memory_space<vmem>> -> memref<2x8x128xf32, #tpu.memory_space<vmem>>
    tpu.enqueue_dma source(%dma_start3A_148 : memref<2x8x128xf32, #tpu.memory_space<vmem>>) target(%dma_start3A_144 : memref<2x8x128xf32, #tpu.memory_space<hbm>>) target_semaphore(%arg19 : memref<!tpu.dma_semaphore, #tpu.memory_space<semaphore_mem>>)
    %dma_start3A_149 = arith.constant 0 : i32
    %dma_start3A_150 = arith.constant 0 : i32
    %dma_start3A_151 = arith.constant 0 : i32
    %dma_start3A_152 = arith.constant 0 : i32
    %dma_start3A_153 = tpu.memref_slice %arg11[%dma_start3A_150, %dma_start3A_151, %dma_start3A_152] : memref<2x8x129xf32, #tpu.memory_space<vmem>> -> memref<2x8x128xf32, #tpu.memory_space<vmem>>
    %dma_start3A_154 = arith.constant 6 : i32
    %dma_start3A_155 = arith.constant 0 : i32
    %dma_start3A_156 = arith.constant 0 : i32
    %dma_start3A_157 = tpu.memref_slice %arg4[%dma_start3A_149, %dma_start3A_154, %add3A, %dma_start3A_155, %dma_start3A_156] : memref<200x8x32x8x128xf32, #tpu.memory_space<hbm>> -> memref<1x2x1x8x128xf32, #tpu.memory_space<hbm>>
    %dma_start3A_158 = tpu.memref_squeeze %dma_start3A_157 : memref<1x2x1x8x128xf32, #tpu.memory_space<hbm>> -> memref<2x8x128xf32, #tpu.memory_space<hbm>>
    %dma_start3A_159 = arith.constant 6 : i32
    %dma_start3A_160 = arith.constant 0 : i32
    %dma_start3A_161 = arith.constant 0 : i32
    %dma_start3A_162 = tpu.memref_slice %arg4[%dma_start3A_149, %dma_start3A_159, %add3A, %dma_start3A_160, %dma_start3A_161] : memref<200x8x32x8x128xf32, #tpu.memory_space<hbm>> -> memref<1x2x1x8x128xf32, #tpu.memory_space<hbm>>
    %dma_start3A_163 = tpu.memref_squeeze %dma_start3A_162 : memref<1x2x1x8x128xf32, #tpu.memory_space<hbm>> -> memref<2x8x128xf32, #tpu.memory_space<hbm>>
    %dma_start3A_164 = arith.constant 0 : i32
    %dma_start3A_165 = arith.constant 0 : i32
    %dma_start3A_166 = arith.constant 0 : i32
    %dma_start3A_167 = tpu.memref_slice %arg11[%dma_start3A_164, %dma_start3A_165, %dma_start3A_166] : memref<2x8x129xf32, #tpu.memory_space<vmem>> -> memref<2x8x128xf32, #tpu.memory_space<vmem>>
    tpu.enqueue_dma source(%dma_start3A_167 : memref<2x8x128xf32, #tpu.memory_space<vmem>>) target(%dma_start3A_163 : memref<2x8x128xf32, #tpu.memory_space<hbm>>) target_semaphore(%arg19 : memref<!tpu.dma_semaphore, #tpu.memory_space<semaphore_mem>>)
    %dma_start3A_168 = arith.constant 2 : i32
    %dma_start3A_169 = arith.constant 0 : i32
    %dma_start3A_170 = tpu.memref_slice %arg5[%dma_start3A_168, %dma_start3A_169] : memref<200x128xi32, #tpu.memory_space<vmem>> -> memref<1x128xi32, #tpu.memory_space<vmem>>
    %dma_start3A_171 = tpu.memref_squeeze %dma_start3A_170 : memref<1x128xi32, #tpu.memory_space<vmem>> -> memref<128xi32, #tpu.memory_space<vmem>>
    %dma_start3A_172 = arith.constant 0 : i32
    %dma_start3A_173 = arith.constant 0 : i32
    %dma_start3A_174 = tpu.memref_slice %arg3[%dma_start3A_172, %dma_start3A_173] : memref<1000000x64xf32, #tpu.memory_space<hbm>> -> memref<1000000x64xf32, #tpu.memory_space<hbm>>
    tpu.enqueue_indirect_dma source(%dma_start3A_174 : memref<1000000x64xf32, #tpu.memory_space<hbm>>) target(%arg6 : memref<128x64xf32, #tpu.memory_space<vmem>>) offsets(%dma_start3A_171 : memref<128xi32, #tpu.memory_space<vmem>>) semaphore(%arg17 : memref<!tpu.dma_semaphore, #tpu.memory_space<semaphore_mem>>)
    %dma_wait3A_175 = arith.constant 0 : i32
    %dma_wait3A_176 = arith.constant 0 : i32
    %dma_wait3A_177 = tpu.memref_slice %arg3[%dma_wait3A_175, %dma_wait3A_176] : memref<1000000x64xf32, #tpu.memory_space<hbm>> -> memref<128x64xf32, #tpu.memory_space<hbm>>
    %dma_wait3A_178 = arith.constant 0 : i32
    %dma_wait3A_179 = arith.constant 0 : i32
    %dma_wait3A_180 = tpu.memref_slice %arg3[%dma_wait3A_178, %dma_wait3A_179] : memref<1000000x64xf32, #tpu.memory_space<hbm>> -> memref<128x64xf32, #tpu.memory_space<hbm>>
    tpu.wait_dma2 semaphore(%arg18 : memref<!tpu.dma_semaphore, #tpu.memory_space<semaphore_mem>>) src(%dma_wait3A_180 : memref<128x64xf32, #tpu.memory_space<hbm>>) dst(%arg7 : memref<128x64xf32, #tpu.memory_space<vmem>>)
    %scan3A_181 = arith.constant 0 : i32
    %scan3A_182 = arith.constant 0 : i32
    %scan3A_183 = arith.constant 32 : i32
    %scan3A_184 = arith.addi %scan3A_182, %scan3A_183 : i32
    %scan3A_185 = arith.constant 2 : i32
    scf.for %scan3A_428 = %scan3A_182 to %scan3A_184 step %scan3A_185  : i32 {
      %mul3A_429 = arith.constant 4 : i32
      %mul3A_430 = arith.muli %scan3A_428, %mul3A_429 : i32
      %broadcast_in_dim3A = arith.constant 0 : i32
      %broadcast_in_dim3A_431 = vector.broadcast %broadcast_in_dim3A : i32 to vector<16xi32>
      %add3A_432 = vector.broadcast %mul3A_430 : i32 to vector<16xi32>
      %add3A_433 = arith.addi %broadcast_in_dim3A_431, %add3A_432 : vector<16xi32>
      %add3A_434 = arith.constant 0 : i32
      %add3A_435 = vector.broadcast %add3A_434 : i32 to vector<16xi32>
      %add3A_436 = arith.addi %add3A_433, %add3A_435 : vector<16xi32>
      %add3A_437 = arith.constant 0 : i32
      %add3A_438 = arith.addi %mul3A_430, %add3A_437 : i32
      %get3A = arith.index_cast %add3A_438 : i32 to index
      %get3A_439 = arith.constant 0 : index
      %get3A_440 = tpu.vector_load %arg7[%get3A, %get3A_439] {strides = array<i32>} : memref<128x64xf32, #tpu.memory_space<vmem>>, vector<16xf32>,
      tpu.vector_store_idx %arg12[%and3A_15, %and3A_21, %add3A_436], %get3A_440 : memref<2x8x129xf32, #tpu.memory_space<vmem>>[vector<16xi32>, vector<16xi32>, vector<16xi32>], vector<16xf32>,
      %add3A_441 = arith.constant 0 : i32
      %add3A_442 = arith.addi %mul3A_430, %add3A_441 : i32
      %get3A_443 = arith.index_cast %add3A_442 : i32 to index
      %get3A_444 = arith.constant 16 : index
      %get3A_445 = tpu.vector_load %arg7[%get3A_443, %get3A_444] {strides = array<i32>} : memref<128x64xf32, #tpu.memory_space<vmem>>, vector<16xf32>,
      tpu.vector_store_idx %arg13[%and3A_30, %and3A_36, %add3A_436], %get3A_445 : memref<2x8x129xf32, #tpu.memory_space<vmem>>[vector<16xi32>, vector<16xi32>, vector<16xi32>], vector<16xf32>,
      %add3A_446 = arith.constant 0 : i32
      %add3A_447 = arith.addi %mul3A_430, %add3A_446 : i32
      %get3A_448 = arith.index_cast %add3A_447 : i32 to index
      %get3A_449 = arith.constant 32 : index
      %get3A_450 = tpu.vector_load %arg7[%get3A_448, %get3A_449] {strides = array<i32>} : memref<128x64xf32, #tpu.memory_space<vmem>>, vector<16xf32>,
      tpu.vector_store_idx %arg14[%and3A_45, %and3A_51, %add3A_436], %get3A_450 : memref<2x8x129xf32, #tpu.memory_space<vmem>>[vector<16xi32>, vector<16xi32>, vector<16xi32>], vector<16xf32>,
      %add3A_451 = arith.constant 0 : i32
      %add3A_452 = arith.addi %mul3A_430, %add3A_451 : i32
      %get3A_453 = arith.index_cast %add3A_452 : i32 to index
      %get3A_454 = arith.constant 48 : index
      %get3A_455 = tpu.vector_load %arg7[%get3A_453, %get3A_454] {strides = array<i32>} : memref<128x64xf32, #tpu.memory_space<vmem>>, vector<16xf32>,
      tpu.vector_store_idx %arg15[%and3A_60, %and3A_66, %add3A_436], %get3A_455 : memref<2x8x129xf32, #tpu.memory_space<vmem>>[vector<16xi32>, vector<16xi32>, vector<16xi32>], vector<16xf32>,
      %add3A_456 = arith.constant 1 : i32
      %add3A_457 = vector.broadcast %add3A_456 : i32 to vector<16xi32>
      %add3A_458 = arith.addi %add3A_433, %add3A_457 : vector<16xi32>
      %add3A_459 = arith.constant 1 : i32
      %add3A_460 = arith.addi %mul3A_430, %add3A_459 : i32
      %get3A_461 = arith.index_cast %add3A_460 : i32 to index
      %get3A_462 = arith.constant 0 : index
      %get3A_463 = tpu.vector_load %arg7[%get3A_461, %get3A_462] {strides = array<i32>} : memref<128x64xf32, #tpu.memory_space<vmem>>, vector<16xf32>,
      tpu.vector_store_idx %arg12[%and3A_15, %and3A_21, %add3A_458], %get3A_463 : memref<2x8x129xf32, #tpu.memory_space<vmem>>[vector<16xi32>, vector<16xi32>, vector<16xi32>], vector<16xf32>,
      %add3A_464 = arith.constant 1 : i32
      %add3A_465 = arith.addi %mul3A_430, %add3A_464 : i32
      %get3A_466 = arith.index_cast %add3A_465 : i32 to index
      %get3A_467 = arith.constant 16 : index
      %get3A_468 = tpu.vector_load %arg7[%get3A_466, %get3A_467] {strides = array<i32>} : memref<128x64xf32, #tpu.memory_space<vmem>>, vector<16xf32>,
      tpu.vector_store_idx %arg13[%and3A_30, %and3A_36, %add3A_458], %get3A_468 : memref<2x8x129xf32, #tpu.memory_space<vmem>>[vector<16xi32>, vector<16xi32>, vector<16xi32>], vector<16xf32>,
      %add3A_469 = arith.constant 1 : i32
      %add3A_470 = arith.addi %mul3A_430, %add3A_469 : i32
      %get3A_471 = arith.index_cast %add3A_470 : i32 to index
      %get3A_472 = arith.constant 32 : index
      %get3A_473 = tpu.vector_load %arg7[%get3A_471, %get3A_472] {strides = array<i32>} : memref<128x64xf32, #tpu.memory_space<vmem>>, vector<16xf32>,
      tpu.vector_store_idx %arg14[%and3A_45, %and3A_51, %add3A_458], %get3A_473 : memref<2x8x129xf32, #tpu.memory_space<vmem>>[vector<16xi32>, vector<16xi32>, vector<16xi32>], vector<16xf32>,
      %add3A_474 = arith.constant 1 : i32
      %add3A_475 = arith.addi %mul3A_430, %add3A_474 : i32
      %get3A_476 = arith.index_cast %add3A_475 : i32 to index
      %get3A_477 = arith.constant 48 : index
      %get3A_478 = tpu.vector_load %arg7[%get3A_476, %get3A_477] {strides = array<i32>} : memref<128x64xf32, #tpu.memory_space<vmem>>, vector<16xf32>,
      tpu.vector_store_idx %arg15[%and3A_60, %and3A_66, %add3A_458], %get3A_478 : memref<2x8x129xf32, #tpu.memory_space<vmem>>[vector<16xi32>, vector<16xi32>, vector<16xi32>], vector<16xf32>,
      %add3A_479 = arith.constant 2 : i32
      %add3A_480 = vector.broadcast %add3A_479 : i32 to vector<16xi32>
      %add3A_481 = arith.addi %add3A_433, %add3A_480 : vector<16xi32>
      %add3A_482 = arith.constant 2 : i32
      %add3A_483 = arith.addi %mul3A_430, %add3A_482 : i32
      %get3A_484 = arith.index_cast %add3A_483 : i32 to index
      %get3A_485 = arith.constant 0 : index
      %get3A_486 = tpu.vector_load %arg7[%get3A_484, %get3A_485] {strides = array<i32>} : memref<128x64xf32, #tpu.memory_space<vmem>>, vector<16xf32>,
      tpu.vector_store_idx %arg12[%and3A_15, %and3A_21, %add3A_481], %get3A_486 : memref<2x8x129xf32, #tpu.memory_space<vmem>>[vector<16xi32>, vector<16xi32>, vector<16xi32>], vector<16xf32>,
      %add3A_487 = arith.constant 2 : i32
      %add3A_488 = arith.addi %mul3A_430, %add3A_487 : i32
      %get3A_489 = arith.index_cast %add3A_488 : i32 to index
      %get3A_490 = arith.constant 16 : index
      %get3A_491 = tpu.vector_load %arg7[%get3A_489, %get3A_490] {strides = array<i32>} : memref<128x64xf32, #tpu.memory_space<vmem>>, vector<16xf32>,
      tpu.vector_store_idx %arg13[%and3A_30, %and3A_36, %add3A_481], %get3A_491 : memref<2x8x129xf32, #tpu.memory_space<vmem>>[vector<16xi32>, vector<16xi32>, vector<16xi32>], vector<16xf32>,
      %add3A_492 = arith.constant 2 : i32
      %add3A_493 = arith.addi %mul3A_430, %add3A_492 : i32
      %get3A_494 = arith.index_cast %add3A_493 : i32 to index
      %get3A_495 = arith.constant 32 : index
      %get3A_496 = tpu.vector_load %arg7[%get3A_494, %get3A_495] {strides = array<i32>} : memref<128x64xf32, #tpu.memory_space<vmem>>, vector<16xf32>,
      tpu.vector_store_idx %arg14[%and3A_45, %and3A_51, %add3A_481], %get3A_496 : memref<2x8x129xf32, #tpu.memory_space<vmem>>[vector<16xi32>, vector<16xi32>, vector<16xi32>], vector<16xf32>,
      %add3A_497 = arith.constant 2 : i32
      %add3A_498 = arith.addi %mul3A_430, %add3A_497 : i32
      %get3A_499 = arith.index_cast %add3A_498 : i32 to index
      %get3A_500 = arith.constant 48 : index
      %get3A_501 = tpu.vector_load %arg7[%get3A_499, %get3A_500] {strides = array<i32>} : memref<128x64xf32, #tpu.memory_space<vmem>>, vector<16xf32>,
      tpu.vector_store_idx %arg15[%and3A_60, %and3A_66, %add3A_481], %get3A_501 : memref<2x8x129xf32, #tpu.memory_space<vmem>>[vector<16xi32>, vector<16xi32>, vector<16xi32>], vector<16xf32>,
      %add3A_502 = arith.constant 3 : i32
      %add3A_503 = vector.broadcast %add3A_502 : i32 to vector<16xi32>
      %add3A_504 = arith.addi %add3A_433, %add3A_503 : vector<16xi32>
      %add3A_505 = arith.constant 3 : i32
      %add3A_506 = arith.addi %mul3A_430, %add3A_505 : i32
      %get3A_507 = arith.index_cast %add3A_506 : i32 to index
      %get3A_508 = arith.constant 0 : index
      %get3A_509 = tpu.vector_load %arg7[%get3A_507, %get3A_508] {strides = array<i32>} : memref<128x64xf32, #tpu.memory_space<vmem>>, vector<16xf32>,
      tpu.vector_store_idx %arg12[%and3A_15, %and3A_21, %add3A_504], %get3A_509 : memref<2x8x129xf32, #tpu.memory_space<vmem>>[vector<16xi32>, vector<16xi32>, vector<16xi32>], vector<16xf32>,
      %add3A_510 = arith.constant 3 : i32
      %add3A_511 = arith.addi %mul3A_430, %add3A_510 : i32
      %get3A_512 = arith.index_cast %add3A_511 : i32 to index
      %get3A_513 = arith.constant 16 : index
      %get3A_514 = tpu.vector_load %arg7[%get3A_512, %get3A_513] {strides = array<i32>} : memref<128x64xf32, #tpu.memory_space<vmem>>, vector<16xf32>,
      tpu.vector_store_idx %arg13[%and3A_30, %and3A_36, %add3A_504], %get3A_514 : memref<2x8x129xf32, #tpu.memory_space<vmem>>[vector<16xi32>, vector<16xi32>, vector<16xi32>], vector<16xf32>,
      %add3A_515 = arith.constant 3 : i32
      %add3A_516 = arith.addi %mul3A_430, %add3A_515 : i32
      %get3A_517 = arith.index_cast %add3A_516 : i32 to index
      %get3A_518 = arith.constant 32 : index
      %get3A_519 = tpu.vector_load %arg7[%get3A_517, %get3A_518] {strides = array<i32>} : memref<128x64xf32, #tpu.memory_space<vmem>>, vector<16xf32>,
      tpu.vector_store_idx %arg14[%and3A_45, %and3A_51, %add3A_504], %get3A_519 : memref<2x8x129xf32, #tpu.memory_space<vmem>>[vector<16xi32>, vector<16xi32>, vector<16xi32>], vector<16xf32>,
      %add3A_520 = arith.constant 3 : i32
      %add3A_521 = arith.addi %mul3A_430, %add3A_520 : i32
      %get3A_522 = arith.index_cast %add3A_521 : i32 to index
      %get3A_523 = arith.constant 48 : index
      %get3A_524 = tpu.vector_load %arg7[%get3A_522, %get3A_523] {strides = array<i32>} : memref<128x64xf32, #tpu.memory_space<vmem>>, vector<16xf32>,
      tpu.vector_store_idx %arg15[%and3A_60, %and3A_66, %add3A_504], %get3A_524 : memref<2x8x129xf32, #tpu.memory_space<vmem>>[vector<16xi32>, vector<16xi32>, vector<16xi32>], vector<16xf32>,
      %scan3A_525 = arith.constant 1 : i32
      %scan3A_526 = arith.addi %scan3A_428, %scan3A_525 : i32
      %mul3A_527 = arith.constant 4 : i32
      %mul3A_528 = arith.muli %scan3A_526, %mul3A_527 : i32
      %broadcast_in_dim3A_529 = arith.constant 0 : i32
      %broadcast_in_dim3A_530 = vector.broadcast %broadcast_in_dim3A_529 : i32 to vector<16xi32>
      %add3A_531 = vector.broadcast %mul3A_528 : i32 to vector<16xi32>
      %add3A_532 = arith.addi %broadcast_in_dim3A_530, %add3A_531 : vector<16xi32>
      %add3A_533 = arith.constant 0 : i32
      %add3A_534 = vector.broadcast %add3A_533 : i32 to vector<16xi32>
      %add3A_535 = arith.addi %add3A_532, %add3A_534 : vector<16xi32>
      %add3A_536 = arith.constant 0 : i32
      %add3A_537 = arith.addi %mul3A_528, %add3A_536 : i32
      %get3A_538 = arith.index_cast %add3A_537 : i32 to index
      %get3A_539 = arith.constant 0 : index
      %get3A_540 = tpu.vector_load %arg7[%get3A_538, %get3A_539] {strides = array<i32>} : memref<128x64xf32, #tpu.memory_space<vmem>>, vector<16xf32>,
      tpu.vector_store_idx %arg12[%and3A_15, %and3A_21, %add3A_535], %get3A_540 : memref<2x8x129xf32, #tpu.memory_space<vmem>>[vector<16xi32>, vector<16xi32>, vector<16xi32>], vector<16xf32>,
      %add3A_541 = arith.constant 0 : i32
      %add3A_542 = arith.addi %mul3A_528, %add3A_541 : i32
      %get3A_543 = arith.index_cast %add3A_542 : i32 to index
      %get3A_544 = arith.constant 16 : index
      %get3A_545 = tpu.vector_load %arg7[%get3A_543, %get3A_544] {strides = array<i32>} : memref<128x64xf32, #tpu.memory_space<vmem>>, vector<16xf32>,
      tpu.vector_store_idx %arg13[%and3A_30, %and3A_36, %add3A_535], %get3A_545 : memref<2x8x129xf32, #tpu.memory_space<vmem>>[vector<16xi32>, vector<16xi32>, vector<16xi32>], vector<16xf32>,
      %add3A_546 = arith.constant 0 : i32
      %add3A_547 = arith.addi %mul3A_528, %add3A_546 : i32
      %get3A_548 = arith.index_cast %add3A_547 : i32 to index
      %get3A_549 = arith.constant 32 : index
      %get3A_550 = tpu.vector_load %arg7[%get3A_548, %get3A_549] {strides = array<i32>} : memref<128x64xf32, #tpu.memory_space<vmem>>, vector<16xf32>,
      tpu.vector_store_idx %arg14[%and3A_45, %and3A_51, %add3A_535], %get3A_550 : memref<2x8x129xf32, #tpu.memory_space<vmem>>[vector<16xi32>, vector<16xi32>, vector<16xi32>], vector<16xf32>,
      %add3A_551 = arith.constant 0 : i32
      %add3A_552 = arith.addi %mul3A_528, %add3A_551 : i32
      %get3A_553 = arith.index_cast %add3A_552 : i32 to index
      %get3A_554 = arith.constant 48 : index
      %get3A_555 = tpu.vector_load %arg7[%get3A_553, %get3A_554] {strides = array<i32>} : memref<128x64xf32, #tpu.memory_space<vmem>>, vector<16xf32>,
      tpu.vector_store_idx %arg15[%and3A_60, %and3A_66, %add3A_535], %get3A_555 : memref<2x8x129xf32, #tpu.memory_space<vmem>>[vector<16xi32>, vector<16xi32>, vector<16xi32>], vector<16xf32>,
      %add3A_556 = arith.constant 1 : i32
      %add3A_557 = vector.broadcast %add3A_556 : i32 to vector<16xi32>
      %add3A_558 = arith.addi %add3A_532, %add3A_557 : vector<16xi32>
      %add3A_559 = arith.constant 1 : i32
      %add3A_560 = arith.addi %mul3A_528, %add3A_559 : i32
      %get3A_561 = arith.index_cast %add3A_560 : i32 to index
      %get3A_562 = arith.constant 0 : index
      %get3A_563 = tpu.vector_load %arg7[%get3A_561, %get3A_562] {strides = array<i32>} : memref<128x64xf32, #tpu.memory_space<vmem>>, vector<16xf32>,
      tpu.vector_store_idx %arg12[%and3A_15, %and3A_21, %add3A_558], %get3A_563 : memref<2x8x129xf32, #tpu.memory_space<vmem>>[vector<16xi32>, vector<16xi32>, vector<16xi32>], vector<16xf32>,
      %add3A_564 = arith.constant 1 : i32
      %add3A_565 = arith.addi %mul3A_528, %add3A_564 : i32
      %get3A_566 = arith.index_cast %add3A_565 : i32 to index
      %get3A_567 = arith.constant 16 : index
      %get3A_568 = tpu.vector_load %arg7[%get3A_566, %get3A_567] {strides = array<i32>} : memref<128x64xf32, #tpu.memory_space<vmem>>, vector<16xf32>,
      tpu.vector_store_idx %arg13[%and3A_30, %and3A_36, %add3A_558], %get3A_568 : memref<2x8x129xf32, #tpu.memory_space<vmem>>[vector<16xi32>, vector<16xi32>, vector<16xi32>], vector<16xf32>,
      %add3A_569 = arith.constant 1 : i32
      %add3A_570 = arith.addi %mul3A_528, %add3A_569 : i32
      %get3A_571 = arith.index_cast %add3A_570 : i32 to index
      %get3A_572 = arith.constant 32 : index
      %get3A_573 = tpu.vector_load %arg7[%get3A_571, %get3A_572] {strides = array<i32>} : memref<128x64xf32, #tpu.memory_space<vmem>>, vector<16xf32>,
      tpu.vector_store_idx %arg14[%and3A_45, %and3A_51, %add3A_558], %get3A_573 : memref<2x8x129xf32, #tpu.memory_space<vmem>>[vector<16xi32>, vector<16xi32>, vector<16xi32>], vector<16xf32>,
      %add3A_574 = arith.constant 1 : i32
      %add3A_575 = arith.addi %mul3A_528, %add3A_574 : i32
      %get3A_576 = arith.index_cast %add3A_575 : i32 to index
      %get3A_577 = arith.constant 48 : index
      %get3A_578 = tpu.vector_load %arg7[%get3A_576, %get3A_577] {strides = array<i32>} : memref<128x64xf32, #tpu.memory_space<vmem>>, vector<16xf32>,
      tpu.vector_store_idx %arg15[%and3A_60, %and3A_66, %add3A_558], %get3A_578 : memref<2x8x129xf32, #tpu.memory_space<vmem>>[vector<16xi32>, vector<16xi32>, vector<16xi32>], vector<16xf32>,
      %add3A_579 = arith.constant 2 : i32
      %add3A_580 = vector.broadcast %add3A_579 : i32 to vector<16xi32>
      %add3A_581 = arith.addi %add3A_532, %add3A_580 : vector<16xi32>
      %add3A_582 = arith.constant 2 : i32
      %add3A_583 = arith.addi %mul3A_528, %add3A_582 : i32
      %get3A_584 = arith.index_cast %add3A_583 : i32 to index
      %get3A_585 = arith.constant 0 : index
      %get3A_586 = tpu.vector_load %arg7[%get3A_584, %get3A_585] {strides = array<i32>} : memref<128x64xf32, #tpu.memory_space<vmem>>, vector<16xf32>,
      tpu.vector_store_idx %arg12[%and3A_15, %and3A_21, %add3A_581], %get3A_586 : memref<2x8x129xf32, #tpu.memory_space<vmem>>[vector<16xi32>, vector<16xi32>, vector<16xi32>], vector<16xf32>,
      %add3A_587 = arith.constant 2 : i32
      %add3A_588 = arith.addi %mul3A_528, %add3A_587 : i32
      %get3A_589 = arith.index_cast %add3A_588 : i32 to index
      %get3A_590 = arith.constant 16 : index
      %get3A_591 = tpu.vector_load %arg7[%get3A_589, %get3A_590] {strides = array<i32>} : memref<128x64xf32, #tpu.memory_space<vmem>>, vector<16xf32>,
      tpu.vector_store_idx %arg13[%and3A_30, %and3A_36, %add3A_581], %get3A_591 : memref<2x8x129xf32, #tpu.memory_space<vmem>>[vector<16xi32>, vector<16xi32>, vector<16xi32>], vector<16xf32>,
      %add3A_592 = arith.constant 2 : i32
      %add3A_593 = arith.addi %mul3A_528, %add3A_592 : i32
      %get3A_594 = arith.index_cast %add3A_593 : i32 to index
      %get3A_595 = arith.constant 32 : index
      %get3A_596 = tpu.vector_load %arg7[%get3A_594, %get3A_595] {strides = array<i32>} : memref<128x64xf32, #tpu.memory_space<vmem>>, vector<16xf32>,
      tpu.vector_store_idx %arg14[%and3A_45, %and3A_51, %add3A_581], %get3A_596 : memref<2x8x129xf32, #tpu.memory_space<vmem>>[vector<16xi32>, vector<16xi32>, vector<16xi32>], vector<16xf32>,
      %add3A_597 = arith.constant 2 : i32
      %add3A_598 = arith.addi %mul3A_528, %add3A_597 : i32
      %get3A_599 = arith.index_cast %add3A_598 : i32 to index
      %get3A_600 = arith.constant 48 : index
      %get3A_601 = tpu.vector_load %arg7[%get3A_599, %get3A_600] {strides = array<i32>} : memref<128x64xf32, #tpu.memory_space<vmem>>, vector<16xf32>,
      tpu.vector_store_idx %arg15[%and3A_60, %and3A_66, %add3A_581], %get3A_601 : memref<2x8x129xf32, #tpu.memory_space<vmem>>[vector<16xi32>, vector<16xi32>, vector<16xi32>], vector<16xf32>,
      %add3A_602 = arith.constant 3 : i32
      %add3A_603 = vector.broadcast %add3A_602 : i32 to vector<16xi32>
      %add3A_604 = arith.addi %add3A_532, %add3A_603 : vector<16xi32>
      %add3A_605 = arith.constant 3 : i32
      %add3A_606 = arith.addi %mul3A_528, %add3A_605 : i32
      %get3A_607 = arith.index_cast %add3A_606 : i32 to index
      %get3A_608 = arith.constant 0 : index
      %get3A_609 = tpu.vector_load %arg7[%get3A_607, %get3A_608] {strides = array<i32>} : memref<128x64xf32, #tpu.memory_space<vmem>>, vector<16xf32>,
      tpu.vector_store_idx %arg12[%and3A_15, %and3A_21, %add3A_604], %get3A_609 : memref<2x8x129xf32, #tpu.memory_space<vmem>>[vector<16xi32>, vector<16xi32>, vector<16xi32>], vector<16xf32>,
      %add3A_610 = arith.constant 3 : i32
      %add3A_611 = arith.addi %mul3A_528, %add3A_610 : i32
      %get3A_612 = arith.index_cast %add3A_611 : i32 to index
      %get3A_613 = arith.constant 16 : index
      %get3A_614 = tpu.vector_load %arg7[%get3A_612, %get3A_613] {strides = array<i32>} : memref<128x64xf32, #tpu.memory_space<vmem>>, vector<16xf32>,
      tpu.vector_store_idx %arg13[%and3A_30, %and3A_36, %add3A_604], %get3A_614 : memref<2x8x129xf32, #tpu.memory_space<vmem>>[vector<16xi32>, vector<16xi32>, vector<16xi32>], vector<16xf32>,
      %add3A_615 = arith.constant 3 : i32
      %add3A_616 = arith.addi %mul3A_528, %add3A_615 : i32
      %get3A_617 = arith.index_cast %add3A_616 : i32 to index
      %get3A_618 = arith.constant 32 : index
      %get3A_619 = tpu.vector_load %arg7[%get3A_617, %get3A_618] {strides = array<i32>} : memref<128x64xf32, #tpu.memory_space<vmem>>, vector<16xf32>,
      tpu.vector_store_idx %arg14[%and3A_45, %and3A_51, %add3A_604], %get3A_619 : memref<2x8x129xf32, #tpu.memory_space<vmem>>[vector<16xi32>, vector<16xi32>, vector<16xi32>], vector<16xf32>,
      %add3A_620 = arith.constant 3 : i32
      %add3A_621 = arith.addi %mul3A_528, %add3A_620 : i32
      %get3A_622 = arith.index_cast %add3A_621 : i32 to index
      %get3A_623 = arith.constant 48 : index
      %get3A_624 = tpu.vector_load %arg7[%get3A_622, %get3A_623] {strides = array<i32>} : memref<128x64xf32, #tpu.memory_space<vmem>>, vector<16xf32>,
      tpu.vector_store_idx %arg15[%and3A_60, %and3A_66, %add3A_604], %get3A_624 : memref<2x8x129xf32, #tpu.memory_space<vmem>>[vector<16xi32>, vector<16xi32>, vector<16xi32>], vector<16xf32>,
    }
    %scan3A_186 = arith.constant 32 : i32
    %dma_start3A_187 = arith.constant 1 : i32
    %dma_start3A_188 = arith.constant 0 : i32
    %dma_start3A_189 = arith.constant 0 : i32
    %dma_start3A_190 = arith.constant 0 : i32
    %dma_start3A_191 = tpu.memref_slice %arg12[%dma_start3A_188, %dma_start3A_189, %dma_start3A_190] : memref<2x8x129xf32, #tpu.memory_space<vmem>> -> memref<2x8x128xf32, #tpu.memory_space<vmem>>
    %dma_start3A_192 = arith.constant 0 : i32
    %dma_start3A_193 = arith.constant 0 : i32
    %dma_start3A_194 = arith.constant 0 : i32
    %dma_start3A_195 = tpu.memref_slice %arg4[%dma_start3A_187, %dma_start3A_192, %add3A, %dma_start3A_193, %dma_start3A_194] : memref<200x8x32x8x128xf32, #tpu.memory_space<hbm>> -> memref<1x2x1x8x128xf32, #tpu.memory_space<hbm>>
    %dma_start3A_196 = tpu.memref_squeeze %dma_start3A_195 : memref<1x2x1x8x128xf32, #tpu.memory_space<hbm>> -> memref<2x8x128xf32, #tpu.memory_space<hbm>>
    %dma_start3A_197 = arith.constant 0 : i32
    %dma_start3A_198 = arith.constant 0 : i32
    %dma_start3A_199 = arith.constant 0 : i32
    %dma_start3A_200 = tpu.memref_slice %arg4[%dma_start3A_187, %dma_start3A_197, %add3A, %dma_start3A_198, %dma_start3A_199] : memref<200x8x32x8x128xf32, #tpu.memory_space<hbm>> -> memref<1x2x1x8x128xf32, #tpu.memory_space<hbm>>
    %dma_start3A_201 = tpu.memref_squeeze %dma_start3A_200 : memref<1x2x1x8x128xf32, #tpu.memory_space<hbm>> -> memref<2x8x128xf32, #tpu.memory_space<hbm>>
    %dma_start3A_202 = arith.constant 0 : i32
    %dma_start3A_203 = arith.constant 0 : i32
    %dma_start3A_204 = arith.constant 0 : i32
    %dma_start3A_205 = tpu.memref_slice %arg12[%dma_start3A_202, %dma_start3A_203, %dma_start3A_204] : memref<2x8x129xf32, #tpu.memory_space<vmem>> -> memref<2x8x128xf32, #tpu.memory_space<vmem>>
    tpu.enqueue_dma source(%dma_start3A_205 : memref<2x8x128xf32, #tpu.memory_space<vmem>>) target(%dma_start3A_201 : memref<2x8x128xf32, #tpu.memory_space<hbm>>) target_semaphore(%arg20 : memref<!tpu.dma_semaphore, #tpu.memory_space<semaphore_mem>>)
    %dma_start3A_206 = arith.constant 1 : i32
    %dma_start3A_207 = arith.constant 0 : i32
    %dma_start3A_208 = arith.constant 0 : i32
    %dma_start3A_209 = arith.constant 0 : i32
    %dma_start3A_210 = tpu.memref_slice %arg13[%dma_start3A_207, %dma_start3A_208, %dma_start3A_209] : memref<2x8x129xf32, #tpu.memory_space<vmem>> -> memref<2x8x128xf32, #tpu.memory_space<vmem>>
    %dma_start3A_211 = arith.constant 2 : i32
    %dma_start3A_212 = arith.constant 0 : i32
    %dma_start3A_213 = arith.constant 0 : i32
    %dma_start3A_214 = tpu.memref_slice %arg4[%dma_start3A_206, %dma_start3A_211, %add3A, %dma_start3A_212, %dma_start3A_213] : memref<200x8x32x8x128xf32, #tpu.memory_space<hbm>> -> memref<1x2x1x8x128xf32, #tpu.memory_space<hbm>>
    %dma_start3A_215 = tpu.memref_squeeze %dma_start3A_214 : memref<1x2x1x8x128xf32, #tpu.memory_space<hbm>> -> memref<2x8x128xf32, #tpu.memory_space<hbm>>
    %dma_start3A_216 = arith.constant 2 : i32
    %dma_start3A_217 = arith.constant 0 : i32
    %dma_start3A_218 = arith.constant 0 : i32
    %dma_start3A_219 = tpu.memref_slice %arg4[%dma_start3A_206, %dma_start3A_216, %add3A, %dma_start3A_217, %dma_start3A_218] : memref<200x8x32x8x128xf32, #tpu.memory_space<hbm>> -> memref<1x2x1x8x128xf32, #tpu.memory_space<hbm>>
    %dma_start3A_220 = tpu.memref_squeeze %dma_start3A_219 : memref<1x2x1x8x128xf32, #tpu.memory_space<hbm>> -> memref<2x8x128xf32, #tpu.memory_space<hbm>>
    %dma_start3A_221 = arith.constant 0 : i32
    %dma_start3A_222 = arith.constant 0 : i32
    %dma_start3A_223 = arith.constant 0 : i32
    %dma_start3A_224 = tpu.memref_slice %arg13[%dma_start3A_221, %dma_start3A_222, %dma_start3A_223] : memref<2x8x129xf32, #tpu.memory_space<vmem>> -> memref<2x8x128xf32, #tpu.memory_space<vmem>>
    tpu.enqueue_dma source(%dma_start3A_224 : memref<2x8x128xf32, #tpu.memory_space<vmem>>) target(%dma_start3A_220 : memref<2x8x128xf32, #tpu.memory_space<hbm>>) target_semaphore(%arg20 : memref<!tpu.dma_semaphore, #tpu.memory_space<semaphore_mem>>)
    %dma_start3A_225 = arith.constant 1 : i32
    %dma_start3A_226 = arith.constant 0 : i32
    %dma_start3A_227 = arith.constant 0 : i32
    %dma_start3A_228 = arith.constant 0 : i32
    %dma_start3A_229 = tpu.memref_slice %arg14[%dma_start3A_226, %dma_start3A_227, %dma_start3A_228] : memref<2x8x129xf32, #tpu.memory_space<vmem>> -> memref<2x8x128xf32, #tpu.memory_space<vmem>>
    %dma_start3A_230 = arith.constant 4 : i32
    %dma_start3A_231 = arith.constant 0 : i32
    %dma_start3A_232 = arith.constant 0 : i32
    %dma_start3A_233 = tpu.memref_slice %arg4[%dma_start3A_225, %dma_start3A_230, %add3A, %dma_start3A_231, %dma_start3A_232] : memref<200x8x32x8x128xf32, #tpu.memory_space<hbm>> -> memref<1x2x1x8x128xf32, #tpu.memory_space<hbm>>
    %dma_start3A_234 = tpu.memref_squeeze %dma_start3A_233 : memref<1x2x1x8x128xf32, #tpu.memory_space<hbm>> -> memref<2x8x128xf32, #tpu.memory_space<hbm>>
    %dma_start3A_235 = arith.constant 4 : i32
    %dma_start3A_236 = arith.constant 0 : i32
    %dma_start3A_237 = arith.constant 0 : i32
    %dma_start3A_238 = tpu.memref_slice %arg4[%dma_start3A_225, %dma_start3A_235, %add3A, %dma_start3A_236, %dma_start3A_237] : memref<200x8x32x8x128xf32, #tpu.memory_space<hbm>> -> memref<1x2x1x8x128xf32, #tpu.memory_space<hbm>>
    %dma_start3A_239 = tpu.memref_squeeze %dma_start3A_238 : memref<1x2x1x8x128xf32, #tpu.memory_space<hbm>> -> memref<2x8x128xf32, #tpu.memory_space<hbm>>
    %dma_start3A_240 = arith.constant 0 : i32
    %dma_start3A_241 = arith.constant 0 : i32
    %dma_start3A_242 = arith.constant 0 : i32
    %dma_start3A_243 = tpu.memref_slice %arg14[%dma_start3A_240, %dma_start3A_241, %dma_start3A_242] : memref<2x8x129xf32, #tpu.memory_space<vmem>> -> memref<2x8x128xf32, #tpu.memory_space<vmem>>
    tpu.enqueue_dma source(%dma_start3A_243 : memref<2x8x128xf32, #tpu.memory_space<vmem>>) target(%dma_start3A_239 : memref<2x8x128xf32, #tpu.memory_space<hbm>>) target_semaphore(%arg20 : memref<!tpu.dma_semaphore, #tpu.memory_space<semaphore_mem>>)
    %dma_start3A_244 = arith.constant 1 : i32
    %dma_start3A_245 = arith.constant 0 : i32
    %dma_start3A_246 = arith.constant 0 : i32
    %dma_start3A_247 = arith.constant 0 : i32
    %dma_start3A_248 = tpu.memref_slice %arg15[%dma_start3A_245, %dma_start3A_246, %dma_start3A_247] : memref<2x8x129xf32, #tpu.memory_space<vmem>> -> memref<2x8x128xf32, #tpu.memory_space<vmem>>
    %dma_start3A_249 = arith.constant 6 : i32
    %dma_start3A_250 = arith.constant 0 : i32
    %dma_start3A_251 = arith.constant 0 : i32
    %dma_start3A_252 = tpu.memref_slice %arg4[%dma_start3A_244, %dma_start3A_249, %add3A, %dma_start3A_250, %dma_start3A_251] : memref<200x8x32x8x128xf32, #tpu.memory_space<hbm>> -> memref<1x2x1x8x128xf32, #tpu.memory_space<hbm>>
    %dma_start3A_253 = tpu.memref_squeeze %dma_start3A_252 : memref<1x2x1x8x128xf32, #tpu.memory_space<hbm>> -> memref<2x8x128xf32, #tpu.memory_space<hbm>>
    %dma_start3A_254 = arith.constant 6 : i32
    %dma_start3A_255 = arith.constant 0 : i32
    %dma_start3A_256 = arith.constant 0 : i32
    %dma_start3A_257 = tpu.memref_slice %arg4[%dma_start3A_244, %dma_start3A_254, %add3A, %dma_start3A_255, %dma_start3A_256] : memref<200x8x32x8x128xf32, #tpu.memory_space<hbm>> -> memref<1x2x1x8x128xf32, #tpu.memory_space<hbm>>
    %dma_start3A_258 = tpu.memref_squeeze %dma_start3A_257 : memref<1x2x1x8x128xf32, #tpu.memory_space<hbm>> -> memref<2x8x128xf32, #tpu.memory_space<hbm>>
    %dma_start3A_259 = arith.constant 0 : i32
    %dma_start3A_260 = arith.constant 0 : i32
    %dma_start3A_261 = arith.constant 0 : i32
    %dma_start3A_262 = tpu.memref_slice %arg15[%dma_start3A_259, %dma_start3A_260, %dma_start3A_261] : memref<2x8x129xf32, #tpu.memory_space<vmem>> -> memref<2x8x128xf32, #tpu.memory_space<vmem>>
    tpu.enqueue_dma source(%dma_start3A_262 : memref<2x8x128xf32, #tpu.memory_space<vmem>>) target(%dma_start3A_258 : memref<2x8x128xf32, #tpu.memory_space<hbm>>) target_semaphore(%arg20 : memref<!tpu.dma_semaphore, #tpu.memory_space<semaphore_mem>>)
    %dma_start3A_263 = arith.constant 3 : i32
    %dma_start3A_264 = arith.constant 0 : i32
    %dma_start3A_265 = tpu.memref_slice %arg5[%dma_start3A_263, %dma_start3A_264] : memref<200x128xi32, #tpu.memory_space<vmem>> -> memref<1x128xi32, #tpu.memory_space<vmem>>
    %dma_start3A_266 = tpu.memref_squeeze %dma_start3A_265 : memref<1x128xi32, #tpu.memory_space<vmem>> -> memref<128xi32, #tpu.memory_space<vmem>>
    %dma_start3A_267 = arith.constant 0 : i32
    %dma_start3A_268 = arith.constant 0 : i32
    %dma_start3A_269 = tpu.memref_slice %arg3[%dma_start3A_267, %dma_start3A_268] : memref<1000000x64xf32, #tpu.memory_space<hbm>> -> memref<1000000x64xf32, #tpu.memory_space<hbm>>
    tpu.enqueue_indirect_dma source(%dma_start3A_269 : memref<1000000x64xf32, #tpu.memory_space<hbm>>) target(%arg7 : memref<128x64xf32, #tpu.memory_space<vmem>>) offsets(%dma_start3A_266 : memref<128xi32, #tpu.memory_space<vmem>>) semaphore(%arg18 : memref<!tpu.dma_semaphore, #tpu.memory_space<semaphore_mem>>)
    %scan3A_270 = arith.constant 0 : i32
    %scan3A_271 = arith.constant 1 : i32
    %scan3A_272 = arith.constant 99 : i32
    %scan3A_273 = arith.addi %scan3A_271, %scan3A_272 : i32
    %scan3A_274 = arith.constant 1 : i32
    scf.for %scan3A_428 = %scan3A_271 to %scan3A_273 step %scan3A_274  : i32 {
      %mul3A_429 = arith.constant 2 : i32
      %mul3A_430 = arith.muli %mul3A_429, %scan3A_428 : i32
      %add3A_431 = arith.constant 0 : i32
      %add3A_432 = arith.addi %mul3A_430, %add3A_431 : i32
      %dma_wait3A_433 = arith.constant 0 : i32
      %dma_wait3A_434 = arith.constant 0 : i32
      %dma_wait3A_435 = tpu.memref_slice %arg3[%dma_wait3A_433, %dma_wait3A_434] : memref<1000000x64xf32, #tpu.memory_space<hbm>> -> memref<128x64xf32, #tpu.memory_space<hbm>>
      %dma_wait3A_436 = arith.constant 0 : i32
      %dma_wait3A_437 = arith.constant 0 : i32
      %dma_wait3A_438 = tpu.memref_slice %arg3[%dma_wait3A_436, %dma_wait3A_437] : memref<1000000x64xf32, #tpu.memory_space<hbm>> -> memref<128x64xf32, #tpu.memory_space<hbm>>
      tpu.wait_dma2 semaphore(%arg17 : memref<!tpu.dma_semaphore, #tpu.memory_space<semaphore_mem>>) src(%dma_wait3A_438 : memref<128x64xf32, #tpu.memory_space<hbm>>) dst(%arg6 : memref<128x64xf32, #tpu.memory_space<vmem>>)
      %dma_wait3A_439 = arith.constant 0 : i32
      %dma_wait3A_440 = arith.constant 0 : i32
      %dma_wait3A_441 = arith.constant 0 : i32
      %dma_wait3A_442 = arith.constant 0 : i32
      %dma_wait3A_443 = tpu.memref_slice %arg8[%dma_wait3A_440, %dma_wait3A_441, %dma_wait3A_442] : memref<2x8x129xf32, #tpu.memory_space<vmem>> -> memref<2x8x128xf32, #tpu.memory_space<vmem>>
      %dma_wait3A_444 = arith.constant 0 : i32
      %dma_wait3A_445 = arith.constant 0 : i32
      %dma_wait3A_446 = arith.constant 0 : i32
      %dma_wait3A_447 = tpu.memref_slice %arg4[%dma_wait3A_439, %dma_wait3A_444, %add3A, %dma_wait3A_445, %dma_wait3A_446] : memref<200x8x32x8x128xf32, #tpu.memory_space<hbm>> -> memref<1x2x1x8x128xf32, #tpu.memory_space<hbm>>
      %dma_wait3A_448 = tpu.memref_squeeze %dma_wait3A_447 : memref<1x2x1x8x128xf32, #tpu.memory_space<hbm>> -> memref<2x8x128xf32, #tpu.memory_space<hbm>>
      %dma_wait3A_449 = arith.constant 0 : i32
      %dma_wait3A_450 = arith.constant 0 : i32
      %dma_wait3A_451 = arith.constant 0 : i32
      %dma_wait3A_452 = tpu.memref_slice %arg4[%dma_wait3A_439, %dma_wait3A_449, %add3A, %dma_wait3A_450, %dma_wait3A_451] : memref<200x8x32x8x128xf32, #tpu.memory_space<hbm>> -> memref<1x2x1x8x128xf32, #tpu.memory_space<hbm>>
      %dma_wait3A_453 = tpu.memref_squeeze %dma_wait3A_452 : memref<1x2x1x8x128xf32, #tpu.memory_space<hbm>> -> memref<2x8x128xf32, #tpu.memory_space<hbm>>
      %dma_wait3A_454 = arith.constant 0 : i32
      %dma_wait3A_455 = arith.constant 0 : i32
      %dma_wait3A_456 = arith.constant 0 : i32
      %dma_wait3A_457 = tpu.memref_slice %arg8[%dma_wait3A_454, %dma_wait3A_455, %dma_wait3A_456] : memref<2x8x129xf32, #tpu.memory_space<vmem>> -> memref<2x8x128xf32, #tpu.memory_space<vmem>>
      tpu.wait_dma2 semaphore(%arg19 : memref<!tpu.dma_semaphore, #tpu.memory_space<semaphore_mem>>) src(%dma_wait3A_457 : memref<2x8x128xf32, #tpu.memory_space<vmem>>) dst(%dma_wait3A_453 : memref<2x8x128xf32, #tpu.memory_space<hbm>>)
      %dma_wait3A_458 = arith.constant 0 : i32
      %dma_wait3A_459 = arith.constant 0 : i32
      %dma_wait3A_460 = arith.constant 0 : i32
      %dma_wait3A_461 = arith.constant 0 : i32
      %dma_wait3A_462 = tpu.memref_slice %arg9[%dma_wait3A_459, %dma_wait3A_460, %dma_wait3A_461] : memref<2x8x129xf32, #tpu.memory_space<vmem>> -> memref<2x8x128xf32, #tpu.memory_space<vmem>>
      %dma_wait3A_463 = arith.constant 2 : i32
      %dma_wait3A_464 = arith.constant 0 : i32
      %dma_wait3A_465 = arith.constant 0 : i32
      %dma_wait3A_466 = tpu.memref_slice %arg4[%dma_wait3A_458, %dma_wait3A_463, %add3A, %dma_wait3A_464, %dma_wait3A_465] : memref<200x8x32x8x128xf32, #tpu.memory_space<hbm>> -> memref<1x2x1x8x128xf32, #tpu.memory_space<hbm>>
      %dma_wait3A_467 = tpu.memref_squeeze %dma_wait3A_466 : memref<1x2x1x8x128xf32, #tpu.memory_space<hbm>> -> memref<2x8x128xf32, #tpu.memory_space<hbm>>
      %dma_wait3A_468 = arith.constant 2 : i32
      %dma_wait3A_469 = arith.constant 0 : i32
      %dma_wait3A_470 = arith.constant 0 : i32
      %dma_wait3A_471 = tpu.memref_slice %arg4[%dma_wait3A_458, %dma_wait3A_468, %add3A, %dma_wait3A_469, %dma_wait3A_470] : memref<200x8x32x8x128xf32, #tpu.memory_space<hbm>> -> memref<1x2x1x8x128xf32, #tpu.memory_space<hbm>>
      %dma_wait3A_472 = tpu.memref_squeeze %dma_wait3A_471 : memref<1x2x1x8x128xf32, #tpu.memory_space<hbm>> -> memref<2x8x128xf32, #tpu.memory_space<hbm>>
      %dma_wait3A_473 = arith.constant 0 : i32
      %dma_wait3A_474 = arith.constant 0 : i32
      %dma_wait3A_475 = arith.constant 0 : i32
      %dma_wait3A_476 = tpu.memref_slice %arg9[%dma_wait3A_473, %dma_wait3A_474, %dma_wait3A_475] : memref<2x8x129xf32, #tpu.memory_space<vmem>> -> memref<2x8x128xf32, #tpu.memory_space<vmem>>
      tpu.wait_dma2 semaphore(%arg19 : memref<!tpu.dma_semaphore, #tpu.memory_space<semaphore_mem>>) src(%dma_wait3A_476 : memref<2x8x128xf32, #tpu.memory_space<vmem>>) dst(%dma_wait3A_472 : memref<2x8x128xf32, #tpu.memory_space<hbm>>)
      %dma_wait3A_477 = arith.constant 0 : i32
      %dma_wait3A_478 = arith.constant 0 : i32
      %dma_wait3A_479 = arith.constant 0 : i32
      %dma_wait3A_480 = arith.constant 0 : i32
      %dma_wait3A_481 = tpu.memref_slice %arg10[%dma_wait3A_478, %dma_wait3A_479, %dma_wait3A_480] : memref<2x8x129xf32, #tpu.memory_space<vmem>> -> memref<2x8x128xf32, #tpu.memory_space<vmem>>
      %dma_wait3A_482 = arith.constant 4 : i32
      %dma_wait3A_483 = arith.constant 0 : i32
      %dma_wait3A_484 = arith.constant 0 : i32
      %dma_wait3A_485 = tpu.memref_slice %arg4[%dma_wait3A_477, %dma_wait3A_482, %add3A, %dma_wait3A_483, %dma_wait3A_484] : memref<200x8x32x8x128xf32, #tpu.memory_space<hbm>> -> memref<1x2x1x8x128xf32, #tpu.memory_space<hbm>>
      %dma_wait3A_486 = tpu.memref_squeeze %dma_wait3A_485 : memref<1x2x1x8x128xf32, #tpu.memory_space<hbm>> -> memref<2x8x128xf32, #tpu.memory_space<hbm>>
      %dma_wait3A_487 = arith.constant 4 : i32
      %dma_wait3A_488 = arith.constant 0 : i32
      %dma_wait3A_489 = arith.constant 0 : i32
      %dma_wait3A_490 = tpu.memref_slice %arg4[%dma_wait3A_477, %dma_wait3A_487, %add3A, %dma_wait3A_488, %dma_wait3A_489] : memref<200x8x32x8x128xf32, #tpu.memory_space<hbm>> -> memref<1x2x1x8x128xf32, #tpu.memory_space<hbm>>
      %dma_wait3A_491 = tpu.memref_squeeze %dma_wait3A_490 : memref<1x2x1x8x128xf32, #tpu.memory_space<hbm>> -> memref<2x8x128xf32, #tpu.memory_space<hbm>>
      %dma_wait3A_492 = arith.constant 0 : i32
      %dma_wait3A_493 = arith.constant 0 : i32
      %dma_wait3A_494 = arith.constant 0 : i32
      %dma_wait3A_495 = tpu.memref_slice %arg10[%dma_wait3A_492, %dma_wait3A_493, %dma_wait3A_494] : memref<2x8x129xf32, #tpu.memory_space<vmem>> -> memref<2x8x128xf32, #tpu.memory_space<vmem>>
      tpu.wait_dma2 semaphore(%arg19 : memref<!tpu.dma_semaphore, #tpu.memory_space<semaphore_mem>>) src(%dma_wait3A_495 : memref<2x8x128xf32, #tpu.memory_space<vmem>>) dst(%dma_wait3A_491 : memref<2x8x128xf32, #tpu.memory_space<hbm>>)
      %dma_wait3A_496 = arith.constant 0 : i32
      %dma_wait3A_497 = arith.constant 0 : i32
      %dma_wait3A_498 = arith.constant 0 : i32
      %dma_wait3A_499 = arith.constant 0 : i32
      %dma_wait3A_500 = tpu.memref_slice %arg11[%dma_wait3A_497, %dma_wait3A_498, %dma_wait3A_499] : memref<2x8x129xf32, #tpu.memory_space<vmem>> -> memref<2x8x128xf32, #tpu.memory_space<vmem>>
      %dma_wait3A_501 = arith.constant 6 : i32
      %dma_wait3A_502 = arith.constant 0 : i32
      %dma_wait3A_503 = arith.constant 0 : i32
      %dma_wait3A_504 = tpu.memref_slice %arg4[%dma_wait3A_496, %dma_wait3A_501, %add3A, %dma_wait3A_502, %dma_wait3A_503] : memref<200x8x32x8x128xf32, #tpu.memory_space<hbm>> -> memref<1x2x1x8x128xf32, #tpu.memory_space<hbm>>
      %dma_wait3A_505 = tpu.memref_squeeze %dma_wait3A_504 : memref<1x2x1x8x128xf32, #tpu.memory_space<hbm>> -> memref<2x8x128xf32, #tpu.memory_space<hbm>>
      %dma_wait3A_506 = arith.constant 6 : i32
      %dma_wait3A_507 = arith.constant 0 : i32
      %dma_wait3A_508 = arith.constant 0 : i32
      %dma_wait3A_509 = tpu.memref_slice %arg4[%dma_wait3A_496, %dma_wait3A_506, %add3A, %dma_wait3A_507, %dma_wait3A_508] : memref<200x8x32x8x128xf32, #tpu.memory_space<hbm>> -> memref<1x2x1x8x128xf32, #tpu.memory_space<hbm>>
      %dma_wait3A_510 = tpu.memref_squeeze %dma_wait3A_509 : memref<1x2x1x8x128xf32, #tpu.memory_space<hbm>> -> memref<2x8x128xf32, #tpu.memory_space<hbm>>
      %dma_wait3A_511 = arith.constant 0 : i32
      %dma_wait3A_512 = arith.constant 0 : i32
      %dma_wait3A_513 = arith.constant 0 : i32
      %dma_wait3A_514 = tpu.memref_slice %arg11[%dma_wait3A_511, %dma_wait3A_512, %dma_wait3A_513] : memref<2x8x129xf32, #tpu.memory_space<vmem>> -> memref<2x8x128xf32, #tpu.memory_space<vmem>>
      tpu.wait_dma2 semaphore(%arg19 : memref<!tpu.dma_semaphore, #tpu.memory_space<semaphore_mem>>) src(%dma_wait3A_514 : memref<2x8x128xf32, #tpu.memory_space<vmem>>) dst(%dma_wait3A_510 : memref<2x8x128xf32, #tpu.memory_space<hbm>>)
      %scan3A_515 = arith.constant 0 : i32
      %scan3A_516 = arith.constant 0 : i32
      %scan3A_517 = arith.constant 32 : i32
      %scan3A_518 = arith.addi %scan3A_516, %scan3A_517 : i32
      %scan3A_519 = arith.constant 2 : i32
      scf.for %scan3A_768 = %scan3A_516 to %scan3A_518 step %scan3A_519  : i32 {
        %mul3A_769 = arith.constant 4 : i32
        %mul3A_770 = arith.muli %scan3A_768, %mul3A_769 : i32
        %broadcast_in_dim3A = arith.constant 0 : i32
        %broadcast_in_dim3A_771 = vector.broadcast %broadcast_in_dim3A : i32 to vector<16xi32>
        %add3A_772 = vector.broadcast %mul3A_770 : i32 to vector<16xi32>
        %add3A_773 = arith.addi %broadcast_in_dim3A_771, %add3A_772 : vector<16xi32>
        %add3A_774 = arith.constant 0 : i32
        %add3A_775 = vector.broadcast %add3A_774 : i32 to vector<16xi32>
        %add3A_776 = arith.addi %add3A_773, %add3A_775 : vector<16xi32>
        %add3A_777 = arith.constant 0 : i32
        %add3A_778 = arith.addi %mul3A_770, %add3A_777 : i32
        %get3A = arith.index_cast %add3A_778 : i32 to index
        %get3A_779 = arith.constant 0 : index
        %get3A_780 = tpu.vector_load %arg6[%get3A, %get3A_779] {strides = array<i32>} : memref<128x64xf32, #tpu.memory_space<vmem>>, vector<16xf32>,
        tpu.vector_store_idx %arg8[%and3A_15, %and3A_21, %add3A_776], %get3A_780 : memref<2x8x129xf32, #tpu.memory_space<vmem>>[vector<16xi32>, vector<16xi32>, vector<16xi32>], vector<16xf32>,
        %add3A_781 = arith.constant 0 : i32
        %add3A_782 = arith.addi %mul3A_770, %add3A_781 : i32
        %get3A_783 = arith.index_cast %add3A_782 : i32 to index
        %get3A_784 = arith.constant 16 : index
        %get3A_785 = tpu.vector_load %arg6[%get3A_783, %get3A_784] {strides = array<i32>} : memref<128x64xf32, #tpu.memory_space<vmem>>, vector<16xf32>,
        tpu.vector_store_idx %arg9[%and3A_30, %and3A_36, %add3A_776], %get3A_785 : memref<2x8x129xf32, #tpu.memory_space<vmem>>[vector<16xi32>, vector<16xi32>, vector<16xi32>], vector<16xf32>,
        %add3A_786 = arith.constant 0 : i32
        %add3A_787 = arith.addi %mul3A_770, %add3A_786 : i32
        %get3A_788 = arith.index_cast %add3A_787 : i32 to index
        %get3A_789 = arith.constant 32 : index
        %get3A_790 = tpu.vector_load %arg6[%get3A_788, %get3A_789] {strides = array<i32>} : memref<128x64xf32, #tpu.memory_space<vmem>>, vector<16xf32>,
        tpu.vector_store_idx %arg10[%and3A_45, %and3A_51, %add3A_776], %get3A_790 : memref<2x8x129xf32, #tpu.memory_space<vmem>>[vector<16xi32>, vector<16xi32>, vector<16xi32>], vector<16xf32>,
        %add3A_791 = arith.constant 0 : i32
        %add3A_792 = arith.addi %mul3A_770, %add3A_791 : i32
        %get3A_793 = arith.index_cast %add3A_792 : i32 to index
        %get3A_794 = arith.constant 48 : index
        %get3A_795 = tpu.vector_load %arg6[%get3A_793, %get3A_794] {strides = array<i32>} : memref<128x64xf32, #tpu.memory_space<vmem>>, vector<16xf32>,
        tpu.vector_store_idx %arg11[%and3A_60, %and3A_66, %add3A_776], %get3A_795 : memref<2x8x129xf32, #tpu.memory_space<vmem>>[vector<16xi32>, vector<16xi32>, vector<16xi32>], vector<16xf32>,
        %add3A_796 = arith.constant 1 : i32
        %add3A_797 = vector.broadcast %add3A_796 : i32 to vector<16xi32>
        %add3A_798 = arith.addi %add3A_773, %add3A_797 : vector<16xi32>
        %add3A_799 = arith.constant 1 : i32
        %add3A_800 = arith.addi %mul3A_770, %add3A_799 : i32
        %get3A_801 = arith.index_cast %add3A_800 : i32 to index
        %get3A_802 = arith.constant 0 : index
        %get3A_803 = tpu.vector_load %arg6[%get3A_801, %get3A_802] {strides = array<i32>} : memref<128x64xf32, #tpu.memory_space<vmem>>, vector<16xf32>,
        tpu.vector_store_idx %arg8[%and3A_15, %and3A_21, %add3A_798], %get3A_803 : memref<2x8x129xf32, #tpu.memory_space<vmem>>[vector<16xi32>, vector<16xi32>, vector<16xi32>], vector<16xf32>,
        %add3A_804 = arith.constant 1 : i32
        %add3A_805 = arith.addi %mul3A_770, %add3A_804 : i32
        %get3A_806 = arith.index_cast %add3A_805 : i32 to index
        %get3A_807 = arith.constant 16 : index
        %get3A_808 = tpu.vector_load %arg6[%get3A_806, %get3A_807] {strides = array<i32>} : memref<128x64xf32, #tpu.memory_space<vmem>>, vector<16xf32>,
        tpu.vector_store_idx %arg9[%and3A_30, %and3A_36, %add3A_798], %get3A_808 : memref<2x8x129xf32, #tpu.memory_space<vmem>>[vector<16xi32>, vector<16xi32>, vector<16xi32>], vector<16xf32>,
        %add3A_809 = arith.constant 1 : i32
        %add3A_810 = arith.addi %mul3A_770, %add3A_809 : i32
        %get3A_811 = arith.index_cast %add3A_810 : i32 to index
        %get3A_812 = arith.constant 32 : index
        %get3A_813 = tpu.vector_load %arg6[%get3A_811, %get3A_812] {strides = array<i32>} : memref<128x64xf32, #tpu.memory_space<vmem>>, vector<16xf32>,
        tpu.vector_store_idx %arg10[%and3A_45, %and3A_51, %add3A_798], %get3A_813 : memref<2x8x129xf32, #tpu.memory_space<vmem>>[vector<16xi32>, vector<16xi32>, vector<16xi32>], vector<16xf32>,
        %add3A_814 = arith.constant 1 : i32
        %add3A_815 = arith.addi %mul3A_770, %add3A_814 : i32
        %get3A_816 = arith.index_cast %add3A_815 : i32 to index
        %get3A_817 = arith.constant 48 : index
        %get3A_818 = tpu.vector_load %arg6[%get3A_816, %get3A_817] {strides = array<i32>} : memref<128x64xf32, #tpu.memory_space<vmem>>, vector<16xf32>,
        tpu.vector_store_idx %arg11[%and3A_60, %and3A_66, %add3A_798], %get3A_818 : memref<2x8x129xf32, #tpu.memory_space<vmem>>[vector<16xi32>, vector<16xi32>, vector<16xi32>], vector<16xf32>,
        %add3A_819 = arith.constant 2 : i32
        %add3A_820 = vector.broadcast %add3A_819 : i32 to vector<16xi32>
        %add3A_821 = arith.addi %add3A_773, %add3A_820 : vector<16xi32>
        %add3A_822 = arith.constant 2 : i32
        %add3A_823 = arith.addi %mul3A_770, %add3A_822 : i32
        %get3A_824 = arith.index_cast %add3A_823 : i32 to index
        %get3A_825 = arith.constant 0 : index
        %get3A_826 = tpu.vector_load %arg6[%get3A_824, %get3A_825] {strides = array<i32>} : memref<128x64xf32, #tpu.memory_space<vmem>>, vector<16xf32>,
        tpu.vector_store_idx %arg8[%and3A_15, %and3A_21, %add3A_821], %get3A_826 : memref<2x8x129xf32, #tpu.memory_space<vmem>>[vector<16xi32>, vector<16xi32>, vector<16xi32>], vector<16xf32>,
        %add3A_827 = arith.constant 2 : i32
        %add3A_828 = arith.addi %mul3A_770, %add3A_827 : i32
        %get3A_829 = arith.index_cast %add3A_828 : i32 to index
        %get3A_830 = arith.constant 16 : index
        %get3A_831 = tpu.vector_load %arg6[%get3A_829, %get3A_830] {strides = array<i32>} : memref<128x64xf32, #tpu.memory_space<vmem>>, vector<16xf32>,
        tpu.vector_store_idx %arg9[%and3A_30, %and3A_36, %add3A_821], %get3A_831 : memref<2x8x129xf32, #tpu.memory_space<vmem>>[vector<16xi32>, vector<16xi32>, vector<16xi32>], vector<16xf32>,
        %add3A_832 = arith.constant 2 : i32
        %add3A_833 = arith.addi %mul3A_770, %add3A_832 : i32
        %get3A_834 = arith.index_cast %add3A_833 : i32 to index
        %get3A_835 = arith.constant 32 : index
        %get3A_836 = tpu.vector_load %arg6[%get3A_834, %get3A_835] {strides = array<i32>} : memref<128x64xf32, #tpu.memory_space<vmem>>, vector<16xf32>,
        tpu.vector_store_idx %arg10[%and3A_45, %and3A_51, %add3A_821], %get3A_836 : memref<2x8x129xf32, #tpu.memory_space<vmem>>[vector<16xi32>, vector<16xi32>, vector<16xi32>], vector<16xf32>,
        %add3A_837 = arith.constant 2 : i32
        %add3A_838 = arith.addi %mul3A_770, %add3A_837 : i32
        %get3A_839 = arith.index_cast %add3A_838 : i32 to index
        %get3A_840 = arith.constant 48 : index
        %get3A_841 = tpu.vector_load %arg6[%get3A_839, %get3A_840] {strides = array<i32>} : memref<128x64xf32, #tpu.memory_space<vmem>>, vector<16xf32>,
        tpu.vector_store_idx %arg11[%and3A_60, %and3A_66, %add3A_821], %get3A_841 : memref<2x8x129xf32, #tpu.memory_space<vmem>>[vector<16xi32>, vector<16xi32>, vector<16xi32>], vector<16xf32>,
        %add3A_842 = arith.constant 3 : i32
        %add3A_843 = vector.broadcast %add3A_842 : i32 to vector<16xi32>
        %add3A_844 = arith.addi %add3A_773, %add3A_843 : vector<16xi32>
        %add3A_845 = arith.constant 3 : i32
        %add3A_846 = arith.addi %mul3A_770, %add3A_845 : i32
        %get3A_847 = arith.index_cast %add3A_846 : i32 to index
        %get3A_848 = arith.constant 0 : index
        %get3A_849 = tpu.vector_load %arg6[%get3A_847, %get3A_848] {strides = array<i32>} : memref<128x64xf32, #tpu.memory_space<vmem>>, vector<16xf32>,
        tpu.vector_store_idx %arg8[%and3A_15, %and3A_21, %add3A_844], %get3A_849 : memref<2x8x129xf32, #tpu.memory_space<vmem>>[vector<16xi32>, vector<16xi32>, vector<16xi32>], vector<16xf32>,
        %add3A_850 = arith.constant 3 : i32
        %add3A_851 = arith.addi %mul3A_770, %add3A_850 : i32
        %get3A_852 = arith.index_cast %add3A_851 : i32 to index
        %get3A_853 = arith.constant 16 : index
        %get3A_854 = tpu.vector_load %arg6[%get3A_852, %get3A_853] {strides = array<i32>} : memref<128x64xf32, #tpu.memory_space<vmem>>, vector<16xf32>,
        tpu.vector_store_idx %arg9[%and3A_30, %and3A_36, %add3A_844], %get3A_854 : memref<2x8x129xf32, #tpu.memory_space<vmem>>[vector<16xi32>, vector<16xi32>, vector<16xi32>], vector<16xf32>,
        %add3A_855 = arith.constant 3 : i32
        %add3A_856 = arith.addi %mul3A_770, %add3A_855 : i32
        %get3A_857 = arith.index_cast %add3A_856 : i32 to index
        %get3A_858 = arith.constant 32 : index
        %get3A_859 = tpu.vector_load %arg6[%get3A_857, %get3A_858] {strides = array<i32>} : memref<128x64xf32, #tpu.memory_space<vmem>>, vector<16xf32>,
        tpu.vector_store_idx %arg10[%and3A_45, %and3A_51, %add3A_844], %get3A_859 : memref<2x8x129xf32, #tpu.memory_space<vmem>>[vector<16xi32>, vector<16xi32>, vector<16xi32>], vector<16xf32>,
        %add3A_860 = arith.constant 3 : i32
        %add3A_861 = arith.addi %mul3A_770, %add3A_860 : i32
        %get3A_862 = arith.index_cast %add3A_861 : i32 to index
        %get3A_863 = arith.constant 48 : index
        %get3A_864 = tpu.vector_load %arg6[%get3A_862, %get3A_863] {strides = array<i32>} : memref<128x64xf32, #tpu.memory_space<vmem>>, vector<16xf32>,
        tpu.vector_store_idx %arg11[%and3A_60, %and3A_66, %add3A_844], %get3A_864 : memref<2x8x129xf32, #tpu.memory_space<vmem>>[vector<16xi32>, vector<16xi32>, vector<16xi32>], vector<16xf32>,
        %scan3A_865 = arith.constant 1 : i32
        %scan3A_866 = arith.addi %scan3A_768, %scan3A_865 : i32
        %mul3A_867 = arith.constant 4 : i32
        %mul3A_868 = arith.muli %scan3A_866, %mul3A_867 : i32
        %broadcast_in_dim3A_869 = arith.constant 0 : i32
        %broadcast_in_dim3A_870 = vector.broadcast %broadcast_in_dim3A_869 : i32 to vector<16xi32>
        %add3A_871 = vector.broadcast %mul3A_868 : i32 to vector<16xi32>
        %add3A_872 = arith.addi %broadcast_in_dim3A_870, %add3A_871 : vector<16xi32>
        %add3A_873 = arith.constant 0 : i32
        %add3A_874 = vector.broadcast %add3A_873 : i32 to vector<16xi32>
        %add3A_875 = arith.addi %add3A_872, %add3A_874 : vector<16xi32>
        %add3A_876 = arith.constant 0 : i32
        %add3A_877 = arith.addi %mul3A_868, %add3A_876 : i32
        %get3A_878 = arith.index_cast %add3A_877 : i32 to index
        %get3A_879 = arith.constant 0 : index
        %get3A_880 = tpu.vector_load %arg6[%get3A_878, %get3A_879] {strides = array<i32>} : memref<128x64xf32, #tpu.memory_space<vmem>>, vector<16xf32>,
        tpu.vector_store_idx %arg8[%and3A_15, %and3A_21, %add3A_875], %get3A_880 : memref<2x8x129xf32, #tpu.memory_space<vmem>>[vector<16xi32>, vector<16xi32>, vector<16xi32>], vector<16xf32>,
        %add3A_881 = arith.constant 0 : i32
        %add3A_882 = arith.addi %mul3A_868, %add3A_881 : i32
        %get3A_883 = arith.index_cast %add3A_882 : i32 to index
        %get3A_884 = arith.constant 16 : index
        %get3A_885 = tpu.vector_load %arg6[%get3A_883, %get3A_884] {strides = array<i32>} : memref<128x64xf32, #tpu.memory_space<vmem>>, vector<16xf32>,
        tpu.vector_store_idx %arg9[%and3A_30, %and3A_36, %add3A_875], %get3A_885 : memref<2x8x129xf32, #tpu.memory_space<vmem>>[vector<16xi32>, vector<16xi32>, vector<16xi32>], vector<16xf32>,
        %add3A_886 = arith.constant 0 : i32
        %add3A_887 = arith.addi %mul3A_868, %add3A_886 : i32
        %get3A_888 = arith.index_cast %add3A_887 : i32 to index
        %get3A_889 = arith.constant 32 : index
        %get3A_890 = tpu.vector_load %arg6[%get3A_888, %get3A_889] {strides = array<i32>} : memref<128x64xf32, #tpu.memory_space<vmem>>, vector<16xf32>,
        tpu.vector_store_idx %arg10[%and3A_45, %and3A_51, %add3A_875], %get3A_890 : memref<2x8x129xf32, #tpu.memory_space<vmem>>[vector<16xi32>, vector<16xi32>, vector<16xi32>], vector<16xf32>,
        %add3A_891 = arith.constant 0 : i32
        %add3A_892 = arith.addi %mul3A_868, %add3A_891 : i32
        %get3A_893 = arith.index_cast %add3A_892 : i32 to index
        %get3A_894 = arith.constant 48 : index
        %get3A_895 = tpu.vector_load %arg6[%get3A_893, %get3A_894] {strides = array<i32>} : memref<128x64xf32, #tpu.memory_space<vmem>>, vector<16xf32>,
        tpu.vector_store_idx %arg11[%and3A_60, %and3A_66, %add3A_875], %get3A_895 : memref<2x8x129xf32, #tpu.memory_space<vmem>>[vector<16xi32>, vector<16xi32>, vector<16xi32>], vector<16xf32>,
        %add3A_896 = arith.constant 1 : i32
        %add3A_897 = vector.broadcast %add3A_896 : i32 to vector<16xi32>
        %add3A_898 = arith.addi %add3A_872, %add3A_897 : vector<16xi32>
        %add3A_899 = arith.constant 1 : i32
        %add3A_900 = arith.addi %mul3A_868, %add3A_899 : i32
        %get3A_901 = arith.index_cast %add3A_900 : i32 to index
        %get3A_902 = arith.constant 0 : index
        %get3A_903 = tpu.vector_load %arg6[%get3A_901, %get3A_902] {strides = array<i32>} : memref<128x64xf32, #tpu.memory_space<vmem>>, vector<16xf32>,
        tpu.vector_store_idx %arg8[%and3A_15, %and3A_21, %add3A_898], %get3A_903 : memref<2x8x129xf32, #tpu.memory_space<vmem>>[vector<16xi32>, vector<16xi32>, vector<16xi32>], vector<16xf32>,
        %add3A_904 = arith.constant 1 : i32
        %add3A_905 = arith.addi %mul3A_868, %add3A_904 : i32
        %get3A_906 = arith.index_cast %add3A_905 : i32 to index
        %get3A_907 = arith.constant 16 : index
        %get3A_908 = tpu.vector_load %arg6[%get3A_906, %get3A_907] {strides = array<i32>} : memref<128x64xf32, #tpu.memory_space<vmem>>, vector<16xf32>,
        tpu.vector_store_idx %arg9[%and3A_30, %and3A_36, %add3A_898], %get3A_908 : memref<2x8x129xf32, #tpu.memory_space<vmem>>[vector<16xi32>, vector<16xi32>, vector<16xi32>], vector<16xf32>,
        %add3A_909 = arith.constant 1 : i32
        %add3A_910 = arith.addi %mul3A_868, %add3A_909 : i32
        %get3A_911 = arith.index_cast %add3A_910 : i32 to index
        %get3A_912 = arith.constant 32 : index
        %get3A_913 = tpu.vector_load %arg6[%get3A_911, %get3A_912] {strides = array<i32>} : memref<128x64xf32, #tpu.memory_space<vmem>>, vector<16xf32>,
        tpu.vector_store_idx %arg10[%and3A_45, %and3A_51, %add3A_898], %get3A_913 : memref<2x8x129xf32, #tpu.memory_space<vmem>>[vector<16xi32>, vector<16xi32>, vector<16xi32>], vector<16xf32>,
        %add3A_914 = arith.constant 1 : i32
        %add3A_915 = arith.addi %mul3A_868, %add3A_914 : i32
        %get3A_916 = arith.index_cast %add3A_915 : i32 to index
        %get3A_917 = arith.constant 48 : index
        %get3A_918 = tpu.vector_load %arg6[%get3A_916, %get3A_917] {strides = array<i32>} : memref<128x64xf32, #tpu.memory_space<vmem>>, vector<16xf32>,
        tpu.vector_store_idx %arg11[%and3A_60, %and3A_66, %add3A_898], %get3A_918 : memref<2x8x129xf32, #tpu.memory_space<vmem>>[vector<16xi32>, vector<16xi32>, vector<16xi32>], vector<16xf32>,
        %add3A_919 = arith.constant 2 : i32
        %add3A_920 = vector.broadcast %add3A_919 : i32 to vector<16xi32>
        %add3A_921 = arith.addi %add3A_872, %add3A_920 : vector<16xi32>
        %add3A_922 = arith.constant 2 : i32
        %add3A_923 = arith.addi %mul3A_868, %add3A_922 : i32
        %get3A_924 = arith.index_cast %add3A_923 : i32 to index
        %get3A_925 = arith.constant 0 : index
        %get3A_926 = tpu.vector_load %arg6[%get3A_924, %get3A_925] {strides = array<i32>} : memref<128x64xf32, #tpu.memory_space<vmem>>, vector<16xf32>,
        tpu.vector_store_idx %arg8[%and3A_15, %and3A_21, %add3A_921], %get3A_926 : memref<2x8x129xf32, #tpu.memory_space<vmem>>[vector<16xi32>, vector<16xi32>, vector<16xi32>], vector<16xf32>,
        %add3A_927 = arith.constant 2 : i32
        %add3A_928 = arith.addi %mul3A_868, %add3A_927 : i32
        %get3A_929 = arith.index_cast %add3A_928 : i32 to index
        %get3A_930 = arith.constant 16 : index
        %get3A_931 = tpu.vector_load %arg6[%get3A_929, %get3A_930] {strides = array<i32>} : memref<128x64xf32, #tpu.memory_space<vmem>>, vector<16xf32>,
        tpu.vector_store_idx %arg9[%and3A_30, %and3A_36, %add3A_921], %get3A_931 : memref<2x8x129xf32, #tpu.memory_space<vmem>>[vector<16xi32>, vector<16xi32>, vector<16xi32>], vector<16xf32>,
        %add3A_932 = arith.constant 2 : i32
        %add3A_933 = arith.addi %mul3A_868, %add3A_932 : i32
        %get3A_934 = arith.index_cast %add3A_933 : i32 to index
        %get3A_935 = arith.constant 32 : index
        %get3A_936 = tpu.vector_load %arg6[%get3A_934, %get3A_935] {strides = array<i32>} : memref<128x64xf32, #tpu.memory_space<vmem>>, vector<16xf32>,
        tpu.vector_store_idx %arg10[%and3A_45, %and3A_51, %add3A_921], %get3A_936 : memref<2x8x129xf32, #tpu.memory_space<vmem>>[vector<16xi32>, vector<16xi32>, vector<16xi32>], vector<16xf32>,
        %add3A_937 = arith.constant 2 : i32
        %add3A_938 = arith.addi %mul3A_868, %add3A_937 : i32
        %get3A_939 = arith.index_cast %add3A_938 : i32 to index
        %get3A_940 = arith.constant 48 : index
        %get3A_941 = tpu.vector_load %arg6[%get3A_939, %get3A_940] {strides = array<i32>} : memref<128x64xf32, #tpu.memory_space<vmem>>, vector<16xf32>,
        tpu.vector_store_idx %arg11[%and3A_60, %and3A_66, %add3A_921], %get3A_941 : memref<2x8x129xf32, #tpu.memory_space<vmem>>[vector<16xi32>, vector<16xi32>, vector<16xi32>], vector<16xf32>,
        %add3A_942 = arith.constant 3 : i32
        %add3A_943 = vector.broadcast %add3A_942 : i32 to vector<16xi32>
        %add3A_944 = arith.addi %add3A_872, %add3A_943 : vector<16xi32>
        %add3A_945 = arith.constant 3 : i32
        %add3A_946 = arith.addi %mul3A_868, %add3A_945 : i32
        %get3A_947 = arith.index_cast %add3A_946 : i32 to index
        %get3A_948 = arith.constant 0 : index
        %get3A_949 = tpu.vector_load %arg6[%get3A_947, %get3A_948] {strides = array<i32>} : memref<128x64xf32, #tpu.memory_space<vmem>>, vector<16xf32>,
        tpu.vector_store_idx %arg8[%and3A_15, %and3A_21, %add3A_944], %get3A_949 : memref<2x8x129xf32, #tpu.memory_space<vmem>>[vector<16xi32>, vector<16xi32>, vector<16xi32>], vector<16xf32>,
        %add3A_950 = arith.constant 3 : i32
        %add3A_951 = arith.addi %mul3A_868, %add3A_950 : i32
        %get3A_952 = arith.index_cast %add3A_951 : i32 to index
        %get3A_953 = arith.constant 16 : index
        %get3A_954 = tpu.vector_load %arg6[%get3A_952, %get3A_953] {strides = array<i32>} : memref<128x64xf32, #tpu.memory_space<vmem>>, vector<16xf32>,
        tpu.vector_store_idx %arg9[%and3A_30, %and3A_36, %add3A_944], %get3A_954 : memref<2x8x129xf32, #tpu.memory_space<vmem>>[vector<16xi32>, vector<16xi32>, vector<16xi32>], vector<16xf32>,
        %add3A_955 = arith.constant 3 : i32
        %add3A_956 = arith.addi %mul3A_868, %add3A_955 : i32
        %get3A_957 = arith.index_cast %add3A_956 : i32 to index
        %get3A_958 = arith.constant 32 : index
        %get3A_959 = tpu.vector_load %arg6[%get3A_957, %get3A_958] {strides = array<i32>} : memref<128x64xf32, #tpu.memory_space<vmem>>, vector<16xf32>,
        tpu.vector_store_idx %arg10[%and3A_45, %and3A_51, %add3A_944], %get3A_959 : memref<2x8x129xf32, #tpu.memory_space<vmem>>[vector<16xi32>, vector<16xi32>, vector<16xi32>], vector<16xf32>,
        %add3A_960 = arith.constant 3 : i32
        %add3A_961 = arith.addi %mul3A_868, %add3A_960 : i32
        %get3A_962 = arith.index_cast %add3A_961 : i32 to index
        %get3A_963 = arith.constant 48 : index
        %get3A_964 = tpu.vector_load %arg6[%get3A_962, %get3A_963] {strides = array<i32>} : memref<128x64xf32, #tpu.memory_space<vmem>>, vector<16xf32>,
        tpu.vector_store_idx %arg11[%and3A_60, %and3A_66, %add3A_944], %get3A_964 : memref<2x8x129xf32, #tpu.memory_space<vmem>>[vector<16xi32>, vector<16xi32>, vector<16xi32>], vector<16xf32>,
      }
      %scan3A_520 = arith.constant 32 : i32
      %dma_start3A_521 = arith.constant 0 : i32
      %dma_start3A_522 = arith.constant 0 : i32
      %dma_start3A_523 = arith.constant 0 : i32
      %dma_start3A_524 = tpu.memref_slice %arg8[%dma_start3A_521, %dma_start3A_522, %dma_start3A_523] : memref<2x8x129xf32, #tpu.memory_space<vmem>> -> memref<2x8x128xf32, #tpu.memory_space<vmem>>
      %dma_start3A_525 = arith.constant 0 : i32
      %dma_start3A_526 = arith.constant 0 : i32
      %dma_start3A_527 = arith.constant 0 : i32
      %dma_start3A_528 = tpu.memref_slice %arg4[%add3A_432, %dma_start3A_525, %add3A, %dma_start3A_526, %dma_start3A_527] : memref<200x8x32x8x128xf32, #tpu.memory_space<hbm>> -> memref<1x2x1x8x128xf32, #tpu.memory_space<hbm>>
      %dma_start3A_529 = tpu.memref_squeeze %dma_start3A_528 : memref<1x2x1x8x128xf32, #tpu.memory_space<hbm>> -> memref<2x8x128xf32, #tpu.memory_space<hbm>>
      %dma_start3A_530 = arith.constant 0 : i32
      %dma_start3A_531 = arith.constant 0 : i32
      %dma_start3A_532 = arith.constant 0 : i32
      %dma_start3A_533 = tpu.memref_slice %arg4[%add3A_432, %dma_start3A_530, %add3A, %dma_start3A_531, %dma_start3A_532] : memref<200x8x32x8x128xf32, #tpu.memory_space<hbm>> -> memref<1x2x1x8x128xf32, #tpu.memory_space<hbm>>
      %dma_start3A_534 = tpu.memref_squeeze %dma_start3A_533 : memref<1x2x1x8x128xf32, #tpu.memory_space<hbm>> -> memref<2x8x128xf32, #tpu.memory_space<hbm>>
      %dma_start3A_535 = arith.constant 0 : i32
      %dma_start3A_536 = arith.constant 0 : i32
      %dma_start3A_537 = arith.constant 0 : i32
      %dma_start3A_538 = tpu.memref_slice %arg8[%dma_start3A_535, %dma_start3A_536, %dma_start3A_537] : memref<2x8x129xf32, #tpu.memory_space<vmem>> -> memref<2x8x128xf32, #tpu.memory_space<vmem>>
      tpu.enqueue_dma source(%dma_start3A_538 : memref<2x8x128xf32, #tpu.memory_space<vmem>>) target(%dma_start3A_534 : memref<2x8x128xf32, #tpu.memory_space<hbm>>) target_semaphore(%arg19 : memref<!tpu.dma_semaphore, #tpu.memory_space<semaphore_mem>>)
      %dma_start3A_539 = arith.constant 0 : i32
      %dma_start3A_540 = arith.constant 0 : i32
      %dma_start3A_541 = arith.constant 0 : i32
      %dma_start3A_542 = tpu.memref_slice %arg9[%dma_start3A_539, %dma_start3A_540, %dma_start3A_541] : memref<2x8x129xf32, #tpu.memory_space<vmem>> -> memref<2x8x128xf32, #tpu.memory_space<vmem>>
      %dma_start3A_543 = arith.constant 2 : i32
      %dma_start3A_544 = arith.constant 0 : i32
      %dma_start3A_545 = arith.constant 0 : i32
      %dma_start3A_546 = tpu.memref_slice %arg4[%add3A_432, %dma_start3A_543, %add3A, %dma_start3A_544, %dma_start3A_545] : memref<200x8x32x8x128xf32, #tpu.memory_space<hbm>> -> memref<1x2x1x8x128xf32, #tpu.memory_space<hbm>>
      %dma_start3A_547 = tpu.memref_squeeze %dma_start3A_546 : memref<1x2x1x8x128xf32, #tpu.memory_space<hbm>> -> memref<2x8x128xf32, #tpu.memory_space<hbm>>
      %dma_start3A_548 = arith.constant 2 : i32
      %dma_start3A_549 = arith.constant 0 : i32
      %dma_start3A_550 = arith.constant 0 : i32
      %dma_start3A_551 = tpu.memref_slice %arg4[%add3A_432, %dma_start3A_548, %add3A, %dma_start3A_549, %dma_start3A_550] : memref<200x8x32x8x128xf32, #tpu.memory_space<hbm>> -> memref<1x2x1x8x128xf32, #tpu.memory_space<hbm>>
      %dma_start3A_552 = tpu.memref_squeeze %dma_start3A_551 : memref<1x2x1x8x128xf32, #tpu.memory_space<hbm>> -> memref<2x8x128xf32, #tpu.memory_space<hbm>>
      %dma_start3A_553 = arith.constant 0 : i32
      %dma_start3A_554 = arith.constant 0 : i32
      %dma_start3A_555 = arith.constant 0 : i32
      %dma_start3A_556 = tpu.memref_slice %arg9[%dma_start3A_553, %dma_start3A_554, %dma_start3A_555] : memref<2x8x129xf32, #tpu.memory_space<vmem>> -> memref<2x8x128xf32, #tpu.memory_space<vmem>>
      tpu.enqueue_dma source(%dma_start3A_556 : memref<2x8x128xf32, #tpu.memory_space<vmem>>) target(%dma_start3A_552 : memref<2x8x128xf32, #tpu.memory_space<hbm>>) target_semaphore(%arg19 : memref<!tpu.dma_semaphore, #tpu.memory_space<semaphore_mem>>)
      %dma_start3A_557 = arith.constant 0 : i32
      %dma_start3A_558 = arith.constant 0 : i32
      %dma_start3A_559 = arith.constant 0 : i32
      %dma_start3A_560 = tpu.memref_slice %arg10[%dma_start3A_557, %dma_start3A_558, %dma_start3A_559] : memref<2x8x129xf32, #tpu.memory_space<vmem>> -> memref<2x8x128xf32, #tpu.memory_space<vmem>>
      %dma_start3A_561 = arith.constant 4 : i32
      %dma_start3A_562 = arith.constant 0 : i32
      %dma_start3A_563 = arith.constant 0 : i32
      %dma_start3A_564 = tpu.memref_slice %arg4[%add3A_432, %dma_start3A_561, %add3A, %dma_start3A_562, %dma_start3A_563] : memref<200x8x32x8x128xf32, #tpu.memory_space<hbm>> -> memref<1x2x1x8x128xf32, #tpu.memory_space<hbm>>
      %dma_start3A_565 = tpu.memref_squeeze %dma_start3A_564 : memref<1x2x1x8x128xf32, #tpu.memory_space<hbm>> -> memref<2x8x128xf32, #tpu.memory_space<hbm>>
      %dma_start3A_566 = arith.constant 4 : i32
      %dma_start3A_567 = arith.constant 0 : i32
      %dma_start3A_568 = arith.constant 0 : i32
      %dma_start3A_569 = tpu.memref_slice %arg4[%add3A_432, %dma_start3A_566, %add3A, %dma_start3A_567, %dma_start3A_568] : memref<200x8x32x8x128xf32, #tpu.memory_space<hbm>> -> memref<1x2x1x8x128xf32, #tpu.memory_space<hbm>>
      %dma_start3A_570 = tpu.memref_squeeze %dma_start3A_569 : memref<1x2x1x8x128xf32, #tpu.memory_space<hbm>> -> memref<2x8x128xf32, #tpu.memory_space<hbm>>
      %dma_start3A_571 = arith.constant 0 : i32
      %dma_start3A_572 = arith.constant 0 : i32
      %dma_start3A_573 = arith.constant 0 : i32
      %dma_start3A_574 = tpu.memref_slice %arg10[%dma_start3A_571, %dma_start3A_572, %dma_start3A_573] : memref<2x8x129xf32, #tpu.memory_space<vmem>> -> memref<2x8x128xf32, #tpu.memory_space<vmem>>
      tpu.enqueue_dma source(%dma_start3A_574 : memref<2x8x128xf32, #tpu.memory_space<vmem>>) target(%dma_start3A_570 : memref<2x8x128xf32, #tpu.memory_space<hbm>>) target_semaphore(%arg19 : memref<!tpu.dma_semaphore, #tpu.memory_space<semaphore_mem>>)
      %dma_start3A_575 = arith.constant 0 : i32
      %dma_start3A_576 = arith.constant 0 : i32
      %dma_start3A_577 = arith.constant 0 : i32
      %dma_start3A_578 = tpu.memref_slice %arg11[%dma_start3A_575, %dma_start3A_576, %dma_start3A_577] : memref<2x8x129xf32, #tpu.memory_space<vmem>> -> memref<2x8x128xf32, #tpu.memory_space<vmem>>
      %dma_start3A_579 = arith.constant 6 : i32
      %dma_start3A_580 = arith.constant 0 : i32
      %dma_start3A_581 = arith.constant 0 : i32
      %dma_start3A_582 = tpu.memref_slice %arg4[%add3A_432, %dma_start3A_579, %add3A, %dma_start3A_580, %dma_start3A_581] : memref<200x8x32x8x128xf32, #tpu.memory_space<hbm>> -> memref<1x2x1x8x128xf32, #tpu.memory_space<hbm>>
      %dma_start3A_583 = tpu.memref_squeeze %dma_start3A_582 : memref<1x2x1x8x128xf32, #tpu.memory_space<hbm>> -> memref<2x8x128xf32, #tpu.memory_space<hbm>>
      %dma_start3A_584 = arith.constant 6 : i32
      %dma_start3A_585 = arith.constant 0 : i32
      %dma_start3A_586 = arith.constant 0 : i32
      %dma_start3A_587 = tpu.memref_slice %arg4[%add3A_432, %dma_start3A_584, %add3A, %dma_start3A_585, %dma_start3A_586] : memref<200x8x32x8x128xf32, #tpu.memory_space<hbm>> -> memref<1x2x1x8x128xf32, #tpu.memory_space<hbm>>
      %dma_start3A_588 = tpu.memref_squeeze %dma_start3A_587 : memref<1x2x1x8x128xf32, #tpu.memory_space<hbm>> -> memref<2x8x128xf32, #tpu.memory_space<hbm>>
      %dma_start3A_589 = arith.constant 0 : i32
      %dma_start3A_590 = arith.constant 0 : i32
      %dma_start3A_591 = arith.constant 0 : i32
      %dma_start3A_592 = tpu.memref_slice %arg11[%dma_start3A_589, %dma_start3A_590, %dma_start3A_591] : memref<2x8x129xf32, #tpu.memory_space<vmem>> -> memref<2x8x128xf32, #tpu.memory_space<vmem>>
      tpu.enqueue_dma source(%dma_start3A_592 : memref<2x8x128xf32, #tpu.memory_space<vmem>>) target(%dma_start3A_588 : memref<2x8x128xf32, #tpu.memory_space<hbm>>) target_semaphore(%arg19 : memref<!tpu.dma_semaphore, #tpu.memory_space<semaphore_mem>>)
      %add3A_593 = arith.constant 2 : i32
      %add3A_594 = arith.addi %add3A_432, %add3A_593 : i32
      %lt3A = arith.constant 200 : i32
      %lt3A_595 = arith.cmpi slt, %add3A_594, %lt3A : i32
      %convert_element_type3A = arith.extui %lt3A_595 : i1 to i32
      %cond3A = arith.constant 0 : i32
      %cond3A_596 = arith.cmpi ne, %convert_element_type3A, %cond3A : i32
      scf.if %cond3A_596 {
        %add3A_768 = arith.constant 2 : i32
        %add3A_769 = arith.addi %add3A_432, %add3A_768 : i32
        %dma_start3A_770 = arith.constant 0 : i32
        %dma_start3A_771 = tpu.memref_slice %arg5[%add3A_769, %dma_start3A_770] : memref<200x128xi32, #tpu.memory_space<vmem>> -> memref<1x128xi32, #tpu.memory_space<vmem>>
        %dma_start3A_772 = tpu.memref_squeeze %dma_start3A_771 : memref<1x128xi32, #tpu.memory_space<vmem>> -> memref<128xi32, #tpu.memory_space<vmem>>
        %dma_start3A_773 = arith.constant 0 : i32
        %dma_start3A_774 = arith.constant 0 : i32
        %dma_start3A_775 = tpu.memref_slice %arg3[%dma_start3A_773, %dma_start3A_774] : memref<1000000x64xf32, #tpu.memory_space<hbm>> -> memref<1000000x64xf32, #tpu.memory_space<hbm>>
        tpu.enqueue_indirect_dma source(%dma_start3A_775 : memref<1000000x64xf32, #tpu.memory_space<hbm>>) target(%arg6 : memref<128x64xf32, #tpu.memory_space<vmem>>) offsets(%dma_start3A_772 : memref<128xi32, #tpu.memory_space<vmem>>) semaphore(%arg17 : memref<!tpu.dma_semaphore, #tpu.memory_space<semaphore_mem>>)
      } else {
      }
      %mul3A_597 = arith.constant 2 : i32
      %mul3A_598 = arith.muli %mul3A_597, %scan3A_428 : i32
      %add3A_599 = arith.constant 1 : i32
      %add3A_600 = arith.addi %mul3A_598, %add3A_599 : i32
      %dma_wait3A_601 = arith.constant 0 : i32
      %dma_wait3A_602 = arith.constant 0 : i32
      %dma_wait3A_603 = tpu.memref_slice %arg3[%dma_wait3A_601, %dma_wait3A_602] : memref<1000000x64xf32, #tpu.memory_space<hbm>> -> memref<128x64xf32, #tpu.memory_space<hbm>>
      %dma_wait3A_604 = arith.constant 0 : i32
      %dma_wait3A_605 = arith.constant 0 : i32
      %dma_wait3A_606 = tpu.memref_slice %arg3[%dma_wait3A_604, %dma_wait3A_605] : memref<1000000x64xf32, #tpu.memory_space<hbm>> -> memref<128x64xf32, #tpu.memory_space<hbm>>
      tpu.wait_dma2 semaphore(%arg18 : memref<!tpu.dma_semaphore, #tpu.memory_space<semaphore_mem>>) src(%dma_wait3A_606 : memref<128x64xf32, #tpu.memory_space<hbm>>) dst(%arg7 : memref<128x64xf32, #tpu.memory_space<vmem>>)
      %dma_wait3A_607 = arith.constant 0 : i32
      %dma_wait3A_608 = arith.constant 0 : i32
      %dma_wait3A_609 = arith.constant 0 : i32
      %dma_wait3A_610 = arith.constant 0 : i32
      %dma_wait3A_611 = tpu.memref_slice %arg12[%dma_wait3A_608, %dma_wait3A_609, %dma_wait3A_610] : memref<2x8x129xf32, #tpu.memory_space<vmem>> -> memref<2x8x128xf32, #tpu.memory_space<vmem>>
      %dma_wait3A_612 = arith.constant 0 : i32
      %dma_wait3A_613 = arith.constant 0 : i32
      %dma_wait3A_614 = arith.constant 0 : i32
      %dma_wait3A_615 = tpu.memref_slice %arg4[%dma_wait3A_607, %dma_wait3A_612, %add3A, %dma_wait3A_613, %dma_wait3A_614] : memref<200x8x32x8x128xf32, #tpu.memory_space<hbm>> -> memref<1x2x1x8x128xf32, #tpu.memory_space<hbm>>
      %dma_wait3A_616 = tpu.memref_squeeze %dma_wait3A_615 : memref<1x2x1x8x128xf32, #tpu.memory_space<hbm>> -> memref<2x8x128xf32, #tpu.memory_space<hbm>>
      %dma_wait3A_617 = arith.constant 0 : i32
      %dma_wait3A_618 = arith.constant 0 : i32
      %dma_wait3A_619 = arith.constant 0 : i32
      %dma_wait3A_620 = tpu.memref_slice %arg4[%dma_wait3A_607, %dma_wait3A_617, %add3A, %dma_wait3A_618, %dma_wait3A_619] : memref<200x8x32x8x128xf32, #tpu.memory_space<hbm>> -> memref<1x2x1x8x128xf32, #tpu.memory_space<hbm>>
      %dma_wait3A_621 = tpu.memref_squeeze %dma_wait3A_620 : memref<1x2x1x8x128xf32, #tpu.memory_space<hbm>> -> memref<2x8x128xf32, #tpu.memory_space<hbm>>
      %dma_wait3A_622 = arith.constant 0 : i32
      %dma_wait3A_623 = arith.constant 0 : i32
      %dma_wait3A_624 = arith.constant 0 : i32
      %dma_wait3A_625 = tpu.memref_slice %arg12[%dma_wait3A_622, %dma_wait3A_623, %dma_wait3A_624] : memref<2x8x129xf32, #tpu.memory_space<vmem>> -> memref<2x8x128xf32, #tpu.memory_space<vmem>>
      tpu.wait_dma2 semaphore(%arg20 : memref<!tpu.dma_semaphore, #tpu.memory_space<semaphore_mem>>) src(%dma_wait3A_625 : memref<2x8x128xf32, #tpu.memory_space<vmem>>) dst(%dma_wait3A_621 : memref<2x8x128xf32, #tpu.memory_space<hbm>>)
      %dma_wait3A_626 = arith.constant 0 : i32
      %dma_wait3A_627 = arith.constant 0 : i32
      %dma_wait3A_628 = arith.constant 0 : i32
      %dma_wait3A_629 = arith.constant 0 : i32
      %dma_wait3A_630 = tpu.memref_slice %arg13[%dma_wait3A_627, %dma_wait3A_628, %dma_wait3A_629] : memref<2x8x129xf32, #tpu.memory_space<vmem>> -> memref<2x8x128xf32, #tpu.memory_space<vmem>>
      %dma_wait3A_631 = arith.constant 2 : i32
      %dma_wait3A_632 = arith.constant 0 : i32
      %dma_wait3A_633 = arith.constant 0 : i32
      %dma_wait3A_634 = tpu.memref_slice %arg4[%dma_wait3A_626, %dma_wait3A_631, %add3A, %dma_wait3A_632, %dma_wait3A_633] : memref<200x8x32x8x128xf32, #tpu.memory_space<hbm>> -> memref<1x2x1x8x128xf32, #tpu.memory_space<hbm>>
      %dma_wait3A_635 = tpu.memref_squeeze %dma_wait3A_634 : memref<1x2x1x8x128xf32, #tpu.memory_space<hbm>> -> memref<2x8x128xf32, #tpu.memory_space<hbm>>
      %dma_wait3A_636 = arith.constant 2 : i32
      %dma_wait3A_637 = arith.constant 0 : i32
      %dma_wait3A_638 = arith.constant 0 : i32
      %dma_wait3A_639 = tpu.memref_slice %arg4[%dma_wait3A_626, %dma_wait3A_636, %add3A, %dma_wait3A_637, %dma_wait3A_638] : memref<200x8x32x8x128xf32, #tpu.memory_space<hbm>> -> memref<1x2x1x8x128xf32, #tpu.memory_space<hbm>>
      %dma_wait3A_640 = tpu.memref_squeeze %dma_wait3A_639 : memref<1x2x1x8x128xf32, #tpu.memory_space<hbm>> -> memref<2x8x128xf32, #tpu.memory_space<hbm>>
      %dma_wait3A_641 = arith.constant 0 : i32
      %dma_wait3A_642 = arith.constant 0 : i32
      %dma_wait3A_643 = arith.constant 0 : i32
      %dma_wait3A_644 = tpu.memref_slice %arg13[%dma_wait3A_641, %dma_wait3A_642, %dma_wait3A_643] : memref<2x8x129xf32, #tpu.memory_space<vmem>> -> memref<2x8x128xf32, #tpu.memory_space<vmem>>
      tpu.wait_dma2 semaphore(%arg20 : memref<!tpu.dma_semaphore, #tpu.memory_space<semaphore_mem>>) src(%dma_wait3A_644 : memref<2x8x128xf32, #tpu.memory_space<vmem>>) dst(%dma_wait3A_640 : memref<2x8x128xf32, #tpu.memory_space<hbm>>)
      %dma_wait3A_645 = arith.constant 0 : i32
      %dma_wait3A_646 = arith.constant 0 : i32
      %dma_wait3A_647 = arith.constant 0 : i32
      %dma_wait3A_648 = arith.constant 0 : i32
      %dma_wait3A_649 = tpu.memref_slice %arg14[%dma_wait3A_646, %dma_wait3A_647, %dma_wait3A_648] : memref<2x8x129xf32, #tpu.memory_space<vmem>> -> memref<2x8x128xf32, #tpu.memory_space<vmem>>
      %dma_wait3A_650 = arith.constant 4 : i32
      %dma_wait3A_651 = arith.constant 0 : i32
      %dma_wait3A_652 = arith.constant 0 : i32
      %dma_wait3A_653 = tpu.memref_slice %arg4[%dma_wait3A_645, %dma_wait3A_650, %add3A, %dma_wait3A_651, %dma_wait3A_652] : memref<200x8x32x8x128xf32, #tpu.memory_space<hbm>> -> memref<1x2x1x8x128xf32, #tpu.memory_space<hbm>>
      %dma_wait3A_654 = tpu.memref_squeeze %dma_wait3A_653 : memref<1x2x1x8x128xf32, #tpu.memory_space<hbm>> -> memref<2x8x128xf32, #tpu.memory_space<hbm>>
      %dma_wait3A_655 = arith.constant 4 : i32
      %dma_wait3A_656 = arith.constant 0 : i32
      %dma_wait3A_657 = arith.constant 0 : i32
      %dma_wait3A_658 = tpu.memref_slice %arg4[%dma_wait3A_645, %dma_wait3A_655, %add3A, %dma_wait3A_656, %dma_wait3A_657] : memref<200x8x32x8x128xf32, #tpu.memory_space<hbm>> -> memref<1x2x1x8x128xf32, #tpu.memory_space<hbm>>
      %dma_wait3A_659 = tpu.memref_squeeze %dma_wait3A_658 : memref<1x2x1x8x128xf32, #tpu.memory_space<hbm>> -> memref<2x8x128xf32, #tpu.memory_space<hbm>>
      %dma_wait3A_660 = arith.constant 0 : i32
      %dma_wait3A_661 = arith.constant 0 : i32
      %dma_wait3A_662 = arith.constant 0 : i32
      %dma_wait3A_663 = tpu.memref_slice %arg14[%dma_wait3A_660, %dma_wait3A_661, %dma_wait3A_662] : memref<2x8x129xf32, #tpu.memory_space<vmem>> -> memref<2x8x128xf32, #tpu.memory_space<vmem>>
      tpu.wait_dma2 semaphore(%arg20 : memref<!tpu.dma_semaphore, #tpu.memory_space<semaphore_mem>>) src(%dma_wait3A_663 : memref<2x8x128xf32, #tpu.memory_space<vmem>>) dst(%dma_wait3A_659 : memref<2x8x128xf32, #tpu.memory_space<hbm>>)
      %dma_wait3A_664 = arith.constant 0 : i32
      %dma_wait3A_665 = arith.constant 0 : i32
      %dma_wait3A_666 = arith.constant 0 : i32
      %dma_wait3A_667 = arith.constant 0 : i32
      %dma_wait3A_668 = tpu.memref_slice %arg15[%dma_wait3A_665, %dma_wait3A_666, %dma_wait3A_667] : memref<2x8x129xf32, #tpu.memory_space<vmem>> -> memref<2x8x128xf32, #tpu.memory_space<vmem>>
      %dma_wait3A_669 = arith.constant 6 : i32
      %dma_wait3A_670 = arith.constant 0 : i32
      %dma_wait3A_671 = arith.constant 0 : i32
      %dma_wait3A_672 = tpu.memref_slice %arg4[%dma_wait3A_664, %dma_wait3A_669, %add3A, %dma_wait3A_670, %dma_wait3A_671] : memref<200x8x32x8x128xf32, #tpu.memory_space<hbm>> -> memref<1x2x1x8x128xf32, #tpu.memory_space<hbm>>
      %dma_wait3A_673 = tpu.memref_squeeze %dma_wait3A_672 : memref<1x2x1x8x128xf32, #tpu.memory_space<hbm>> -> memref<2x8x128xf32, #tpu.memory_space<hbm>>
      %dma_wait3A_674 = arith.constant 6 : i32
      %dma_wait3A_675 = arith.constant 0 : i32
      %dma_wait3A_676 = arith.constant 0 : i32
      %dma_wait3A_677 = tpu.memref_slice %arg4[%dma_wait3A_664, %dma_wait3A_674, %add3A, %dma_wait3A_675, %dma_wait3A_676] : memref<200x8x32x8x128xf32, #tpu.memory_space<hbm>> -> memref<1x2x1x8x128xf32, #tpu.memory_space<hbm>>
      %dma_wait3A_678 = tpu.memref_squeeze %dma_wait3A_677 : memref<1x2x1x8x128xf32, #tpu.memory_space<hbm>> -> memref<2x8x128xf32, #tpu.memory_space<hbm>>
      %dma_wait3A_679 = arith.constant 0 : i32
      %dma_wait3A_680 = arith.constant 0 : i32
      %dma_wait3A_681 = arith.constant 0 : i32
      %dma_wait3A_682 = tpu.memref_slice %arg15[%dma_wait3A_679, %dma_wait3A_680, %dma_wait3A_681] : memref<2x8x129xf32, #tpu.memory_space<vmem>> -> memref<2x8x128xf32, #tpu.memory_space<vmem>>
      tpu.wait_dma2 semaphore(%arg20 : memref<!tpu.dma_semaphore, #tpu.memory_space<semaphore_mem>>) src(%dma_wait3A_682 : memref<2x8x128xf32, #tpu.memory_space<vmem>>) dst(%dma_wait3A_678 : memref<2x8x128xf32, #tpu.memory_space<hbm>>)
      %scan3A_683 = arith.constant 0 : i32
      %scan3A_684 = arith.constant 0 : i32
      %scan3A_685 = arith.constant 32 : i32
      %scan3A_686 = arith.addi %scan3A_684, %scan3A_685 : i32
      %scan3A_687 = arith.constant 2 : i32
      scf.for %scan3A_768 = %scan3A_684 to %scan3A_686 step %scan3A_687  : i32 {
        %mul3A_769 = arith.constant 4 : i32
        %mul3A_770 = arith.muli %scan3A_768, %mul3A_769 : i32
        %broadcast_in_dim3A = arith.constant 0 : i32
        %broadcast_in_dim3A_771 = vector.broadcast %broadcast_in_dim3A : i32 to vector<16xi32>
        %add3A_772 = vector.broadcast %mul3A_770 : i32 to vector<16xi32>
        %add3A_773 = arith.addi %broadcast_in_dim3A_771, %add3A_772 : vector<16xi32>
        %add3A_774 = arith.constant 0 : i32
        %add3A_775 = vector.broadcast %add3A_774 : i32 to vector<16xi32>
        %add3A_776 = arith.addi %add3A_773, %add3A_775 : vector<16xi32>
        %add3A_777 = arith.constant 0 : i32
        %add3A_778 = arith.addi %mul3A_770, %add3A_777 : i32
        %get3A = arith.index_cast %add3A_778 : i32 to index
        %get3A_779 = arith.constant 0 : index
        %get3A_780 = tpu.vector_load %arg7[%get3A, %get3A_779] {strides = array<i32>} : memref<128x64xf32, #tpu.memory_space<vmem>>, vector<16xf32>,
        tpu.vector_store_idx %arg12[%and3A_15, %and3A_21, %add3A_776], %get3A_780 : memref<2x8x129xf32, #tpu.memory_space<vmem>>[vector<16xi32>, vector<16xi32>, vector<16xi32>], vector<16xf32>,
        %add3A_781 = arith.constant 0 : i32
        %add3A_782 = arith.addi %mul3A_770, %add3A_781 : i32
        %get3A_783 = arith.index_cast %add3A_782 : i32 to index
        %get3A_784 = arith.constant 16 : index
        %get3A_785 = tpu.vector_load %arg7[%get3A_783, %get3A_784] {strides = array<i32>} : memref<128x64xf32, #tpu.memory_space<vmem>>, vector<16xf32>,
        tpu.vector_store_idx %arg13[%and3A_30, %and3A_36, %add3A_776], %get3A_785 : memref<2x8x129xf32, #tpu.memory_space<vmem>>[vector<16xi32>, vector<16xi32>, vector<16xi32>], vector<16xf32>,
        %add3A_786 = arith.constant 0 : i32
        %add3A_787 = arith.addi %mul3A_770, %add3A_786 : i32
        %get3A_788 = arith.index_cast %add3A_787 : i32 to index
        %get3A_789 = arith.constant 32 : index
        %get3A_790 = tpu.vector_load %arg7[%get3A_788, %get3A_789] {strides = array<i32>} : memref<128x64xf32, #tpu.memory_space<vmem>>, vector<16xf32>,
        tpu.vector_store_idx %arg14[%and3A_45, %and3A_51, %add3A_776], %get3A_790 : memref<2x8x129xf32, #tpu.memory_space<vmem>>[vector<16xi32>, vector<16xi32>, vector<16xi32>], vector<16xf32>,
        %add3A_791 = arith.constant 0 : i32
        %add3A_792 = arith.addi %mul3A_770, %add3A_791 : i32
        %get3A_793 = arith.index_cast %add3A_792 : i32 to index
        %get3A_794 = arith.constant 48 : index
        %get3A_795 = tpu.vector_load %arg7[%get3A_793, %get3A_794] {strides = array<i32>} : memref<128x64xf32, #tpu.memory_space<vmem>>, vector<16xf32>,
        tpu.vector_store_idx %arg15[%and3A_60, %and3A_66, %add3A_776], %get3A_795 : memref<2x8x129xf32, #tpu.memory_space<vmem>>[vector<16xi32>, vector<16xi32>, vector<16xi32>], vector<16xf32>,
        %add3A_796 = arith.constant 1 : i32
        %add3A_797 = vector.broadcast %add3A_796 : i32 to vector<16xi32>
        %add3A_798 = arith.addi %add3A_773, %add3A_797 : vector<16xi32>
        %add3A_799 = arith.constant 1 : i32
        %add3A_800 = arith.addi %mul3A_770, %add3A_799 : i32
        %get3A_801 = arith.index_cast %add3A_800 : i32 to index
        %get3A_802 = arith.constant 0 : index
        %get3A_803 = tpu.vector_load %arg7[%get3A_801, %get3A_802] {strides = array<i32>} : memref<128x64xf32, #tpu.memory_space<vmem>>, vector<16xf32>,
        tpu.vector_store_idx %arg12[%and3A_15, %and3A_21, %add3A_798], %get3A_803 : memref<2x8x129xf32, #tpu.memory_space<vmem>>[vector<16xi32>, vector<16xi32>, vector<16xi32>], vector<16xf32>,
        %add3A_804 = arith.constant 1 : i32
        %add3A_805 = arith.addi %mul3A_770, %add3A_804 : i32
        %get3A_806 = arith.index_cast %add3A_805 : i32 to index
        %get3A_807 = arith.constant 16 : index
        %get3A_808 = tpu.vector_load %arg7[%get3A_806, %get3A_807] {strides = array<i32>} : memref<128x64xf32, #tpu.memory_space<vmem>>, vector<16xf32>,
        tpu.vector_store_idx %arg13[%and3A_30, %and3A_36, %add3A_798], %get3A_808 : memref<2x8x129xf32, #tpu.memory_space<vmem>>[vector<16xi32>, vector<16xi32>, vector<16xi32>], vector<16xf32>,
        %add3A_809 = arith.constant 1 : i32
        %add3A_810 = arith.addi %mul3A_770, %add3A_809 : i32
        %get3A_811 = arith.index_cast %add3A_810 : i32 to index
        %get3A_812 = arith.constant 32 : index
        %get3A_813 = tpu.vector_load %arg7[%get3A_811, %get3A_812] {strides = array<i32>} : memref<128x64xf32, #tpu.memory_space<vmem>>, vector<16xf32>,
        tpu.vector_store_idx %arg14[%and3A_45, %and3A_51, %add3A_798], %get3A_813 : memref<2x8x129xf32, #tpu.memory_space<vmem>>[vector<16xi32>, vector<16xi32>, vector<16xi32>], vector<16xf32>,
        %add3A_814 = arith.constant 1 : i32
        %add3A_815 = arith.addi %mul3A_770, %add3A_814 : i32
        %get3A_816 = arith.index_cast %add3A_815 : i32 to index
        %get3A_817 = arith.constant 48 : index
        %get3A_818 = tpu.vector_load %arg7[%get3A_816, %get3A_817] {strides = array<i32>} : memref<128x64xf32, #tpu.memory_space<vmem>>, vector<16xf32>,
        tpu.vector_store_idx %arg15[%and3A_60, %and3A_66, %add3A_798], %get3A_818 : memref<2x8x129xf32, #tpu.memory_space<vmem>>[vector<16xi32>, vector<16xi32>, vector<16xi32>], vector<16xf32>,
        %add3A_819 = arith.constant 2 : i32
        %add3A_820 = vector.broadcast %add3A_819 : i32 to vector<16xi32>
        %add3A_821 = arith.addi %add3A_773, %add3A_820 : vector<16xi32>
        %add3A_822 = arith.constant 2 : i32
        %add3A_823 = arith.addi %mul3A_770, %add3A_822 : i32
        %get3A_824 = arith.index_cast %add3A_823 : i32 to index
        %get3A_825 = arith.constant 0 : index
        %get3A_826 = tpu.vector_load %arg7[%get3A_824, %get3A_825] {strides = array<i32>} : memref<128x64xf32, #tpu.memory_space<vmem>>, vector<16xf32>,
        tpu.vector_store_idx %arg12[%and3A_15, %and3A_21, %add3A_821], %get3A_826 : memref<2x8x129xf32, #tpu.memory_space<vmem>>[vector<16xi32>, vector<16xi32>, vector<16xi32>], vector<16xf32>,
        %add3A_827 = arith.constant 2 : i32
        %add3A_828 = arith.addi %mul3A_770, %add3A_827 : i32
        %get3A_829 = arith.index_cast %add3A_828 : i32 to index
        %get3A_830 = arith.constant 16 : index
        %get3A_831 = tpu.vector_load %arg7[%get3A_829, %get3A_830] {strides = array<i32>} : memref<128x64xf32, #tpu.memory_space<vmem>>, vector<16xf32>,
        tpu.vector_store_idx %arg13[%and3A_30, %and3A_36, %add3A_821], %get3A_831 : memref<2x8x129xf32, #tpu.memory_space<vmem>>[vector<16xi32>, vector<16xi32>, vector<16xi32>], vector<16xf32>,
        %add3A_832 = arith.constant 2 : i32
        %add3A_833 = arith.addi %mul3A_770, %add3A_832 : i32
        %get3A_834 = arith.index_cast %add3A_833 : i32 to index
        %get3A_835 = arith.constant 32 : index
        %get3A_836 = tpu.vector_load %arg7[%get3A_834, %get3A_835] {strides = array<i32>} : memref<128x64xf32, #tpu.memory_space<vmem>>, vector<16xf32>,
        tpu.vector_store_idx %arg14[%and3A_45, %and3A_51, %add3A_821], %get3A_836 : memref<2x8x129xf32, #tpu.memory_space<vmem>>[vector<16xi32>, vector<16xi32>, vector<16xi32>], vector<16xf32>,
        %add3A_837 = arith.constant 2 : i32
        %add3A_838 = arith.addi %mul3A_770, %add3A_837 : i32
        %get3A_839 = arith.index_cast %add3A_838 : i32 to index
        %get3A_840 = arith.constant 48 : index
        %get3A_841 = tpu.vector_load %arg7[%get3A_839, %get3A_840] {strides = array<i32>} : memref<128x64xf32, #tpu.memory_space<vmem>>, vector<16xf32>,
        tpu.vector_store_idx %arg15[%and3A_60, %and3A_66, %add3A_821], %get3A_841 : memref<2x8x129xf32, #tpu.memory_space<vmem>>[vector<16xi32>, vector<16xi32>, vector<16xi32>], vector<16xf32>,
        %add3A_842 = arith.constant 3 : i32
        %add3A_843 = vector.broadcast %add3A_842 : i32 to vector<16xi32>
        %add3A_844 = arith.addi %add3A_773, %add3A_843 : vector<16xi32>
        %add3A_845 = arith.constant 3 : i32
        %add3A_846 = arith.addi %mul3A_770, %add3A_845 : i32
        %get3A_847 = arith.index_cast %add3A_846 : i32 to index
        %get3A_848 = arith.constant 0 : index
        %get3A_849 = tpu.vector_load %arg7[%get3A_847, %get3A_848] {strides = array<i32>} : memref<128x64xf32, #tpu.memory_space<vmem>>, vector<16xf32>,
        tpu.vector_store_idx %arg12[%and3A_15, %and3A_21, %add3A_844], %get3A_849 : memref<2x8x129xf32, #tpu.memory_space<vmem>>[vector<16xi32>, vector<16xi32>, vector<16xi32>], vector<16xf32>,
        %add3A_850 = arith.constant 3 : i32
        %add3A_851 = arith.addi %mul3A_770, %add3A_850 : i32
        %get3A_852 = arith.index_cast %add3A_851 : i32 to index
        %get3A_853 = arith.constant 16 : index
        %get3A_854 = tpu.vector_load %arg7[%get3A_852, %get3A_853] {strides = array<i32>} : memref<128x64xf32, #tpu.memory_space<vmem>>, vector<16xf32>,
        tpu.vector_store_idx %arg13[%and3A_30, %and3A_36, %add3A_844], %get3A_854 : memref<2x8x129xf32, #tpu.memory_space<vmem>>[vector<16xi32>, vector<16xi32>, vector<16xi32>], vector<16xf32>,
        %add3A_855 = arith.constant 3 : i32
        %add3A_856 = arith.addi %mul3A_770, %add3A_855 : i32
        %get3A_857 = arith.index_cast %add3A_856 : i32 to index
        %get3A_858 = arith.constant 32 : index
        %get3A_859 = tpu.vector_load %arg7[%get3A_857, %get3A_858] {strides = array<i32>} : memref<128x64xf32, #tpu.memory_space<vmem>>, vector<16xf32>,
        tpu.vector_store_idx %arg14[%and3A_45, %and3A_51, %add3A_844], %get3A_859 : memref<2x8x129xf32, #tpu.memory_space<vmem>>[vector<16xi32>, vector<16xi32>, vector<16xi32>], vector<16xf32>,
        %add3A_860 = arith.constant 3 : i32
        %add3A_861 = arith.addi %mul3A_770, %add3A_860 : i32
        %get3A_862 = arith.index_cast %add3A_861 : i32 to index
        %get3A_863 = arith.constant 48 : index
        %get3A_864 = tpu.vector_load %arg7[%get3A_862, %get3A_863] {strides = array<i32>} : memref<128x64xf32, #tpu.memory_space<vmem>>, vector<16xf32>,
        tpu.vector_store_idx %arg15[%and3A_60, %and3A_66, %add3A_844], %get3A_864 : memref<2x8x129xf32, #tpu.memory_space<vmem>>[vector<16xi32>, vector<16xi32>, vector<16xi32>], vector<16xf32>,
        %scan3A_865 = arith.constant 1 : i32
        %scan3A_866 = arith.addi %scan3A_768, %scan3A_865 : i32
        %mul3A_867 = arith.constant 4 : i32
        %mul3A_868 = arith.muli %scan3A_866, %mul3A_867 : i32
        %broadcast_in_dim3A_869 = arith.constant 0 : i32
        %broadcast_in_dim3A_870 = vector.broadcast %broadcast_in_dim3A_869 : i32 to vector<16xi32>
        %add3A_871 = vector.broadcast %mul3A_868 : i32 to vector<16xi32>
        %add3A_872 = arith.addi %broadcast_in_dim3A_870, %add3A_871 : vector<16xi32>
        %add3A_873 = arith.constant 0 : i32
        %add3A_874 = vector.broadcast %add3A_873 : i32 to vector<16xi32>
        %add3A_875 = arith.addi %add3A_872, %add3A_874 : vector<16xi32>
        %add3A_876 = arith.constant 0 : i32
        %add3A_877 = arith.addi %mul3A_868, %add3A_876 : i32
        %get3A_878 = arith.index_cast %add3A_877 : i32 to index
        %get3A_879 = arith.constant 0 : index
        %get3A_880 = tpu.vector_load %arg7[%get3A_878, %get3A_879] {strides = array<i32>} : memref<128x64xf32, #tpu.memory_space<vmem>>, vector<16xf32>,
        tpu.vector_store_idx %arg12[%and3A_15, %and3A_21, %add3A_875], %get3A_880 : memref<2x8x129xf32, #tpu.memory_space<vmem>>[vector<16xi32>, vector<16xi32>, vector<16xi32>], vector<16xf32>,
        %add3A_881 = arith.constant 0 : i32
        %add3A_882 = arith.addi %mul3A_868, %add3A_881 : i32
        %get3A_883 = arith.index_cast %add3A_882 : i32 to index
        %get3A_884 = arith.constant 16 : index
        %get3A_885 = tpu.vector_load %arg7[%get3A_883, %get3A_884] {strides = array<i32>} : memref<128x64xf32, #tpu.memory_space<vmem>>, vector<16xf32>,
        tpu.vector_store_idx %arg13[%and3A_30, %and3A_36, %add3A_875], %get3A_885 : memref<2x8x129xf32, #tpu.memory_space<vmem>>[vector<16xi32>, vector<16xi32>, vector<16xi32>], vector<16xf32>,
        %add3A_886 = arith.constant 0 : i32
        %add3A_887 = arith.addi %mul3A_868, %add3A_886 : i32
        %get3A_888 = arith.index_cast %add3A_887 : i32 to index
        %get3A_889 = arith.constant 32 : index
        %get3A_890 = tpu.vector_load %arg7[%get3A_888, %get3A_889] {strides = array<i32>} : memref<128x64xf32, #tpu.memory_space<vmem>>, vector<16xf32>,
        tpu.vector_store_idx %arg14[%and3A_45, %and3A_51, %add3A_875], %get3A_890 : memref<2x8x129xf32, #tpu.memory_space<vmem>>[vector<16xi32>, vector<16xi32>, vector<16xi32>], vector<16xf32>,
        %add3A_891 = arith.constant 0 : i32
        %add3A_892 = arith.addi %mul3A_868, %add3A_891 : i32
        %get3A_893 = arith.index_cast %add3A_892 : i32 to index
        %get3A_894 = arith.constant 48 : index
        %get3A_895 = tpu.vector_load %arg7[%get3A_893, %get3A_894] {strides = array<i32>} : memref<128x64xf32, #tpu.memory_space<vmem>>, vector<16xf32>,
        tpu.vector_store_idx %arg15[%and3A_60, %and3A_66, %add3A_875], %get3A_895 : memref<2x8x129xf32, #tpu.memory_space<vmem>>[vector<16xi32>, vector<16xi32>, vector<16xi32>], vector<16xf32>,
        %add3A_896 = arith.constant 1 : i32
        %add3A_897 = vector.broadcast %add3A_896 : i32 to vector<16xi32>
        %add3A_898 = arith.addi %add3A_872, %add3A_897 : vector<16xi32>
        %add3A_899 = arith.constant 1 : i32
        %add3A_900 = arith.addi %mul3A_868, %add3A_899 : i32
        %get3A_901 = arith.index_cast %add3A_900 : i32 to index
        %get3A_902 = arith.constant 0 : index
        %get3A_903 = tpu.vector_load %arg7[%get3A_901, %get3A_902] {strides = array<i32>} : memref<128x64xf32, #tpu.memory_space<vmem>>, vector<16xf32>,
        tpu.vector_store_idx %arg12[%and3A_15, %and3A_21, %add3A_898], %get3A_903 : memref<2x8x129xf32, #tpu.memory_space<vmem>>[vector<16xi32>, vector<16xi32>, vector<16xi32>], vector<16xf32>,
        %add3A_904 = arith.constant 1 : i32
        %add3A_905 = arith.addi %mul3A_868, %add3A_904 : i32
        %get3A_906 = arith.index_cast %add3A_905 : i32 to index
        %get3A_907 = arith.constant 16 : index
        %get3A_908 = tpu.vector_load %arg7[%get3A_906, %get3A_907] {strides = array<i32>} : memref<128x64xf32, #tpu.memory_space<vmem>>, vector<16xf32>,
        tpu.vector_store_idx %arg13[%and3A_30, %and3A_36, %add3A_898], %get3A_908 : memref<2x8x129xf32, #tpu.memory_space<vmem>>[vector<16xi32>, vector<16xi32>, vector<16xi32>], vector<16xf32>,
        %add3A_909 = arith.constant 1 : i32
        %add3A_910 = arith.addi %mul3A_868, %add3A_909 : i32
        %get3A_911 = arith.index_cast %add3A_910 : i32 to index
        %get3A_912 = arith.constant 32 : index
        %get3A_913 = tpu.vector_load %arg7[%get3A_911, %get3A_912] {strides = array<i32>} : memref<128x64xf32, #tpu.memory_space<vmem>>, vector<16xf32>,
        tpu.vector_store_idx %arg14[%and3A_45, %and3A_51, %add3A_898], %get3A_913 : memref<2x8x129xf32, #tpu.memory_space<vmem>>[vector<16xi32>, vector<16xi32>, vector<16xi32>], vector<16xf32>,
        %add3A_914 = arith.constant 1 : i32
        %add3A_915 = arith.addi %mul3A_868, %add3A_914 : i32
        %get3A_916 = arith.index_cast %add3A_915 : i32 to index
        %get3A_917 = arith.constant 48 : index
        %get3A_918 = tpu.vector_load %arg7[%get3A_916, %get3A_917] {strides = array<i32>} : memref<128x64xf32, #tpu.memory_space<vmem>>, vector<16xf32>,
        tpu.vector_store_idx %arg15[%and3A_60, %and3A_66, %add3A_898], %get3A_918 : memref<2x8x129xf32, #tpu.memory_space<vmem>>[vector<16xi32>, vector<16xi32>, vector<16xi32>], vector<16xf32>,
        %add3A_919 = arith.constant 2 : i32
        %add3A_920 = vector.broadcast %add3A_919 : i32 to vector<16xi32>
        %add3A_921 = arith.addi %add3A_872, %add3A_920 : vector<16xi32>
        %add3A_922 = arith.constant 2 : i32
        %add3A_923 = arith.addi %mul3A_868, %add3A_922 : i32
        %get3A_924 = arith.index_cast %add3A_923 : i32 to index
        %get3A_925 = arith.constant 0 : index
        %get3A_926 = tpu.vector_load %arg7[%get3A_924, %get3A_925] {strides = array<i32>} : memref<128x64xf32, #tpu.memory_space<vmem>>, vector<16xf32>,
        tpu.vector_store_idx %arg12[%and3A_15, %and3A_21, %add3A_921], %get3A_926 : memref<2x8x129xf32, #tpu.memory_space<vmem>>[vector<16xi32>, vector<16xi32>, vector<16xi32>], vector<16xf32>,
        %add3A_927 = arith.constant 2 : i32
        %add3A_928 = arith.addi %mul3A_868, %add3A_927 : i32
        %get3A_929 = arith.index_cast %add3A_928 : i32 to index
        %get3A_930 = arith.constant 16 : index
        %get3A_931 = tpu.vector_load %arg7[%get3A_929, %get3A_930] {strides = array<i32>} : memref<128x64xf32, #tpu.memory_space<vmem>>, vector<16xf32>,
        tpu.vector_store_idx %arg13[%and3A_30, %and3A_36, %add3A_921], %get3A_931 : memref<2x8x129xf32, #tpu.memory_space<vmem>>[vector<16xi32>, vector<16xi32>, vector<16xi32>], vector<16xf32>,
        %add3A_932 = arith.constant 2 : i32
        %add3A_933 = arith.addi %mul3A_868, %add3A_932 : i32
        %get3A_934 = arith.index_cast %add3A_933 : i32 to index
        %get3A_935 = arith.constant 32 : index
        %get3A_936 = tpu.vector_load %arg7[%get3A_934, %get3A_935] {strides = array<i32>} : memref<128x64xf32, #tpu.memory_space<vmem>>, vector<16xf32>,
        tpu.vector_store_idx %arg14[%and3A_45, %and3A_51, %add3A_921], %get3A_936 : memref<2x8x129xf32, #tpu.memory_space<vmem>>[vector<16xi32>, vector<16xi32>, vector<16xi32>], vector<16xf32>,
        %add3A_937 = arith.constant 2 : i32
        %add3A_938 = arith.addi %mul3A_868, %add3A_937 : i32
        %get3A_939 = arith.index_cast %add3A_938 : i32 to index
        %get3A_940 = arith.constant 48 : index
        %get3A_941 = tpu.vector_load %arg7[%get3A_939, %get3A_940] {strides = array<i32>} : memref<128x64xf32, #tpu.memory_space<vmem>>, vector<16xf32>,
        tpu.vector_store_idx %arg15[%and3A_60, %and3A_66, %add3A_921], %get3A_941 : memref<2x8x129xf32, #tpu.memory_space<vmem>>[vector<16xi32>, vector<16xi32>, vector<16xi32>], vector<16xf32>,
        %add3A_942 = arith.constant 3 : i32
        %add3A_943 = vector.broadcast %add3A_942 : i32 to vector<16xi32>
        %add3A_944 = arith.addi %add3A_872, %add3A_943 : vector<16xi32>
        %add3A_945 = arith.constant 3 : i32
        %add3A_946 = arith.addi %mul3A_868, %add3A_945 : i32
        %get3A_947 = arith.index_cast %add3A_946 : i32 to index
        %get3A_948 = arith.constant 0 : index
        %get3A_949 = tpu.vector_load %arg7[%get3A_947, %get3A_948] {strides = array<i32>} : memref<128x64xf32, #tpu.memory_space<vmem>>, vector<16xf32>,
        tpu.vector_store_idx %arg12[%and3A_15, %and3A_21, %add3A_944], %get3A_949 : memref<2x8x129xf32, #tpu.memory_space<vmem>>[vector<16xi32>, vector<16xi32>, vector<16xi32>], vector<16xf32>,
        %add3A_950 = arith.constant 3 : i32
        %add3A_951 = arith.addi %mul3A_868, %add3A_950 : i32
        %get3A_952 = arith.index_cast %add3A_951 : i32 to index
        %get3A_953 = arith.constant 16 : index
        %get3A_954 = tpu.vector_load %arg7[%get3A_952, %get3A_953] {strides = array<i32>} : memref<128x64xf32, #tpu.memory_space<vmem>>, vector<16xf32>,
        tpu.vector_store_idx %arg13[%and3A_30, %and3A_36, %add3A_944], %get3A_954 : memref<2x8x129xf32, #tpu.memory_space<vmem>>[vector<16xi32>, vector<16xi32>, vector<16xi32>], vector<16xf32>,
        %add3A_955 = arith.constant 3 : i32
        %add3A_956 = arith.addi %mul3A_868, %add3A_955 : i32
        %get3A_957 = arith.index_cast %add3A_956 : i32 to index
        %get3A_958 = arith.constant 32 : index
        %get3A_959 = tpu.vector_load %arg7[%get3A_957, %get3A_958] {strides = array<i32>} : memref<128x64xf32, #tpu.memory_space<vmem>>, vector<16xf32>,
        tpu.vector_store_idx %arg14[%and3A_45, %and3A_51, %add3A_944], %get3A_959 : memref<2x8x129xf32, #tpu.memory_space<vmem>>[vector<16xi32>, vector<16xi32>, vector<16xi32>], vector<16xf32>,
        %add3A_960 = arith.constant 3 : i32
        %add3A_961 = arith.addi %mul3A_868, %add3A_960 : i32
        %get3A_962 = arith.index_cast %add3A_961 : i32 to index
        %get3A_963 = arith.constant 48 : index
        %get3A_964 = tpu.vector_load %arg7[%get3A_962, %get3A_963] {strides = array<i32>} : memref<128x64xf32, #tpu.memory_space<vmem>>, vector<16xf32>,
        tpu.vector_store_idx %arg15[%and3A_60, %and3A_66, %add3A_944], %get3A_964 : memref<2x8x129xf32, #tpu.memory_space<vmem>>[vector<16xi32>, vector<16xi32>, vector<16xi32>], vector<16xf32>,
      }
      %scan3A_688 = arith.constant 32 : i32
      %dma_start3A_689 = arith.constant 0 : i32
      %dma_start3A_690 = arith.constant 0 : i32
      %dma_start3A_691 = arith.constant 0 : i32
      %dma_start3A_692 = tpu.memref_slice %arg12[%dma_start3A_689, %dma_start3A_690, %dma_start3A_691] : memref<2x8x129xf32, #tpu.memory_space<vmem>> -> memref<2x8x128xf32, #tpu.memory_space<vmem>>
      %dma_start3A_693 = arith.constant 0 : i32
      %dma_start3A_694 = arith.constant 0 : i32
      %dma_start3A_695 = arith.constant 0 : i32
      %dma_start3A_696 = tpu.memref_slice %arg4[%add3A_600, %dma_start3A_693, %add3A, %dma_start3A_694, %dma_start3A_695] : memref<200x8x32x8x128xf32, #tpu.memory_space<hbm>> -> memref<1x2x1x8x128xf32, #tpu.memory_space<hbm>>
      %dma_start3A_697 = tpu.memref_squeeze %dma_start3A_696 : memref<1x2x1x8x128xf32, #tpu.memory_space<hbm>> -> memref<2x8x128xf32, #tpu.memory_space<hbm>>
      %dma_start3A_698 = arith.constant 0 : i32
      %dma_start3A_699 = arith.constant 0 : i32
      %dma_start3A_700 = arith.constant 0 : i32
      %dma_start3A_701 = tpu.memref_slice %arg4[%add3A_600, %dma_start3A_698, %add3A, %dma_start3A_699, %dma_start3A_700] : memref<200x8x32x8x128xf32, #tpu.memory_space<hbm>> -> memref<1x2x1x8x128xf32, #tpu.memory_space<hbm>>
      %dma_start3A_702 = tpu.memref_squeeze %dma_start3A_701 : memref<1x2x1x8x128xf32, #tpu.memory_space<hbm>> -> memref<2x8x128xf32, #tpu.memory_space<hbm>>
      %dma_start3A_703 = arith.constant 0 : i32
      %dma_start3A_704 = arith.constant 0 : i32
      %dma_start3A_705 = arith.constant 0 : i32
      %dma_start3A_706 = tpu.memref_slice %arg12[%dma_start3A_703, %dma_start3A_704, %dma_start3A_705] : memref<2x8x129xf32, #tpu.memory_space<vmem>> -> memref<2x8x128xf32, #tpu.memory_space<vmem>>
      tpu.enqueue_dma source(%dma_start3A_706 : memref<2x8x128xf32, #tpu.memory_space<vmem>>) target(%dma_start3A_702 : memref<2x8x128xf32, #tpu.memory_space<hbm>>) target_semaphore(%arg20 : memref<!tpu.dma_semaphore, #tpu.memory_space<semaphore_mem>>)
      %dma_start3A_707 = arith.constant 0 : i32
      %dma_start3A_708 = arith.constant 0 : i32
      %dma_start3A_709 = arith.constant 0 : i32
      %dma_start3A_710 = tpu.memref_slice %arg13[%dma_start3A_707, %dma_start3A_708, %dma_start3A_709] : memref<2x8x129xf32, #tpu.memory_space<vmem>> -> memref<2x8x128xf32, #tpu.memory_space<vmem>>
      %dma_start3A_711 = arith.constant 2 : i32
      %dma_start3A_712 = arith.constant 0 : i32
      %dma_start3A_713 = arith.constant 0 : i32
      %dma_start3A_714 = tpu.memref_slice %arg4[%add3A_600, %dma_start3A_711, %add3A, %dma_start3A_712, %dma_start3A_713] : memref<200x8x32x8x128xf32, #tpu.memory_space<hbm>> -> memref<1x2x1x8x128xf32, #tpu.memory_space<hbm>>
      %dma_start3A_715 = tpu.memref_squeeze %dma_start3A_714 : memref<1x2x1x8x128xf32, #tpu.memory_space<hbm>> -> memref<2x8x128xf32, #tpu.memory_space<hbm>>
      %dma_start3A_716 = arith.constant 2 : i32
      %dma_start3A_717 = arith.constant 0 : i32
      %dma_start3A_718 = arith.constant 0 : i32
      %dma_start3A_719 = tpu.memref_slice %arg4[%add3A_600, %dma_start3A_716, %add3A, %dma_start3A_717, %dma_start3A_718] : memref<200x8x32x8x128xf32, #tpu.memory_space<hbm>> -> memref<1x2x1x8x128xf32, #tpu.memory_space<hbm>>
      %dma_start3A_720 = tpu.memref_squeeze %dma_start3A_719 : memref<1x2x1x8x128xf32, #tpu.memory_space<hbm>> -> memref<2x8x128xf32, #tpu.memory_space<hbm>>
      %dma_start3A_721 = arith.constant 0 : i32
      %dma_start3A_722 = arith.constant 0 : i32
      %dma_start3A_723 = arith.constant 0 : i32
      %dma_start3A_724 = tpu.memref_slice %arg13[%dma_start3A_721, %dma_start3A_722, %dma_start3A_723] : memref<2x8x129xf32, #tpu.memory_space<vmem>> -> memref<2x8x128xf32, #tpu.memory_space<vmem>>
      tpu.enqueue_dma source(%dma_start3A_724 : memref<2x8x128xf32, #tpu.memory_space<vmem>>) target(%dma_start3A_720 : memref<2x8x128xf32, #tpu.memory_space<hbm>>) target_semaphore(%arg20 : memref<!tpu.dma_semaphore, #tpu.memory_space<semaphore_mem>>)
      %dma_start3A_725 = arith.constant 0 : i32
      %dma_start3A_726 = arith.constant 0 : i32
      %dma_start3A_727 = arith.constant 0 : i32
      %dma_start3A_728 = tpu.memref_slice %arg14[%dma_start3A_725, %dma_start3A_726, %dma_start3A_727] : memref<2x8x129xf32, #tpu.memory_space<vmem>> -> memref<2x8x128xf32, #tpu.memory_space<vmem>>
      %dma_start3A_729 = arith.constant 4 : i32
      %dma_start3A_730 = arith.constant 0 : i32
      %dma_start3A_731 = arith.constant 0 : i32
      %dma_start3A_732 = tpu.memref_slice %arg4[%add3A_600, %dma_start3A_729, %add3A, %dma_start3A_730, %dma_start3A_731] : memref<200x8x32x8x128xf32, #tpu.memory_space<hbm>> -> memref<1x2x1x8x128xf32, #tpu.memory_space<hbm>>
      %dma_start3A_733 = tpu.memref_squeeze %dma_start3A_732 : memref<1x2x1x8x128xf32, #tpu.memory_space<hbm>> -> memref<2x8x128xf32, #tpu.memory_space<hbm>>
      %dma_start3A_734 = arith.constant 4 : i32
      %dma_start3A_735 = arith.constant 0 : i32
      %dma_start3A_736 = arith.constant 0 : i32
      %dma_start3A_737 = tpu.memref_slice %arg4[%add3A_600, %dma_start3A_734, %add3A, %dma_start3A_735, %dma_start3A_736] : memref<200x8x32x8x128xf32, #tpu.memory_space<hbm>> -> memref<1x2x1x8x128xf32, #tpu.memory_space<hbm>>
      %dma_start3A_738 = tpu.memref_squeeze %dma_start3A_737 : memref<1x2x1x8x128xf32, #tpu.memory_space<hbm>> -> memref<2x8x128xf32, #tpu.memory_space<hbm>>
      %dma_start3A_739 = arith.constant 0 : i32
      %dma_start3A_740 = arith.constant 0 : i32
      %dma_start3A_741 = arith.constant 0 : i32
      %dma_start3A_742 = tpu.memref_slice %arg14[%dma_start3A_739, %dma_start3A_740, %dma_start3A_741] : memref<2x8x129xf32, #tpu.memory_space<vmem>> -> memref<2x8x128xf32, #tpu.memory_space<vmem>>
      tpu.enqueue_dma source(%dma_start3A_742 : memref<2x8x128xf32, #tpu.memory_space<vmem>>) target(%dma_start3A_738 : memref<2x8x128xf32, #tpu.memory_space<hbm>>) target_semaphore(%arg20 : memref<!tpu.dma_semaphore, #tpu.memory_space<semaphore_mem>>)
      %dma_start3A_743 = arith.constant 0 : i32
      %dma_start3A_744 = arith.constant 0 : i32
      %dma_start3A_745 = arith.constant 0 : i32
      %dma_start3A_746 = tpu.memref_slice %arg15[%dma_start3A_743, %dma_start3A_744, %dma_start3A_745] : memref<2x8x129xf32, #tpu.memory_space<vmem>> -> memref<2x8x128xf32, #tpu.memory_space<vmem>>
      %dma_start3A_747 = arith.constant 6 : i32
      %dma_start3A_748 = arith.constant 0 : i32
      %dma_start3A_749 = arith.constant 0 : i32
      %dma_start3A_750 = tpu.memref_slice %arg4[%add3A_600, %dma_start3A_747, %add3A, %dma_start3A_748, %dma_start3A_749] : memref<200x8x32x8x128xf32, #tpu.memory_space<hbm>> -> memref<1x2x1x8x128xf32, #tpu.memory_space<hbm>>
      %dma_start3A_751 = tpu.memref_squeeze %dma_start3A_750 : memref<1x2x1x8x128xf32, #tpu.memory_space<hbm>> -> memref<2x8x128xf32, #tpu.memory_space<hbm>>
      %dma_start3A_752 = arith.constant 6 : i32
      %dma_start3A_753 = arith.constant 0 : i32
      %dma_start3A_754 = arith.constant 0 : i32
      %dma_start3A_755 = tpu.memref_slice %arg4[%add3A_600, %dma_start3A_752, %add3A, %dma_start3A_753, %dma_start3A_754] : memref<200x8x32x8x128xf32, #tpu.memory_space<hbm>> -> memref<1x2x1x8x128xf32, #tpu.memory_space<hbm>>
      %dma_start3A_756 = tpu.memref_squeeze %dma_start3A_755 : memref<1x2x1x8x128xf32, #tpu.memory_space<hbm>> -> memref<2x8x128xf32, #tpu.memory_space<hbm>>
      %dma_start3A_757 = arith.constant 0 : i32
      %dma_start3A_758 = arith.constant 0 : i32
      %dma_start3A_759 = arith.constant 0 : i32
      %dma_start3A_760 = tpu.memref_slice %arg15[%dma_start3A_757, %dma_start3A_758, %dma_start3A_759] : memref<2x8x129xf32, #tpu.memory_space<vmem>> -> memref<2x8x128xf32, #tpu.memory_space<vmem>>
      tpu.enqueue_dma source(%dma_start3A_760 : memref<2x8x128xf32, #tpu.memory_space<vmem>>) target(%dma_start3A_756 : memref<2x8x128xf32, #tpu.memory_space<hbm>>) target_semaphore(%arg20 : memref<!tpu.dma_semaphore, #tpu.memory_space<semaphore_mem>>)
      %add3A_761 = arith.constant 2 : i32
      %add3A_762 = arith.addi %add3A_600, %add3A_761 : i32
      %lt3A_763 = arith.constant 200 : i32
      %lt3A_764 = arith.cmpi slt, %add3A_762, %lt3A_763 : i32
      %convert_element_type3A_765 = arith.extui %lt3A_764 : i1 to i32
      %cond3A_766 = arith.constant 0 : i32
      %cond3A_767 = arith.cmpi ne, %convert_element_type3A_765, %cond3A_766 : i32
      scf.if %cond3A_767 {
        %add3A_768 = arith.constant 2 : i32
        %add3A_769 = arith.addi %add3A_600, %add3A_768 : i32
        %dma_start3A_770 = arith.constant 0 : i32
        %dma_start3A_771 = tpu.memref_slice %arg5[%add3A_769, %dma_start3A_770] : memref<200x128xi32, #tpu.memory_space<vmem>> -> memref<1x128xi32, #tpu.memory_space<vmem>>
        %dma_start3A_772 = tpu.memref_squeeze %dma_start3A_771 : memref<1x128xi32, #tpu.memory_space<vmem>> -> memref<128xi32, #tpu.memory_space<vmem>>
        %dma_start3A_773 = arith.constant 0 : i32
        %dma_start3A_774 = arith.constant 0 : i32
        %dma_start3A_775 = tpu.memref_slice %arg3[%dma_start3A_773, %dma_start3A_774] : memref<1000000x64xf32, #tpu.memory_space<hbm>> -> memref<1000000x64xf32, #tpu.memory_space<hbm>>
        tpu.enqueue_indirect_dma source(%dma_start3A_775 : memref<1000000x64xf32, #tpu.memory_space<hbm>>) target(%arg7 : memref<128x64xf32, #tpu.memory_space<vmem>>) offsets(%dma_start3A_772 : memref<128xi32, #tpu.memory_space<vmem>>) semaphore(%arg18 : memref<!tpu.dma_semaphore, #tpu.memory_space<semaphore_mem>>)
      } else {
      }
    }
    %scan3A_275 = arith.constant 99 : i32
    %dma_wait3A_276 = arith.constant 0 : i32
    %dma_wait3A_277 = arith.constant 0 : i32
    %dma_wait3A_278 = arith.constant 0 : i32
    %dma_wait3A_279 = arith.constant 0 : i32
    %dma_wait3A_280 = tpu.memref_slice %arg8[%dma_wait3A_277, %dma_wait3A_278, %dma_wait3A_279] : memref<2x8x129xf32, #tpu.memory_space<vmem>> -> memref<2x8x128xf32, #tpu.memory_space<vmem>>
    %dma_wait3A_281 = arith.constant 0 : i32
    %dma_wait3A_282 = arith.constant 0 : i32
    %dma_wait3A_283 = arith.constant 0 : i32
    %dma_wait3A_284 = tpu.memref_slice %arg4[%dma_wait3A_276, %dma_wait3A_281, %add3A, %dma_wait3A_282, %dma_wait3A_283] : memref<200x8x32x8x128xf32, #tpu.memory_space<hbm>> -> memref<1x2x1x8x128xf32, #tpu.memory_space<hbm>>
    %dma_wait3A_285 = tpu.memref_squeeze %dma_wait3A_284 : memref<1x2x1x8x128xf32, #tpu.memory_space<hbm>> -> memref<2x8x128xf32, #tpu.memory_space<hbm>>
    %dma_wait3A_286 = arith.constant 0 : i32
    %dma_wait3A_287 = arith.constant 0 : i32
    %dma_wait3A_288 = arith.constant 0 : i32
    %dma_wait3A_289 = tpu.memref_slice %arg4[%dma_wait3A_276, %dma_wait3A_286, %add3A, %dma_wait3A_287, %dma_wait3A_288] : memref<200x8x32x8x128xf32, #tpu.memory_space<hbm>> -> memref<1x2x1x8x128xf32, #tpu.memory_space<hbm>>
    %dma_wait3A_290 = tpu.memref_squeeze %dma_wait3A_289 : memref<1x2x1x8x128xf32, #tpu.memory_space<hbm>> -> memref<2x8x128xf32, #tpu.memory_space<hbm>>
    %dma_wait3A_291 = arith.constant 0 : i32
    %dma_wait3A_292 = arith.constant 0 : i32
    %dma_wait3A_293 = arith.constant 0 : i32
    %dma_wait3A_294 = tpu.memref_slice %arg8[%dma_wait3A_291, %dma_wait3A_292, %dma_wait3A_293] : memref<2x8x129xf32, #tpu.memory_space<vmem>> -> memref<2x8x128xf32, #tpu.memory_space<vmem>>
    tpu.wait_dma2 semaphore(%arg19 : memref<!tpu.dma_semaphore, #tpu.memory_space<semaphore_mem>>) src(%dma_wait3A_294 : memref<2x8x128xf32, #tpu.memory_space<vmem>>) dst(%dma_wait3A_290 : memref<2x8x128xf32, #tpu.memory_space<hbm>>)
    %dma_wait3A_295 = arith.constant 0 : i32
    %dma_wait3A_296 = arith.constant 0 : i32
    %dma_wait3A_297 = arith.constant 0 : i32
    %dma_wait3A_298 = arith.constant 0 : i32
    %dma_wait3A_299 = tpu.memref_slice %arg9[%dma_wait3A_296, %dma_wait3A_297, %dma_wait3A_298] : memref<2x8x129xf32, #tpu.memory_space<vmem>> -> memref<2x8x128xf32, #tpu.memory_space<vmem>>
    %dma_wait3A_300 = arith.constant 2 : i32
    %dma_wait3A_301 = arith.constant 0 : i32
    %dma_wait3A_302 = arith.constant 0 : i32
    %dma_wait3A_303 = tpu.memref_slice %arg4[%dma_wait3A_295, %dma_wait3A_300, %add3A, %dma_wait3A_301, %dma_wait3A_302] : memref<200x8x32x8x128xf32, #tpu.memory_space<hbm>> -> memref<1x2x1x8x128xf32, #tpu.memory_space<hbm>>
    %dma_wait3A_304 = tpu.memref_squeeze %dma_wait3A_303 : memref<1x2x1x8x128xf32, #tpu.memory_space<hbm>> -> memref<2x8x128xf32, #tpu.memory_space<hbm>>
    %dma_wait3A_305 = arith.constant 2 : i32
    %dma_wait3A_306 = arith.constant 0 : i32
    %dma_wait3A_307 = arith.constant 0 : i32
    %dma_wait3A_308 = tpu.memref_slice %arg4[%dma_wait3A_295, %dma_wait3A_305, %add3A, %dma_wait3A_306, %dma_wait3A_307] : memref<200x8x32x8x128xf32, #tpu.memory_space<hbm>> -> memref<1x2x1x8x128xf32, #tpu.memory_space<hbm>>
    %dma_wait3A_309 = tpu.memref_squeeze %dma_wait3A_308 : memref<1x2x1x8x128xf32, #tpu.memory_space<hbm>> -> memref<2x8x128xf32, #tpu.memory_space<hbm>>
    %dma_wait3A_310 = arith.constant 0 : i32
    %dma_wait3A_311 = arith.constant 0 : i32
    %dma_wait3A_312 = arith.constant 0 : i32
    %dma_wait3A_313 = tpu.memref_slice %arg9[%dma_wait3A_310, %dma_wait3A_311, %dma_wait3A_312] : memref<2x8x129xf32, #tpu.memory_space<vmem>> -> memref<2x8x128xf32, #tpu.memory_space<vmem>>
    tpu.wait_dma2 semaphore(%arg19 : memref<!tpu.dma_semaphore, #tpu.memory_space<semaphore_mem>>) src(%dma_wait3A_313 : memref<2x8x128xf32, #tpu.memory_space<vmem>>) dst(%dma_wait3A_309 : memref<2x8x128xf32, #tpu.memory_space<hbm>>)
    %dma_wait3A_314 = arith.constant 0 : i32
    %dma_wait3A_315 = arith.constant 0 : i32
    %dma_wait3A_316 = arith.constant 0 : i32
    %dma_wait3A_317 = arith.constant 0 : i32
    %dma_wait3A_318 = tpu.memref_slice %arg10[%dma_wait3A_315, %dma_wait3A_316, %dma_wait3A_317] : memref<2x8x129xf32, #tpu.memory_space<vmem>> -> memref<2x8x128xf32, #tpu.memory_space<vmem>>
    %dma_wait3A_319 = arith.constant 4 : i32
    %dma_wait3A_320 = arith.constant 0 : i32
    %dma_wait3A_321 = arith.constant 0 : i32
    %dma_wait3A_322 = tpu.memref_slice %arg4[%dma_wait3A_314, %dma_wait3A_319, %add3A, %dma_wait3A_320, %dma_wait3A_321] : memref<200x8x32x8x128xf32, #tpu.memory_space<hbm>> -> memref<1x2x1x8x128xf32, #tpu.memory_space<hbm>>
    %dma_wait3A_323 = tpu.memref_squeeze %dma_wait3A_322 : memref<1x2x1x8x128xf32, #tpu.memory_space<hbm>> -> memref<2x8x128xf32, #tpu.memory_space<hbm>>
    %dma_wait3A_324 = arith.constant 4 : i32
    %dma_wait3A_325 = arith.constant 0 : i32
    %dma_wait3A_326 = arith.constant 0 : i32
    %dma_wait3A_327 = tpu.memref_slice %arg4[%dma_wait3A_314, %dma_wait3A_324, %add3A, %dma_wait3A_325, %dma_wait3A_326] : memref<200x8x32x8x128xf32, #tpu.memory_space<hbm>> -> memref<1x2x1x8x128xf32, #tpu.memory_space<hbm>>
    %dma_wait3A_328 = tpu.memref_squeeze %dma_wait3A_327 : memref<1x2x1x8x128xf32, #tpu.memory_space<hbm>> -> memref<2x8x128xf32, #tpu.memory_space<hbm>>
    %dma_wait3A_329 = arith.constant 0 : i32
    %dma_wait3A_330 = arith.constant 0 : i32
    %dma_wait3A_331 = arith.constant 0 : i32
    %dma_wait3A_332 = tpu.memref_slice %arg10[%dma_wait3A_329, %dma_wait3A_330, %dma_wait3A_331] : memref<2x8x129xf32, #tpu.memory_space<vmem>> -> memref<2x8x128xf32, #tpu.memory_space<vmem>>
    tpu.wait_dma2 semaphore(%arg19 : memref<!tpu.dma_semaphore, #tpu.memory_space<semaphore_mem>>) src(%dma_wait3A_332 : memref<2x8x128xf32, #tpu.memory_space<vmem>>) dst(%dma_wait3A_328 : memref<2x8x128xf32, #tpu.memory_space<hbm>>)
    %dma_wait3A_333 = arith.constant 0 : i32
    %dma_wait3A_334 = arith.constant 0 : i32
    %dma_wait3A_335 = arith.constant 0 : i32
    %dma_wait3A_336 = arith.constant 0 : i32
    %dma_wait3A_337 = tpu.memref_slice %arg11[%dma_wait3A_334, %dma_wait3A_335, %dma_wait3A_336] : memref<2x8x129xf32, #tpu.memory_space<vmem>> -> memref<2x8x128xf32, #tpu.memory_space<vmem>>
    %dma_wait3A_338 = arith.constant 6 : i32
    %dma_wait3A_339 = arith.constant 0 : i32
    %dma_wait3A_340 = arith.constant 0 : i32
    %dma_wait3A_341 = tpu.memref_slice %arg4[%dma_wait3A_333, %dma_wait3A_338, %add3A, %dma_wait3A_339, %dma_wait3A_340] : memref<200x8x32x8x128xf32, #tpu.memory_space<hbm>> -> memref<1x2x1x8x128xf32, #tpu.memory_space<hbm>>
    %dma_wait3A_342 = tpu.memref_squeeze %dma_wait3A_341 : memref<1x2x1x8x128xf32, #tpu.memory_space<hbm>> -> memref<2x8x128xf32, #tpu.memory_space<hbm>>
    %dma_wait3A_343 = arith.constant 6 : i32
    %dma_wait3A_344 = arith.constant 0 : i32
    %dma_wait3A_345 = arith.constant 0 : i32
    %dma_wait3A_346 = tpu.memref_slice %arg4[%dma_wait3A_333, %dma_wait3A_343, %add3A, %dma_wait3A_344, %dma_wait3A_345] : memref<200x8x32x8x128xf32, #tpu.memory_space<hbm>> -> memref<1x2x1x8x128xf32, #tpu.memory_space<hbm>>
    %dma_wait3A_347 = tpu.memref_squeeze %dma_wait3A_346 : memref<1x2x1x8x128xf32, #tpu.memory_space<hbm>> -> memref<2x8x128xf32, #tpu.memory_space<hbm>>
    %dma_wait3A_348 = arith.constant 0 : i32
    %dma_wait3A_349 = arith.constant 0 : i32
    %dma_wait3A_350 = arith.constant 0 : i32
    %dma_wait3A_351 = tpu.memref_slice %arg11[%dma_wait3A_348, %dma_wait3A_349, %dma_wait3A_350] : memref<2x8x129xf32, #tpu.memory_space<vmem>> -> memref<2x8x128xf32, #tpu.memory_space<vmem>>
    tpu.wait_dma2 semaphore(%arg19 : memref<!tpu.dma_semaphore, #tpu.memory_space<semaphore_mem>>) src(%dma_wait3A_351 : memref<2x8x128xf32, #tpu.memory_space<vmem>>) dst(%dma_wait3A_347 : memref<2x8x128xf32, #tpu.memory_space<hbm>>)
    %dma_wait3A_352 = arith.constant 0 : i32
    %dma_wait3A_353 = arith.constant 0 : i32
    %dma_wait3A_354 = arith.constant 0 : i32
    %dma_wait3A_355 = arith.constant 0 : i32
    %dma_wait3A_356 = tpu.memref_slice %arg12[%dma_wait3A_353, %dma_wait3A_354, %dma_wait3A_355] : memref<2x8x129xf32, #tpu.memory_space<vmem>> -> memref<2x8x128xf32, #tpu.memory_space<vmem>>
    %dma_wait3A_357 = arith.constant 0 : i32
    %dma_wait3A_358 = arith.constant 0 : i32
    %dma_wait3A_359 = arith.constant 0 : i32
    %dma_wait3A_360 = tpu.memref_slice %arg4[%dma_wait3A_352, %dma_wait3A_357, %add3A, %dma_wait3A_358, %dma_wait3A_359] : memref<200x8x32x8x128xf32, #tpu.memory_space<hbm>> -> memref<1x2x1x8x128xf32, #tpu.memory_space<hbm>>
    %dma_wait3A_361 = tpu.memref_squeeze %dma_wait3A_360 : memref<1x2x1x8x128xf32, #tpu.memory_space<hbm>> -> memref<2x8x128xf32, #tpu.memory_space<hbm>>
    %dma_wait3A_362 = arith.constant 0 : i32
    %dma_wait3A_363 = arith.constant 0 : i32
    %dma_wait3A_364 = arith.constant 0 : i32
    %dma_wait3A_365 = tpu.memref_slice %arg4[%dma_wait3A_352, %dma_wait3A_362, %add3A, %dma_wait3A_363, %dma_wait3A_364] : memref<200x8x32x8x128xf32, #tpu.memory_space<hbm>> -> memref<1x2x1x8x128xf32, #tpu.memory_space<hbm>>
    %dma_wait3A_366 = tpu.memref_squeeze %dma_wait3A_365 : memref<1x2x1x8x128xf32, #tpu.memory_space<hbm>> -> memref<2x8x128xf32, #tpu.memory_space<hbm>>
    %dma_wait3A_367 = arith.constant 0 : i32
    %dma_wait3A_368 = arith.constant 0 : i32
    %dma_wait3A_369 = arith.constant 0 : i32
    %dma_wait3A_370 = tpu.memref_slice %arg12[%dma_wait3A_367, %dma_wait3A_368, %dma_wait3A_369] : memref<2x8x129xf32, #tpu.memory_space<vmem>> -> memref<2x8x128xf32, #tpu.memory_space<vmem>>
    tpu.wait_dma2 semaphore(%arg20 : memref<!tpu.dma_semaphore, #tpu.memory_space<semaphore_mem>>) src(%dma_wait3A_370 : memref<2x8x128xf32, #tpu.memory_space<vmem>>) dst(%dma_wait3A_366 : memref<2x8x128xf32, #tpu.memory_space<hbm>>)
    %dma_wait3A_371 = arith.constant 0 : i32
    %dma_wait3A_372 = arith.constant 0 : i32
    %dma_wait3A_373 = arith.constant 0 : i32
    %dma_wait3A_374 = arith.constant 0 : i32
    %dma_wait3A_375 = tpu.memref_slice %arg13[%dma_wait3A_372, %dma_wait3A_373, %dma_wait3A_374] : memref<2x8x129xf32, #tpu.memory_space<vmem>> -> memref<2x8x128xf32, #tpu.memory_space<vmem>>
    %dma_wait3A_376 = arith.constant 2 : i32
    %dma_wait3A_377 = arith.constant 0 : i32
    %dma_wait3A_378 = arith.constant 0 : i32
    %dma_wait3A_379 = tpu.memref_slice %arg4[%dma_wait3A_371, %dma_wait3A_376, %add3A, %dma_wait3A_377, %dma_wait3A_378] : memref<200x8x32x8x128xf32, #tpu.memory_space<hbm>> -> memref<1x2x1x8x128xf32, #tpu.memory_space<hbm>>
    %dma_wait3A_380 = tpu.memref_squeeze %dma_wait3A_379 : memref<1x2x1x8x128xf32, #tpu.memory_space<hbm>> -> memref<2x8x128xf32, #tpu.memory_space<hbm>>
    %dma_wait3A_381 = arith.constant 2 : i32
    %dma_wait3A_382 = arith.constant 0 : i32
    %dma_wait3A_383 = arith.constant 0 : i32
    %dma_wait3A_384 = tpu.memref_slice %arg4[%dma_wait3A_371, %dma_wait3A_381, %add3A, %dma_wait3A_382, %dma_wait3A_383] : memref<200x8x32x8x128xf32, #tpu.memory_space<hbm>> -> memref<1x2x1x8x128xf32, #tpu.memory_space<hbm>>
    %dma_wait3A_385 = tpu.memref_squeeze %dma_wait3A_384 : memref<1x2x1x8x128xf32, #tpu.memory_space<hbm>> -> memref<2x8x128xf32, #tpu.memory_space<hbm>>
    %dma_wait3A_386 = arith.constant 0 : i32
    %dma_wait3A_387 = arith.constant 0 : i32
    %dma_wait3A_388 = arith.constant 0 : i32
    %dma_wait3A_389 = tpu.memref_slice %arg13[%dma_wait3A_386, %dma_wait3A_387, %dma_wait3A_388] : memref<2x8x129xf32, #tpu.memory_space<vmem>> -> memref<2x8x128xf32, #tpu.memory_space<vmem>>
    tpu.wait_dma2 semaphore(%arg20 : memref<!tpu.dma_semaphore, #tpu.memory_space<semaphore_mem>>) src(%dma_wait3A_389 : memref<2x8x128xf32, #tpu.memory_space<vmem>>) dst(%dma_wait3A_385 : memref<2x8x128xf32, #tpu.memory_space<hbm>>)
    %dma_wait3A_390 = arith.constant 0 : i32
    %dma_wait3A_391 = arith.constant 0 : i32
    %dma_wait3A_392 = arith.constant 0 : i32
    %dma_wait3A_393 = arith.constant 0 : i32
    %dma_wait3A_394 = tpu.memref_slice %arg14[%dma_wait3A_391, %dma_wait3A_392, %dma_wait3A_393] : memref<2x8x129xf32, #tpu.memory_space<vmem>> -> memref<2x8x128xf32, #tpu.memory_space<vmem>>
    %dma_wait3A_395 = arith.constant 4 : i32
    %dma_wait3A_396 = arith.constant 0 : i32
    %dma_wait3A_397 = arith.constant 0 : i32
    %dma_wait3A_398 = tpu.memref_slice %arg4[%dma_wait3A_390, %dma_wait3A_395, %add3A, %dma_wait3A_396, %dma_wait3A_397] : memref<200x8x32x8x128xf32, #tpu.memory_space<hbm>> -> memref<1x2x1x8x128xf32, #tpu.memory_space<hbm>>
    %dma_wait3A_399 = tpu.memref_squeeze %dma_wait3A_398 : memref<1x2x1x8x128xf32, #tpu.memory_space<hbm>> -> memref<2x8x128xf32, #tpu.memory_space<hbm>>
    %dma_wait3A_400 = arith.constant 4 : i32
    %dma_wait3A_401 = arith.constant 0 : i32
    %dma_wait3A_402 = arith.constant 0 : i32
    %dma_wait3A_403 = tpu.memref_slice %arg4[%dma_wait3A_390, %dma_wait3A_400, %add3A, %dma_wait3A_401, %dma_wait3A_402] : memref<200x8x32x8x128xf32, #tpu.memory_space<hbm>> -> memref<1x2x1x8x128xf32, #tpu.memory_space<hbm>>
    %dma_wait3A_404 = tpu.memref_squeeze %dma_wait3A_403 : memref<1x2x1x8x128xf32, #tpu.memory_space<hbm>> -> memref<2x8x128xf32, #tpu.memory_space<hbm>>
    %dma_wait3A_405 = arith.constant 0 : i32
    %dma_wait3A_406 = arith.constant 0 : i32
    %dma_wait3A_407 = arith.constant 0 : i32
    %dma_wait3A_408 = tpu.memref_slice %arg14[%dma_wait3A_405, %dma_wait3A_406, %dma_wait3A_407] : memref<2x8x129xf32, #tpu.memory_space<vmem>> -> memref<2x8x128xf32, #tpu.memory_space<vmem>>
    tpu.wait_dma2 semaphore(%arg20 : memref<!tpu.dma_semaphore, #tpu.memory_space<semaphore_mem>>) src(%dma_wait3A_408 : memref<2x8x128xf32, #tpu.memory_space<vmem>>) dst(%dma_wait3A_404 : memref<2x8x128xf32, #tpu.memory_space<hbm>>)
    %dma_wait3A_409 = arith.constant 0 : i32
    %dma_wait3A_410 = arith.constant 0 : i32
    %dma_wait3A_411 = arith.constant 0 : i32
    %dma_wait3A_412 = arith.constant 0 : i32
    %dma_wait3A_413 = tpu.memref_slice %arg15[%dma_wait3A_410, %dma_wait3A_411, %dma_wait3A_412] : memref<2x8x129xf32, #tpu.memory_space<vmem>> -> memref<2x8x128xf32, #tpu.memory_space<vmem>>
    %dma_wait3A_414 = arith.constant 6 : i32
    %dma_wait3A_415 = arith.constant 0 : i32
    %dma_wait3A_416 = arith.constant 0 : i32
    %dma_wait3A_417 = tpu.memref_slice %arg4[%dma_wait3A_409, %dma_wait3A_414, %add3A, %dma_wait3A_415, %dma_wait3A_416] : memref<200x8x32x8x128xf32, #tpu.memory_space<hbm>> -> memref<1x2x1x8x128xf32, #tpu.memory_space<hbm>>
    %dma_wait3A_418 = tpu.memref_squeeze %dma_wait3A_417 : memref<1x2x1x8x128xf32, #tpu.memory_space<hbm>> -> memref<2x8x128xf32, #tpu.memory_space<hbm>>
    %dma_wait3A_419 = arith.constant 6 : i32
    %dma_wait3A_420 = arith.constant 0 : i32
    %dma_wait3A_421 = arith.constant 0 : i32
    %dma_wait3A_422 = tpu.memref_slice %arg4[%dma_wait3A_409, %dma_wait3A_419, %add3A, %dma_wait3A_420, %dma_wait3A_421] : memref<200x8x32x8x128xf32, #tpu.memory_space<hbm>> -> memref<1x2x1x8x128xf32, #tpu.memory_space<hbm>>
    %dma_wait3A_423 = tpu.memref_squeeze %dma_wait3A_422 : memref<1x2x1x8x128xf32, #tpu.memory_space<hbm>> -> memref<2x8x128xf32, #tpu.memory_space<hbm>>
    %dma_wait3A_424 = arith.constant 0 : i32
    %dma_wait3A_425 = arith.constant 0 : i32
    %dma_wait3A_426 = arith.constant 0 : i32
    %dma_wait3A_427 = tpu.memref_slice %arg15[%dma_wait3A_424, %dma_wait3A_425, %dma_wait3A_426] : memref<2x8x129xf32, #tpu.memory_space<vmem>> -> memref<2x8x128xf32, #tpu.memory_space<vmem>>
    tpu.wait_dma2 semaphore(%arg20 : memref<!tpu.dma_semaphore, #tpu.memory_space<semaphore_mem>>) src(%dma_wait3A_427 : memref<2x8x128xf32, #tpu.memory_space<vmem>>) dst(%dma_wait3A_423 : memref<2x8x128xf32, #tpu.memory_space<hbm>>)
    return
  }
}

</mosaic_0001>

<sc_bundles>
// kernel: kernel.3.cloned.1.call-start
scs
__scs_entry_jumppad:
0x0: {  	(pc) =	sbr.rel $0x88, $3  }
0x1: {  	(tag) =	ssettag $0x0;
	lr =	simm.s32 $0x1  }
0x2: {  	[smem:$0x3F9F] =	sst lr;
	_ =	strace $0xD0000000  }
0x3: {  	_ = 	snop  }
0x4: {  	_ = 	snop  }
0x5: {  	_ = 	snop  }
0x6: {  	_ = 	snop  }
0x7: {  	_ = 	snop  }
__scs_overlays_trampoline_lowered:
0x8: {  	[smem:$0x3FAE] =	sst s0  }
0x9: {  	[smem:$0x3FAF] =	sst s1  }
0xa: {  	[smem:$0x3FB0] =	sst s2  }
0xb: {  	[smem:$0x3FB1] =	sst s3  }
0xc: {  	[smem:$0x3FB2] =	sst s4  }
0xd: {  	[smem:$0x3FB3] =	sst s5  }
0xe: {  	[smem:$0x3FB4] =	sst s6  }
0xf: {  	[smem:$0x3FB5] =	sst s7  }
0x10: {  	[smem:$0x3FB6] =	sst s8  }
0x11: {  	[smem:$0x3FB7] =	sst s9;
	s0 =	simm.s32 @!p0 $0x0  }
0x12: {  	s1 =	sld [smem:$0x3F9D];
	s0 =	simm.s32 @p0 $0x1  }
0x13: {  	[smem:$0x3FB8] =	sst s0;
	s0 =	simm.s32 @!p1 $0x0  }
0x14: {  	s2 =	sld [smem:$0x3F9C];
	s0 =	simm.s32 @p1 $0x1  }
0x15: {  	[smem:$0x3FB9] =	sst s0;
	s0 =	simm.s32 @!p2 $0x0  }
0x16: {  	s3 =	sld [smem:$0x3FDB];
	s0 =	simm.s32 @p2 $0x1  }
0x17: {  	s4 =	simm.s32 $0x1BF5;
	[smem:$0x3FBB] =	sst s0  }
0x18: {  	s0 =	sld [smem:$0x3F9E];
	_ =	swait.ge [sflag:s4], $0x0  }
0x19: {  	s7 =	sld [smem:$0x3F9F]  }
0x1a: {  	s8 =	sadd.s32 $0xFFFFE003, lr  }
0x1b: {  	s9 =	sadd.s32 $0xFFFFFEF7, lr;
	s5 =	simm.s32 $0xFFFFFFFF;
	p2 =	slt.u32 s8, $0xFFFFF086  }
0x1c: {  	p1 =	slt.u32 s9, $0xF7A;
	s5 =	simm.s32 @!p2 $0x0  }
0x1d: {  	s5 =	simm.s32 @p1 $0x1;
	p0 =	seq.s32 s7, s2  }
0x1e: {  	s7 =	smul.u32 @!p0 $0xF7A, s2;
	p2 =	seq.s32 @!p0 s5, $0x0  }
0x1f: {  	s9 =	smul.u32 $0xF7A, s1;
	s8 =	simm.s32 @!p0 $0x1BF5;
	p2 =	por !p2, p0  }
0x20: {  	[sflag:s8] =	ssyncset.s32 @!p0 $0xFFFFF086;
	s6 =	sadd.s32 @!p0 s3, s7;
	s7 =	simm.s32 @!p0 $0x108  }
0x21: {  	s3 =	sadd.s32 s3, s9;
	s6 =	sadd.s32 @!p0 $0x88, s6;
	s7 =	simm.s32 @p2 $0x1082  }
0x22: {  	[simem:s7], [sflag:s8] =	dma.local @!p0 [hbm:s6], $0xF7A  }
0x23: {  	s9 =	sor.u32 $0xD0000000, s2;
	s6 =	simm.s32 $0x108;
	_ =	swait.ge @!p0 [sflag:s8], $0x0  }
0x24: {  	s3 =	sadd.s32 $0x88, s3;
	s6 =	simm.s32 @!p1 $0x1082;
	[sflag:s4] =	ssyncset.s32 $0xFFFFF086  }
0x25: {  	[simem:s6], [sflag:s4] =	dma.local [hbm:s3], $0xF7A  }
0x26: {  	[smem:$0x3F9F] =	sst s1;
	(tag) =	ssettag s2;
	_ =	strace s9  }
0x27: {  	s1 =	sld [smem:$0x3FAF]  }
0x28: {  	s2 =	sld [smem:$0x3FB0]  }
0x29: {  	s4 =	sld [smem:$0x3FB2]  }
0x2a: {  	p0 =	seq.s32 s5, $0x0;
	s5 =	sld [smem:$0x3FB3]  }
0x2b: {  	s6 =	sld [smem:$0x3FB4]  }
0x2c: {  	s7 =	sld [smem:$0x3FB5]  }
0x2d: {  	s3 =	simm.s32 $0x108;
	s8 =	sld [smem:$0x3FB6]  }
0x2e: {  	s3 =	simm.s32 @!p0 $0x1082;
	s9 =	sld [smem:$0x3FB7]  }
0x2f: {  	lr =	sadd.s32 s0, s3;
	s0 =	sld [smem:$0x3FAE]  }
0x30: {  	s3 =	sld [smem:$0x3FB1]  }
0x31: {  	[smem:$0x3FBA] =	sst s10  }
0x32: {  	s10 =	sld [smem:$0x3FB8];
	_ =	sdelay $0x3  }
0x33: {  	p0 =	seq.s32 s10, $0x1;
	s10 =	sld [smem:$0x3FBA];
	_ =	sdelay $0x3  }
0x34: {  	[smem:$0x3FBA] =	sst s10  }
0x35: {  	s10 =	sld [smem:$0x3FB9];
	_ =	sdelay $0x3  }
0x36: {  	p1 =	seq.s32 s10, $0x1;
	s10 =	sld [smem:$0x3FBA];
	_ =	sdelay $0x3  }
0x37: {  	[smem:$0x3FBA] =	sst s10  }
0x38: {  	s10 =	sld [smem:$0x3FBB]  }
0x39: {  	_ = 	snop;
	(pc) =	sbr.ind lr, $3  }
0x3a: {  	_ = 	snop  }
0x3b: {  	_ = 	snop  }
0x3c: {  	p2 =	seq.s32 s10, $0x1;
	s10 =	sld [smem:$0x3FBA]  }
0x3d: {  	_ =	shalt  }
0x3e: {  	_ =	shalt  }
0x3f: {  	_ =	shalt  }
0x40: {  	_ =	shalt  }
0x41: {  	_ =	shalt  }
0x42: {  	_ =	shalt  }
0x43: {  	_ =	shalt  }
0x44: {  	_ =	shalt  }
0x45: {  	_ =	shalt  }
0x46: {  	_ =	shalt  }
0x47: {  	_ =	shalt  }
0x48: {  	_ =	shalt  }
0x49: {  	_ =	shalt  }
0x4a: {  	_ =	shalt  }
0x4b: {  	_ =	shalt  }
0x4c: {  	_ =	shalt  }
0x4d: {  	_ =	shalt  }
0x4e: {  	_ =	shalt  }
0x4f: {  	_ =	shalt  }
0x50: {  	_ =	shalt  }
0x51: {  	_ =	shalt  }
0x52: {  	_ =	shalt  }
0x53: {  	_ =	shalt  }
0x54: {  	_ =	shalt  }
0x55: {  	_ =	shalt  }
0x56: {  	_ =	shalt  }
0x57: {  	_ =	shalt  }
0x58: {  	_ =	shalt  }
0x59: {  	_ =	shalt  }
0x5a: {  	_ =	shalt  }
0x5b: {  	_ =	shalt  }
0x5c: {  	_ =	shalt  }
0x5d: {  	_ =	shalt  }
0x5e: {  	_ =	shalt  }
0x5f: {  	_ =	shalt  }
0x60: {  	_ =	shalt  }
0x61: {  	_ =	shalt  }
0x62: {  	_ =	shalt  }
0x63: {  	_ =	shalt  }
0x64: {  	_ =	shalt  }
0x65: {  	_ =	shalt  }
0x66: {  	_ =	shalt  }
0x67: {  	_ =	shalt  }
0x68: {  	_ =	shalt  }
0x69: {  	_ =	shalt  }
0x6a: {  	_ =	shalt  }
0x6b: {  	_ =	shalt  }
0x6c: {  	_ =	shalt  }
0x6d: {  	_ =	shalt  }
0x6e: {  	_ =	shalt  }
0x6f: {  	_ =	shalt  }
0x70: {  	_ =	shalt  }
0x71: {  	_ =	shalt  }
0x72: {  	_ =	shalt  }
0x73: {  	_ =	shalt  }
0x74: {  	_ =	shalt  }
0x75: {  	_ =	shalt  }
0x76: {  	_ =	shalt  }
0x77: {  	_ =	shalt  }
0x78: {  	_ =	shalt  }
0x79: {  	_ =	shalt  }
0x7a: {  	_ =	shalt  }
0x7b: {  	_ =	shalt  }
0x7c: {  	_ =	shalt  }
0x7d: {  	_ =	shalt  }
0x7e: {  	_ =	shalt  }
0x7f: {  	_ =	shalt  }
0x80: {  	_ =	shalt  }
0x81: {  	_ =	shalt  }
0x82: {  	_ =	shalt  }
0x83: {  	_ =	shalt  }
0x84: {  	_ =	shalt  }
0x85: {  	_ =	shalt  }
0x86: {  	_ =	shalt  }
0x87: {  	_ =	shalt  }
.Lfunc_end0:
.L_simem_size_0:
called_computation_lowered:
.L_overlay_start_0:
0x88: {  	s2 =	sld [smem:$0x3FD9]  }
0x89: {  	s3 =	sld [smem:$0x3FFE];
	_ =	sdelay $0x1  }
0x8a: {  	s1 =	srdreg.scid  }
0x8b: {  	s0 =	sand.u32 $0x1, s1  }
0x8c: {  	s17 =	sshll.u32 s0, $0xA;
	s2 =	sadd.s32 s3, s2  }
0x8d: {  	s2 =	sadd.s32 s2, s17  }
0x8e: {  	[smem:$0x3FC6] =	sst s2  }
0x8f: {  	_ = 	snop  }
0x90: {  	s2 =	sld [smem:$0x3FD0];
	(tm) =	ssettm $0x1  }
0x91: {  	s18 =	sld [smem:$0x3FFB];
	_ =	sdelay $0x3  }
0x92: {  	_ =	strace s18  }
0x93: {  	s3 =	sld [smem:$0x3FFC];
	_ =	sdelay $0x3  }
0x94: {  	_ =	strace s3  }
0x95: {  	s3 =	sld [smem:$0x3FFD];
	_ =	sdelay $0x3  }
0x96: {  	_ =	strace s3  }
0x97: {  	_ =	strace $0x8FFFFFFF  }
0x98: {  	s19 =	sld [smem:$0x3FDB];
	_ =	sdelay $0x1  }
0x99: {  	s4 =	simm.s32 $_scs_section_size  }
0x9a: {  	s5 =	simm.s32 $_size__tile_overlayer_lowered;
	s6 =	simm.s32 $_tile_overlayer_lowered  }
0x9b: {  	s22 =	simm.s32 $0x1BFF;
	s21 =	sshll.u32 s6, $0x1;
	s3 =	sadd.s32 s4, s19  }
0x9c: {  	s7 =	simm.s32 $0x0;
	s20 =	sshll.u32 s5, $0x1;
	s5 =	sadd.s32 s21, s3  }
0x9d: {  	[timem:s7], [sflag:s22] =	dma.local [hbm:s5], s20  }
0x9e: {  	_ =	swait.ge [sflag:s22], s20  }
0x9f: {  	s4 =	ssub.s32 $0x0, s20;
	[sflag:s22] =	ssyncset.done $0x0  }
0xa0: {  	[sflag:s22] =	ssyncadd.s32 s4;
	_ =	sdelay $0x1  }
0xa1: {  	s23 =	simm.s32 $0x1B8B  }
0xa2: {  	_ =	swait.ge [sflag:s23], $0x1  }
0xa3: {  	[sflag:s23] =	ssyncset.done $0x0  }
0xa4: {  	s25 =	simm.s32 $0x1B8E;
	s24 =	sld [smem:$0x3FFE];
	[sflag:s23] =	ssyncadd.s32 $0xFFFFFFFF  }
0xa5: {  	s26 =	simm.s32 $execute0_lowered;
	[smem:$0x3FD2] =	sst s25  }
0xa6: {  	s5 =	sshll.u32 s26, $0x1;
	_ =	strace $0x80000046;
	[dreg:$0x1] =	wrdreg $0xFFFFFFFF  }
0xa7: {  	s28 =	simm.s32 $_size_execute0_lowered;
	s3 =	sadd.s32 s3, s5;
	[dreg:$0x0] =	wrdreg $0x0  }
0xa8: {  	s5 =	sshll.u32 s28, $0x1;
	[dreg:$0x2] =	wrdreg s3  }
0xa9: {  	[dreg:$0x3] =	wrdreg s5  }
0xaa: {  	[dreg:$0x4] =	wrdreg $0xC0  }
0xab: {  	_ =	task [dreg:s7], $0x5FFFF  }
0xac: {  	[dreg:$0x1] =	wrdreg $0xFFFFFFFF  }
0xad: {  	[dreg:$0x0] =	wrdreg $0x60  }
0xae: {  	[dreg:$0x2] =	wrdreg s24  }
0xaf: {  	[dreg:$0x3] =	wrdreg s2  }
0xb0: {  	[dreg:$0x4] =	wrdreg $0x9  }
0xb1: {  	_ =	task.clear_ibuf [dreg:s7], $0x5FFFF;
	_ =	strace $0x90000046  }
0xb2: {  	s29 =	simm.s32 $0x9;
	_ =	strace $0x80000048  }
0xb3: {  	_ =	swait.ge [sflag:s29], $0x1  }
0xb4: {  	[sflag:s29] =	ssyncadd.s32 $0xFFFFFFFF  }
0xb5: {  	_ =	strace $0x90000048  }
0xb6: {  	_ =	sfence  }
0xb7: {  	s30 =	sld [smem:$0x0];
	_ =	sdelay $0x2  }
0xb8: {  	s31 =	sshll.u32 s1, $0xD;
	s1 =	sshrl.u32 s1, $0x2  }
0xb9: {  	s3 =	sand.u32 $0x4000, s31;
	s1 =	sadd.s32 s1, s30  }
0xba: {  	s0 =	sor.u32 s3, s0;
	s1 =	sshll.u32 s1, $0x11  }
0xbb: {  	s0 =	sor.u32 s1, s0  }
0xbc: {  	s0 =	sadd.s32 $0x8F2B, s0  }
0xbd: {  	[sflag:s0] =	ssyncadd.remote.s32 $0x1  }
0xbe: {  	_ =	sfence.sel $0xFFFF  }
0xbf: {  	[dreg:$0x0] =	wrdreg $0xFFFFFFFF;
	(pc) =	sbr.abs _section_cstart, $3  }
0xc0: {  	[dreg:$0x1] =	wrdreg $0xFFFFFFFF  }
0xc1: {  	_ =	task.clear_ibuf [dreg:s7], $0x2FFFF;
	_ =	strace $0x9FFFFFFF  }
0xc2: {  	(tm) =	ssettm $0x7FFFFFFF  }
0xc3: {  	_ =	shalt  }
tec
execute0_lowered:
.L_overlay_start_1:
0x0: {  	(tag) =	ssettag $0x1  }
0x1: {  	s0 =	rddreg [dreg:$0x0]  }
0x2: {  	s8 =	rddreg [dreg:$0x1]  }
0x3: {  	s1 =	srdreg.scid;
	s2 =	stileid.u32  }
0x4: {  	s3 =	simm.s32 $0x0;
	s29 =	simm.s32 $0x2;
	s30 =	simm.s32 $0xA400  }
0x5: {  	s31 =	simm.s32 $0xAC80;
	s28 =	simm.s32 $0xE778;
	s13 =	simm.s32 $0x0  }
0x6: {  	s1 =	sand.u32 $0x1, s1;
	s2 =	sshll.u32 s2, $0x1;
	[smem:$0x7FF] =	sst s3  }
0x7: {  	s6 =	sadd.s32 $0x2000, s8;
	s10 =	sadd.s32 $0x4000, s8;
	s11 =	sadd.s32 $0x6000, s8  }
0x8: {  	s12 =	sadd.s32 $0x8000, s8;
	s16 =	sadd.s32 $0xA000, s8;
	s2 =	sor.u32 s1, s2  }
0x9: {  	_ =	strace $0x80000047;
	s1 =	ssub.s32 $0x2, s1;
	s5 =	sshll.u32 s2, $0x7  }
0xa: {  	s4 =	sshll.u32 s2, $0x4;
	s17 =	sshrl.u32 s1, $0x1;
	s19 =	sadd.s32 s8, s5  }
0xb: {  	s2 =	simm.s32 $0x4;
	s20 =	sadd.s32 s5, s6;
	[dreg:$0x4] =	wrdreg s19  }
0xc: {  	s7 =	sadd.s32 s4, s0;
	s21 =	sadd.s32 s5, s10;
	[dreg:$0x5] =	wrdreg s20  }
0xd: {  	s4 =	sadd.s32 $0xF42A00, s0;
	s22 =	sadd.s32 s5, s11;
	[dreg:$0x6] =	wrdreg s21  }
0xe: {  	s0 =	ssub.s32 s1, s17;
	s23 =	sadd.s32 s5, s12;
	[dreg:$0x7] =	wrdreg s22  }
0xf: {  	s17 =	sadd.s32 $0xC000, s8;
	s24 =	sadd.s32 s5, s16;
	[dreg:$0x8] =	wrdreg s23  }
0x10: {  	s1 =	simm.s32 $0xBD80;
	s18 =	sadd.s32 $0x600, s7;
	[dreg:$0x9] =	wrdreg s24  }
0x11: {  	v0 =	vlaneseq.u32;
	s25 =	sadd.s32 s5, s17;
	s0 =	smax.u32 s0, $0x1;
	s23 =	simm.s32 $0x80  }
.Ltmp0:
0x12: {  	v0 =	vmul.u32 $0x88, v0;
	s19 =	simm.s32 $0x6400;
	[dreg:$0x3] =	wrdreg s18;
	(pc) =	sbr.rel .LBB2_1-.Ltmp0, $4  }
0x13: {  	s24 =	simm.s32 $0x3;
	s7 =	simm.s32 $0xCE80;
	[dreg:$0xa] =	wrdreg s25  }
0x14: {  	v1 =	vor.u32 $0x1, v0;
	s22 =	simm.s32 $0xD700;
	s18 =	sadd.s32 $0xE000, s8;
	[dreg:$0xc] =	wrdreg s0  }
0x15: {  	v2 =	vor.u32 $0x2, v0;
	v3 =	vor.u32 $0x3, v0;
	v4 =	vor.u32 $0x4, v0;
	s0 =	simm.s32 $0xB500;
	s25 =	simm.s32 $0xDF80;
	s26 =	sadd.s32 s5, s18  }
0x16: {  	v5 =	vor.u32 $0x5, v0;
	v6 =	vor.u32 $0x6, v0;
	v7 =	vor.u32 $0x7, v0;
	s8 =	simm.s32 $0x5;
	[dreg:$0xb] =	wrdreg s26;
	s26 =	simm.s32 $0xC600  }
.LBB2_12:
0x17: {  	_ =	swait.ge [sflag:s2], $0x800  }
0x18: {  	[sflag:s2] =	ssyncset.done $0x0  }
0x19: {  	[sflag:s2] =	ssyncadd.s32 $0xFFFFF800  }
0x1a: {  	_ =	swait.ge [sflag:s2], $0x800  }
0x1b: {  	[sflag:s2] =	ssyncset.done $0x0  }
0x1c: {  	[sflag:s2] =	ssyncadd.s32 $0xFFFFF800  }
0x1d: {  	_ =	swait.ge [sflag:s2], $0x800  }
0x1e: {  	[sflag:s2] =	ssyncset.done $0x0  }
0x1f: {  	[sflag:s2] =	ssyncadd.s32 $0xFFFFF800  }
0x20: {  	_ =	swait.ge [sflag:s2], $0x800  }
0x21: {  	[sflag:s2] =	ssyncset.done $0x0  }
0x22: {  	[sflag:s2] =	ssyncadd.s32 $0xFFFFF800  }
0x23: {  	_ =	swait.ge [sflag:s8], $0x800  }
0x24: {  	[sflag:s8] =	ssyncset.done $0x0  }
0x25: {  	[sflag:s8] =	ssyncadd.s32 $0xFFFFF800  }
0x26: {  	_ =	swait.ge [sflag:s8], $0x800  }
0x27: {  	[sflag:s8] =	ssyncset.done $0x0  }
0x28: {  	[sflag:s8] =	ssyncadd.s32 $0xFFFFF800  }
0x29: {  	_ =	swait.ge [sflag:s8], $0x800  }
0x2a: {  	[sflag:s8] =	ssyncset.done $0x0  }
0x2b: {  	[sflag:s8] =	ssyncadd.s32 $0xFFFFF800  }
0x2c: {  	_ =	swait.ge [sflag:s8], $0x800  }
0x2d: {  	s13 =	rddreg [dreg:$0xd]  }
0x2e: {  	s9 =	rddreg [dreg:$0xc];
	s13 =	sadd.s32 $0x1, s13  }
0x2f: {  	p0 =	sne.s32 s13, s9  }
.Ltmp1:
0x30: {  	_ = 	snop;
	(pc) =	sbr.rel @!p0 .LBB2_13-.Ltmp1, $3  }
0x31: {  	_ =	sdelay $0x1  }
0x32: {  	[sflag:s8] =	ssyncset.done $0x0  }
0x33: {  	s19 =	simm.s32 $0x6400;
	[sflag:s8] =	ssyncadd.s32 $0xFFFFF800  }
.LBB2_1:
0x34: {  	[dreg:$0xd] =	wrdreg s13  }
0x35: {  	s9 =	rddreg [dreg:$0x3];
	s14 =	simm.s32 $0x1000;
	s15 =	simm.s32 $0x1  }
0x36: {  	[tilespmem:s3], [sflag:$0x1] =	stream.strided.gather [hbm4b:s9+s23], $0x6400, s14, s23, $0x38;
	[tilespmem:$0xE800] =	vst v63  }
0x37: {  	_ =	swait.ge [sflag:s15], $0x6400  }
0x38: {  	[sflag:s15] =	ssyncset.done $0x0  }
0x39: {  	[sflag:s15] =	ssyncadd.s32 $0xFFFF9C00  }
0x3a: {  	[tilespmem:s19], [sflag:$0x2] =	stream.indirect.gather [hbm4b:s4+s23], $0x40, s3, s23, $0xb8;
	[tilespmem:$0xE800] =	vst v63  }
0x3b: {  	s20 =	simm.s32 $0x8400  }
0x3c: {  	[tilespmem:s20], [sflag:$0x3] =	stream.indirect.gather [hbm4b:s4+s23], $0x40, s23, s23, $0xb8;
	[tilespmem:$0xE800] =	vst v63  }
0x3d: {  	_ =	swait.ge [sflag:s29], $0x2000  }
0x3e: {  	[sflag:s29] =	ssyncset.done $0x0  }
0x3f: {  	s9 =	simm.s32 $0x6500;
	[sflag:s29] =	ssyncadd.s32 $0xFFFFE000  }
0x40: {  	v9 =	vadd.s32 s3, v0;
	v8 =	vld [tilespmem:s9+$0xFFFFFF00];
	_ =	sdelay $0x4  }
0x41: {  	[tilespmem:v9+s30+$0x0] =	vst.idx.msk $0xffff, v8  }
0x42: {  	v8 =	vld [tilespmem:s9+$0xFFFFFF10];
	_ =	sdelay $0x4  }
0x43: {  	[tilespmem:v9+s31+$0x0] =	vst.idx.msk $0xffff, v8  }
0x44: {  	v8 =	vld [tilespmem:s9+$0xFFFFFF20];
	_ =	sdelay $0x4  }
0x45: {  	[tilespmem:v9+s0+$0x0] =	vst.idx.msk $0xffff, v8  }
0x46: {  	v8 =	vld [tilespmem:s9+$0xFFFFFF30];
	_ =	sdelay $0x4  }
0x47: {  	[tilespmem:v9+s1+$0x0] =	vst.idx.msk $0xffff, v8  }
0x48: {  	v9 =	vadd.s32 s3, v1;
	v8 =	vld [tilespmem:s9+$0xFFFFFF40];
	_ =	sdelay $0x4  }
0x49: {  	[tilespmem:v9+s30+$0x0] =	vst.idx.msk $0xffff, v8  }
0x4a: {  	v8 =	vld [tilespmem:s9+$0xFFFFFF50];
	_ =	sdelay $0x4  }
0x4b: {  	[tilespmem:v9+s31+$0x0] =	vst.idx.msk $0xffff, v8  }
0x4c: {  	v8 =	vld [tilespmem:s9+$0xFFFFFF60];
	_ =	sdelay $0x4  }
0x4d: {  	[tilespmem:v9+s0+$0x0] =	vst.idx.msk $0xffff, v8  }
0x4e: {  	v8 =	vld [tilespmem:s9+$0xFFFFFF70];
	_ =	sdelay $0x4  }
0x4f: {  	[tilespmem:v9+s1+$0x0] =	vst.idx.msk $0xffff, v8  }
0x50: {  	v9 =	vadd.s32 s3, v2;
	v8 =	vld [tilespmem:s9+$0xFFFFFF80];
	_ =	sdelay $0x4  }
0x51: {  	[tilespmem:v9+s30+$0x0] =	vst.idx.msk $0xffff, v8  }
0x52: {  	v8 =	vld [tilespmem:s9+$0xFFFFFF90];
	_ =	sdelay $0x4  }
0x53: {  	[tilespmem:v9+s31+$0x0] =	vst.idx.msk $0xffff, v8  }
0x54: {  	v8 =	vld [tilespmem:s9+$0xFFFFFFA0];
	_ =	sdelay $0x4  }
0x55: {  	[tilespmem:v9+s0+$0x0] =	vst.idx.msk $0xffff, v8  }
0x56: {  	v8 =	vld [tilespmem:s9+$0xFFFFFFB0];
	_ =	sdelay $0x4  }
0x57: {  	[tilespmem:v9+s1+$0x0] =	vst.idx.msk $0xffff, v8  }
0x58: {  	v9 =	vadd.s32 s3, v3;
	v8 =	vld [tilespmem:s9+$0xFFFFFFC0];
	_ =	sdelay $0x4  }
0x59: {  	[tilespmem:v9+s30+$0x0] =	vst.idx.msk $0xffff, v8  }
0x5a: {  	v8 =	vld [tilespmem:s9+$0xFFFFFFD0];
	_ =	sdelay $0x4  }
0x5b: {  	[tilespmem:v9+s31+$0x0] =	vst.idx.msk $0xffff, v8  }
0x5c: {  	v8 =	vld [tilespmem:s9+$0xFFFFFFE0];
	_ =	sdelay $0x4  }
0x5d: {  	[tilespmem:v9+s0+$0x0] =	vst.idx.msk $0xffff, v8  }
0x5e: {  	v8 =	vld [tilespmem:s9+$0xFFFFFFF0]  }
0x5f: {  	s21 =	simm.s32 $0x4  }
0x60: {  	v10 =	vmov s21  }
0x61: {  	v10 =	vand.u32 $0x78, v10  }
0x62: {  	v10 =	vbroadcast v10, $0x0  }
0x63: {  	[tilespmem:v9+s1+$0x0] =	vst.idx.msk $0xffff, v8  }
0x64: {  	v9 =	vadd.s32 v4, v10;
	v8 =	vld [tilespmem:s9+$0x0];
	_ =	sdelay $0x4  }
0x65: {  	[tilespmem:v9+s30+$0x0] =	vst.idx.msk $0xffff, v8  }
0x66: {  	v8 =	vld [tilespmem:s9+$0x10];
	_ =	sdelay $0x4  }
0x67: {  	[tilespmem:v9+s31+$0x0] =	vst.idx.msk $0xffff, v8  }
0x68: {  	v8 =	vld [tilespmem:s9+$0x20];
	_ =	sdelay $0x4  }
0x69: {  	[tilespmem:v9+s0+$0x0] =	vst.idx.msk $0xffff, v8  }
0x6a: {  	v8 =	vld [tilespmem:s9+$0x30];
	_ =	sdelay $0x4  }
0x6b: {  	[tilespmem:v9+s1+$0x0] =	vst.idx.msk $0xffff, v8  }
0x6c: {  	v9 =	vadd.s32 v5, v10;
	v8 =	vld [tilespmem:s9+$0x40];
	_ =	sdelay $0x4  }
0x6d: {  	[tilespmem:v9+s30+$0x0] =	vst.idx.msk $0xffff, v8  }
0x6e: {  	v8 =	vld [tilespmem:s9+$0x50];
	_ =	sdelay $0x4  }
0x6f: {  	[tilespmem:v9+s31+$0x0] =	vst.idx.msk $0xffff, v8  }
0x70: {  	v8 =	vld [tilespmem:s9+$0x60];
	_ =	sdelay $0x4  }
0x71: {  	[tilespmem:v9+s0+$0x0] =	vst.idx.msk $0xffff, v8  }
0x72: {  	v8 =	vld [tilespmem:s9+$0x70];
	_ =	sdelay $0x4  }
0x73: {  	[tilespmem:v9+s1+$0x0] =	vst.idx.msk $0xffff, v8  }
0x74: {  	v9 =	vadd.s32 v6, v10;
	v8 =	vld [tilespmem:s9+$0x80];
	_ =	sdelay $0x4  }
0x75: {  	[tilespmem:v9+s30+$0x0] =	vst.idx.msk $0xffff, v8  }
0x76: {  	v8 =	vld [tilespmem:s9+$0x90];
	_ =	sdelay $0x4  }
0x77: {  	[tilespmem:v9+s31+$0x0] =	vst.idx.msk $0xffff, v8  }
0x78: {  	v8 =	vld [tilespmem:s9+$0xA0];
	_ =	sdelay $0x4  }
0x79: {  	[tilespmem:v9+s0+$0x0] =	vst.idx.msk $0xffff, v8  }
0x7a: {  	v8 =	vld [tilespmem:s9+$0xB0];
	_ =	sdelay $0x4  }
0x7b: {  	[tilespmem:v9+s1+$0x0] =	vst.idx.msk $0xffff, v8  }
0x7c: {  	v8 =	vadd.s32 v7, v10;
	v9 =	vld [tilespmem:s9+$0xC0];
	_ =	sdelay $0x4  }
0x7d: {  	[tilespmem:v8+s30+$0x0] =	vst.idx.msk $0xffff, v9  }
0x7e: {  	v9 =	vld [tilespmem:s9+$0xD0];
	_ =	sdelay $0x4  }
0x7f: {  	[tilespmem:v8+s31+$0x0] =	vst.idx.msk $0xffff, v9  }
0x80: {  	v9 =	vld [tilespmem:s9+$0xE0];
	_ =	sdelay $0x4  }
0x81: {  	[tilespmem:v8+s0+$0x0] =	vst.idx.msk $0xffff, v9  }
0x82: {  	s13 =	simm.s32 $0x0;
	s14 =	simm.s32 $0x0;
	v9 =	vld [tilespmem:s9+$0xF0]  }
.LBB2_2:
0x83: {  	_ =	sdelay $0x3  }
0x84: {  	s13 =	sadd.s32 $0x2, s13;
	s9 =	sadd.s32 $0x200, s9;
	s14 =	sadd.s32 $0x8, s14;
	[tilespmem:v8+s1+$0x0] =	vst.idx.msk $0xffff, v9  }
0x85: {  	p0 =	slt.u32 s13, $0x1E;
	v9 =	vadd.s32 s14, v0;
	v8 =	vld [tilespmem:s9+$0xFFFFFF00];
	_ =	sdelay $0x4  }
0x86: {  	[tilespmem:v9+s30+$0x0] =	vst.idx.msk $0xffff, v8  }
0x87: {  	v8 =	vld [tilespmem:s9+$0xFFFFFF10];
	_ =	sdelay $0x4  }
0x88: {  	[tilespmem:v9+s31+$0x0] =	vst.idx.msk $0xffff, v8  }
0x89: {  	v8 =	vld [tilespmem:s9+$0xFFFFFF20];
	_ =	sdelay $0x4  }
0x8a: {  	[tilespmem:v9+s0+$0x0] =	vst.idx.msk $0xffff, v8  }
0x8b: {  	v8 =	vld [tilespmem:s9+$0xFFFFFF30];
	_ =	sdelay $0x4  }
0x8c: {  	[tilespmem:v9+s1+$0x0] =	vst.idx.msk $0xffff, v8  }
0x8d: {  	v9 =	vadd.s32 s14, v1;
	v8 =	vld [tilespmem:s9+$0xFFFFFF40];
	_ =	sdelay $0x4  }
0x8e: {  	[tilespmem:v9+s30+$0x0] =	vst.idx.msk $0xffff, v8  }
0x8f: {  	v8 =	vld [tilespmem:s9+$0xFFFFFF50];
	_ =	sdelay $0x4  }
0x90: {  	[tilespmem:v9+s31+$0x0] =	vst.idx.msk $0xffff, v8  }
0x91: {  	v8 =	vld [tilespmem:s9+$0xFFFFFF60];
	_ =	sdelay $0x4  }
0x92: {  	[tilespmem:v9+s0+$0x0] =	vst.idx.msk $0xffff, v8  }
0x93: {  	v8 =	vld [tilespmem:s9+$0xFFFFFF70];
	_ =	sdelay $0x4  }
0x94: {  	[tilespmem:v9+s1+$0x0] =	vst.idx.msk $0xffff, v8  }
0x95: {  	v9 =	vadd.s32 s14, v2;
	v8 =	vld [tilespmem:s9+$0xFFFFFF80];
	_ =	sdelay $0x4  }
0x96: {  	[tilespmem:v9+s30+$0x0] =	vst.idx.msk $0xffff, v8  }
0x97: {  	v8 =	vld [tilespmem:s9+$0xFFFFFF90];
	_ =	sdelay $0x4  }
0x98: {  	[tilespmem:v9+s31+$0x0] =	vst.idx.msk $0xffff, v8  }
0x99: {  	v8 =	vld [tilespmem:s9+$0xFFFFFFA0];
	_ =	sdelay $0x4  }
0x9a: {  	[tilespmem:v9+s0+$0x0] =	vst.idx.msk $0xffff, v8  }
0x9b: {  	v8 =	vld [tilespmem:s9+$0xFFFFFFB0];
	_ =	sdelay $0x4  }
0x9c: {  	[tilespmem:v9+s1+$0x0] =	vst.idx.msk $0xffff, v8  }
0x9d: {  	v9 =	vadd.s32 s14, v3;
	v8 =	vld [tilespmem:s9+$0xFFFFFFC0];
	_ =	sdelay $0x4  }
0x9e: {  	[tilespmem:v9+s30+$0x0] =	vst.idx.msk $0xffff, v8  }
0x9f: {  	v8 =	vld [tilespmem:s9+$0xFFFFFFD0];
	_ =	sdelay $0x4  }
0xa0: {  	[tilespmem:v9+s31+$0x0] =	vst.idx.msk $0xffff, v8  }
0xa1: {  	v8 =	vld [tilespmem:s9+$0xFFFFFFE0];
	_ =	sdelay $0x4  }
0xa2: {  	[tilespmem:v9+s0+$0x0] =	vst.idx.msk $0xffff, v8  }
0xa3: {  	v8 =	vld [tilespmem:s9+$0xFFFFFFF0]  }
0xa4: {  	s15 =	sadd.s32 $0x4, s14  }
0xa5: {  	v10 =	vmov s15  }
0xa6: {  	v10 =	vand.u32 $0x78, v10  }
0xa7: {  	v10 =	vbroadcast v10, $0x0  }
0xa8: {  	[tilespmem:v9+s1+$0x0] =	vst.idx.msk $0xffff, v8  }
0xa9: {  	v9 =	vadd.s32 v4, v10;
	v8 =	vld [tilespmem:s9+$0x0];
	_ =	sdelay $0x4  }
0xaa: {  	[tilespmem:v9+s30+$0x0] =	vst.idx.msk $0xffff, v8  }
0xab: {  	v8 =	vld [tilespmem:s9+$0x10];
	_ =	sdelay $0x4  }
0xac: {  	[tilespmem:v9+s31+$0x0] =	vst.idx.msk $0xffff, v8  }
0xad: {  	v8 =	vld [tilespmem:s9+$0x20];
	_ =	sdelay $0x4  }
0xae: {  	[tilespmem:v9+s0+$0x0] =	vst.idx.msk $0xffff, v8  }
0xaf: {  	v8 =	vld [tilespmem:s9+$0x30];
	_ =	sdelay $0x4  }
0xb0: {  	[tilespmem:v9+s1+$0x0] =	vst.idx.msk $0xffff, v8  }
0xb1: {  	v9 =	vadd.s32 v5, v10;
	v8 =	vld [tilespmem:s9+$0x40];
	_ =	sdelay $0x4  }
0xb2: {  	[tilespmem:v9+s30+$0x0] =	vst.idx.msk $0xffff, v8  }
0xb3: {  	v8 =	vld [tilespmem:s9+$0x50];
	_ =	sdelay $0x4  }
0xb4: {  	[tilespmem:v9+s31+$0x0] =	vst.idx.msk $0xffff, v8  }
0xb5: {  	v8 =	vld [tilespmem:s9+$0x60];
	_ =	sdelay $0x4  }
0xb6: {  	[tilespmem:v9+s0+$0x0] =	vst.idx.msk $0xffff, v8  }
0xb7: {  	v8 =	vld [tilespmem:s9+$0x70];
	_ =	sdelay $0x4  }
0xb8: {  	[tilespmem:v9+s1+$0x0] =	vst.idx.msk $0xffff, v8  }
0xb9: {  	v9 =	vadd.s32 v6, v10;
	v8 =	vld [tilespmem:s9+$0x80];
	_ =	sdelay $0x4  }
0xba: {  	[tilespmem:v9+s30+$0x0] =	vst.idx.msk $0xffff, v8  }
0xbb: {  	v8 =	vld [tilespmem:s9+$0x90];
	_ =	sdelay $0x4  }
0xbc: {  	[tilespmem:v9+s31+$0x0] =	vst.idx.msk $0xffff, v8  }
0xbd: {  	v8 =	vld [tilespmem:s9+$0xA0];
	_ =	sdelay $0x4  }
0xbe: {  	[tilespmem:v9+s0+$0x0] =	vst.idx.msk $0xffff, v8  }
0xbf: {  	v8 =	vld [tilespmem:s9+$0xB0];
	_ =	sdelay $0x4  }
0xc0: {  	[tilespmem:v9+s1+$0x0] =	vst.idx.msk $0xffff, v8  }
0xc1: {  	v8 =	vadd.s32 v7, v10;
	v9 =	vld [tilespmem:s9+$0xC0];
	_ =	sdelay $0x4  }
0xc2: {  	[tilespmem:v8+s30+$0x0] =	vst.idx.msk $0xffff, v9  }
0xc3: {  	v9 =	vld [tilespmem:s9+$0xD0];
	_ =	sdelay $0x4  }
0xc4: {  	[tilespmem:v8+s31+$0x0] =	vst.idx.msk $0xffff, v9  }
0xc5: {  	v9 =	vld [tilespmem:s9+$0xE0];
	_ =	sdelay $0x1  }
.Ltmp2:
0xc6: {  	(pc) =	sbr.rel @p0 .LBB2_2-.Ltmp2, $3  }
0xc7: {  	_ =	sdelay $0x1  }
0xc8: {  	[tilespmem:v8+s0+$0x0] =	vst.idx.msk $0xffff, v9  }
0xc9: {  	v9 =	vld [tilespmem:s9+$0xF0]  }
0xca: {  	_ =	sdelay $0x3  }
0xcb: {  	s9 =	simm.s32 $0x0;
	s14 =	rddreg [dreg:$0x4];
	[tilespmem:v8+s1+$0x0] =	vst.idx.msk $0xffff, v9  }
0xcc: {  	[hbm4b:s14+s9] =	stream.linear.scatter [tilespmem:s30], [sflag:$0x4], $0x80, $0x38;
	[tilespmem:$0xE800] =	vst v63  }
0xcd: {  	s15 =	simm.s32 $0xA488;
	s13 =	sadd.s32 $0x10, s14  }
0xce: {  	[hbm4b:s13+s9] =	stream.linear.scatter [tilespmem:s15], [sflag:$0x4], $0x80, $0x38;
	[tilespmem:$0xE800] =	vst v63  }
0xcf: {  	s21 =	simm.s32 $0xA510;
	s20 =	sadd.s32 $0x20, s14  }
0xd0: {  	[hbm4b:s20+s9] =	stream.linear.scatter [tilespmem:s21], [sflag:$0x4], $0x80, $0x38;
	[tilespmem:$0xE800] =	vst v63  }
0xd1: {  	s20 =	sadd.s32 $0x30, s14;
	s21 =	simm.s32 $0xA598  }
0xd2: {  	[hbm4b:s20+s9] =	stream.linear.scatter [tilespmem:s21], [sflag:$0x4], $0x80, $0x38;
	[tilespmem:$0xE800] =	vst v63  }
0xd3: {  	s20 =	sadd.s32 $0x40, s14;
	s21 =	simm.s32 $0xA620  }
0xd4: {  	[hbm4b:s20+s9] =	stream.linear.scatter [tilespmem:s21], [sflag:$0x4], $0x80, $0x38;
	[tilespmem:$0xE800] =	vst v63  }
0xd5: {  	s20 =	sadd.s32 $0x50, s14;
	s21 =	simm.s32 $0xA6A8  }
0xd6: {  	[hbm4b:s20+s9] =	stream.linear.scatter [tilespmem:s21], [sflag:$0x4], $0x80, $0x38;
	[tilespmem:$0xE800] =	vst v63  }
0xd7: {  	s20 =	sadd.s32 $0x60, s14;
	s21 =	simm.s32 $0xA730  }
0xd8: {  	[hbm4b:s20+s9] =	stream.linear.scatter [tilespmem:s21], [sflag:$0x4], $0x80, $0x38;
	[tilespmem:$0xE800] =	vst v63  }
0xd9: {  	s20 =	sadd.s32 $0x70, s14;
	s21 =	simm.s32 $0xA7B8  }
0xda: {  	[hbm4b:s20+s9] =	stream.linear.scatter [tilespmem:s21], [sflag:$0x4], $0x80, $0x38;
	[tilespmem:$0xE800] =	vst v63  }
0xdb: {  	s20 =	sadd.s32 $0x1000, s14;
	s21 =	simm.s32 $0xA840  }
0xdc: {  	[hbm4b:s20+s9] =	stream.linear.scatter [tilespmem:s21], [sflag:$0x4], $0x80, $0x38;
	[tilespmem:$0xE800] =	vst v63  }
0xdd: {  	s20 =	sadd.s32 $0x1010, s14;
	s21 =	simm.s32 $0xA8C8  }
0xde: {  	[hbm4b:s20+s9] =	stream.linear.scatter [tilespmem:s21], [sflag:$0x4], $0x80, $0x38;
	[tilespmem:$0xE800] =	vst v63  }
0xdf: {  	s20 =	sadd.s32 $0x1020, s14;
	s21 =	simm.s32 $0xA950  }
0xe0: {  	[hbm4b:s20+s9] =	stream.linear.scatter [tilespmem:s21], [sflag:$0x4], $0x80, $0x38;
	[tilespmem:$0xE800] =	vst v63  }
0xe1: {  	s20 =	sadd.s32 $0x1030, s14;
	s21 =	simm.s32 $0xA9D8  }
0xe2: {  	[hbm4b:s20+s9] =	stream.linear.scatter [tilespmem:s21], [sflag:$0x4], $0x80, $0x38;
	[tilespmem:$0xE800] =	vst v63  }
0xe3: {  	s20 =	sadd.s32 $0x1040, s14;
	s21 =	simm.s32 $0xAA60  }
0xe4: {  	[hbm4b:s20+s9] =	stream.linear.scatter [tilespmem:s21], [sflag:$0x4], $0x80, $0x38;
	[tilespmem:$0xE800] =	vst v63  }
0xe5: {  	s20 =	sadd.s32 $0x1050, s14;
	s21 =	simm.s32 $0xAAE8  }
0xe6: {  	[hbm4b:s20+s9] =	stream.linear.scatter [tilespmem:s21], [sflag:$0x4], $0x80, $0x38;
	[tilespmem:$0xE800] =	vst v63  }
0xe7: {  	s20 =	sadd.s32 $0x1060, s14;
	s21 =	simm.s32 $0xAB70  }
0xe8: {  	[hbm4b:s20+s9] =	stream.linear.scatter [tilespmem:s21], [sflag:$0x4], $0x80, $0x38;
	[tilespmem:$0xE800] =	vst v63  }
0xe9: {  	s15 =	simm.s32 $0xABF8;
	s14 =	sadd.s32 $0x1070, s14  }
0xea: {  	[hbm4b:s14+s9] =	stream.linear.scatter [tilespmem:s15], [sflag:$0x4], $0x80, $0x38;
	[tilespmem:$0xE800] =	vst v63  }
0xeb: {  	s14 =	rddreg [dreg:$0x5]  }
0xec: {  	[hbm4b:s14+s9] =	stream.linear.scatter [tilespmem:s31], [sflag:$0x4], $0x80, $0x38;
	[tilespmem:$0xE800] =	vst v63  }
0xed: {  	s21 =	simm.s32 $0xAD08;
	s20 =	sadd.s32 $0x10, s14  }
0xee: {  	[hbm4b:s20+s9] =	stream.linear.scatter [tilespmem:s21], [sflag:$0x4], $0x80, $0x38;
	[tilespmem:$0xE800] =	vst v63  }
0xef: {  	s20 =	sadd.s32 $0x20, s14;
	s21 =	simm.s32 $0xAD90  }
0xf0: {  	[hbm4b:s20+s9] =	stream.linear.scatter [tilespmem:s21], [sflag:$0x4], $0x80, $0x38;
	[tilespmem:$0xE800] =	vst v63  }
0xf1: {  	s20 =	sadd.s32 $0x30, s14;
	s21 =	simm.s32 $0xAE18  }
0xf2: {  	[hbm4b:s20+s9] =	stream.linear.scatter [tilespmem:s21], [sflag:$0x4], $0x80, $0x38;
	[tilespmem:$0xE800] =	vst v63  }
0xf3: {  	s20 =	sadd.s32 $0x40, s14;
	s21 =	simm.s32 $0xAEA0  }
0xf4: {  	[hbm4b:s20+s9] =	stream.linear.scatter [tilespmem:s21], [sflag:$0x4], $0x80, $0x38;
	[tilespmem:$0xE800] =	vst v63  }
0xf5: {  	s20 =	sadd.s32 $0x50, s14;
	s21 =	simm.s32 $0xAF28  }
0xf6: {  	[hbm4b:s20+s9] =	stream.linear.scatter [tilespmem:s21], [sflag:$0x4], $0x80, $0x38;
	[tilespmem:$0xE800] =	vst v63  }
0xf7: {  	s20 =	sadd.s32 $0x60, s14;
	s21 =	simm.s32 $0xAFB0  }
0xf8: {  	[hbm4b:s20+s9] =	stream.linear.scatter [tilespmem:s21], [sflag:$0x4], $0x80, $0x38;
	[tilespmem:$0xE800] =	vst v63  }
0xf9: {  	s20 =	sadd.s32 $0x70, s14;
	s21 =	simm.s32 $0xB038  }
0xfa: {  	[hbm4b:s20+s9] =	stream.linear.scatter [tilespmem:s21], [sflag:$0x4], $0x80, $0x38;
	[tilespmem:$0xE800] =	vst v63  }
0xfb: {  	s20 =	sadd.s32 $0x1000, s14;
	s21 =	simm.s32 $0xB0C0  }
0xfc: {  	[hbm4b:s20+s9] =	stream.linear.scatter [tilespmem:s21], [sflag:$0x4], $0x80, $0x38;
	[tilespmem:$0xE800] =	vst v63  }
0xfd: {  	s20 =	sadd.s32 $0x1010, s14;
	s21 =	simm.s32 $0xB148  }
0xfe: {  	[hbm4b:s20+s9] =	stream.linear.scatter [tilespmem:s21], [sflag:$0x4], $0x80, $0x38;
	[tilespmem:$0xE800] =	vst v63  }
0xff: {  	s20 =	sadd.s32 $0x1020, s14;
	s21 =	simm.s32 $0xB1D0  }
0x100: {  	[hbm4b:s20+s9] =	stream.linear.scatter [tilespmem:s21], [sflag:$0x4], $0x80, $0x38;
	[tilespmem:$0xE800] =	vst v63  }
0x101: {  	s20 =	sadd.s32 $0x1030, s14;
	s21 =	simm.s32 $0xB258  }
0x102: {  	[hbm4b:s20+s9] =	stream.linear.scatter [tilespmem:s21], [sflag:$0x4], $0x80, $0x38;
	[tilespmem:$0xE800] =	vst v63  }
0x103: {  	s20 =	sadd.s32 $0x1040, s14;
	s21 =	simm.s32 $0xB2E0  }
0x104: {  	[hbm4b:s20+s9] =	stream.linear.scatter [tilespmem:s21], [sflag:$0x4], $0x80, $0x38;
	[tilespmem:$0xE800] =	vst v63  }
0x105: {  	s20 =	sadd.s32 $0x1050, s14;
	s21 =	simm.s32 $0xB368  }
0x106: {  	[hbm4b:s20+s9] =	stream.linear.scatter [tilespmem:s21], [sflag:$0x4], $0x80, $0x38;
	[tilespmem:$0xE800] =	vst v63  }
0x107: {  	s20 =	sadd.s32 $0x1060, s14;
	s21 =	simm.s32 $0xB3F0  }
0x108: {  	[hbm4b:s20+s9] =	stream.linear.scatter [tilespmem:s21], [sflag:$0x4], $0x80, $0x38;
	[tilespmem:$0xE800] =	vst v63  }
0x109: {  	s15 =	simm.s32 $0xB478;
	s14 =	sadd.s32 $0x1070, s14  }
0x10a: {  	[hbm4b:s14+s9] =	stream.linear.scatter [tilespmem:s15], [sflag:$0x4], $0x80, $0x38;
	[tilespmem:$0xE800] =	vst v63  }
0x10b: {  	s14 =	rddreg [dreg:$0x6]  }
0x10c: {  	[hbm4b:s14+s9] =	stream.linear.scatter [tilespmem:s0], [sflag:$0x4], $0x80, $0x38;
	[tilespmem:$0xE800] =	vst v63  }
0x10d: {  	s21 =	simm.s32 $0xB588;
	s20 =	sadd.s32 $0x10, s14  }
0x10e: {  	[hbm4b:s20+s9] =	stream.linear.scatter [tilespmem:s21], [sflag:$0x4], $0x80, $0x38;
	[tilespmem:$0xE800] =	vst v63  }
0x10f: {  	s20 =	sadd.s32 $0x20, s14;
	s21 =	simm.s32 $0xB610  }
0x110: {  	[hbm4b:s20+s9] =	stream.linear.scatter [tilespmem:s21], [sflag:$0x4], $0x80, $0x38;
	[tilespmem:$0xE800] =	vst v63  }
0x111: {  	s20 =	sadd.s32 $0x30, s14;
	s21 =	simm.s32 $0xB698  }
0x112: {  	[hbm4b:s20+s9] =	stream.linear.scatter [tilespmem:s21], [sflag:$0x4], $0x80, $0x38;
	[tilespmem:$0xE800] =	vst v63  }
0x113: {  	s20 =	sadd.s32 $0x40, s14;
	s21 =	simm.s32 $0xB720  }
0x114: {  	[hbm4b:s20+s9] =	stream.linear.scatter [tilespmem:s21], [sflag:$0x4], $0x80, $0x38;
	[tilespmem:$0xE800] =	vst v63  }
0x115: {  	s20 =	sadd.s32 $0x50, s14;
	s21 =	simm.s32 $0xB7A8  }
0x116: {  	[hbm4b:s20+s9] =	stream.linear.scatter [tilespmem:s21], [sflag:$0x4], $0x80, $0x38;
	[tilespmem:$0xE800] =	vst v63  }
0x117: {  	s20 =	sadd.s32 $0x60, s14;
	s21 =	simm.s32 $0xB830  }
0x118: {  	[hbm4b:s20+s9] =	stream.linear.scatter [tilespmem:s21], [sflag:$0x4], $0x80, $0x38;
	[tilespmem:$0xE800] =	vst v63  }
0x119: {  	s20 =	sadd.s32 $0x70, s14;
	s21 =	simm.s32 $0xB8B8  }
0x11a: {  	[hbm4b:s20+s9] =	stream.linear.scatter [tilespmem:s21], [sflag:$0x4], $0x80, $0x38;
	[tilespmem:$0xE800] =	vst v63  }
0x11b: {  	s20 =	sadd.s32 $0x1000, s14;
	s21 =	simm.s32 $0xB940  }
0x11c: {  	[hbm4b:s20+s9] =	stream.linear.scatter [tilespmem:s21], [sflag:$0x4], $0x80, $0x38;
	[tilespmem:$0xE800] =	vst v63  }
0x11d: {  	s20 =	sadd.s32 $0x1010, s14;
	s21 =	simm.s32 $0xB9C8  }
0x11e: {  	[hbm4b:s20+s9] =	stream.linear.scatter [tilespmem:s21], [sflag:$0x4], $0x80, $0x38;
	[tilespmem:$0xE800] =	vst v63  }
0x11f: {  	s20 =	sadd.s32 $0x1020, s14;
	s21 =	simm.s32 $0xBA50  }
0x120: {  	[hbm4b:s20+s9] =	stream.linear.scatter [tilespmem:s21], [sflag:$0x4], $0x80, $0x38;
	[tilespmem:$0xE800] =	vst v63  }
0x121: {  	s20 =	sadd.s32 $0x1030, s14;
	s21 =	simm.s32 $0xBAD8  }
0x122: {  	[hbm4b:s20+s9] =	stream.linear.scatter [tilespmem:s21], [sflag:$0x4], $0x80, $0x38;
	[tilespmem:$0xE800] =	vst v63  }
0x123: {  	s20 =	sadd.s32 $0x1040, s14;
	s21 =	simm.s32 $0xBB60  }
0x124: {  	[hbm4b:s20+s9] =	stream.linear.scatter [tilespmem:s21], [sflag:$0x4], $0x80, $0x38;
	[tilespmem:$0xE800] =	vst v63  }
0x125: {  	s20 =	sadd.s32 $0x1050, s14;
	s21 =	simm.s32 $0xBBE8  }
0x126: {  	[hbm4b:s20+s9] =	stream.linear.scatter [tilespmem:s21], [sflag:$0x4], $0x80, $0x38;
	[tilespmem:$0xE800] =	vst v63  }
0x127: {  	s20 =	sadd.s32 $0x1060, s14;
	s21 =	simm.s32 $0xBC70  }
0x128: {  	[hbm4b:s20+s9] =	stream.linear.scatter [tilespmem:s21], [sflag:$0x4], $0x80, $0x38;
	[tilespmem:$0xE800] =	vst v63  }
0x129: {  	s15 =	simm.s32 $0xBCF8;
	s14 =	sadd.s32 $0x1070, s14  }
0x12a: {  	[hbm4b:s14+s9] =	stream.linear.scatter [tilespmem:s15], [sflag:$0x4], $0x80, $0x38;
	[tilespmem:$0xE800] =	vst v63  }
0x12b: {  	s14 =	rddreg [dreg:$0x7]  }
0x12c: {  	[hbm4b:s14+s9] =	stream.linear.scatter [tilespmem:s1], [sflag:$0x4], $0x80, $0x38;
	[tilespmem:$0xE800] =	vst v63  }
0x12d: {  	s21 =	simm.s32 $0xBE08;
	s20 =	sadd.s32 $0x10, s14  }
0x12e: {  	[hbm4b:s20+s9] =	stream.linear.scatter [tilespmem:s21], [sflag:$0x4], $0x80, $0x38;
	[tilespmem:$0xE800] =	vst v63  }
0x12f: {  	s20 =	sadd.s32 $0x20, s14;
	s21 =	simm.s32 $0xBE90  }
0x130: {  	[hbm4b:s20+s9] =	stream.linear.scatter [tilespmem:s21], [sflag:$0x4], $0x80, $0x38;
	[tilespmem:$0xE800] =	vst v63  }
0x131: {  	s20 =	sadd.s32 $0x30, s14;
	s21 =	simm.s32 $0xBF18  }
0x132: {  	[hbm4b:s20+s9] =	stream.linear.scatter [tilespmem:s21], [sflag:$0x4], $0x80, $0x38;
	[tilespmem:$0xE800] =	vst v63  }
0x133: {  	s20 =	sadd.s32 $0x40, s14;
	s21 =	simm.s32 $0xBFA0  }
0x134: {  	[hbm4b:s20+s9] =	stream.linear.scatter [tilespmem:s21], [sflag:$0x4], $0x80, $0x38;
	[tilespmem:$0xE800] =	vst v63  }
0x135: {  	s20 =	sadd.s32 $0x50, s14;
	s21 =	simm.s32 $0xC028  }
0x136: {  	[hbm4b:s20+s9] =	stream.linear.scatter [tilespmem:s21], [sflag:$0x4], $0x80, $0x38;
	[tilespmem:$0xE800] =	vst v63  }
0x137: {  	s20 =	sadd.s32 $0x60, s14;
	s21 =	simm.s32 $0xC0B0  }
0x138: {  	[hbm4b:s20+s9] =	stream.linear.scatter [tilespmem:s21], [sflag:$0x4], $0x80, $0x38;
	[tilespmem:$0xE800] =	vst v63  }
0x139: {  	s20 =	sadd.s32 $0x70, s14;
	s21 =	simm.s32 $0xC138  }
0x13a: {  	[hbm4b:s20+s9] =	stream.linear.scatter [tilespmem:s21], [sflag:$0x4], $0x80, $0x38;
	[tilespmem:$0xE800] =	vst v63  }
0x13b: {  	s20 =	sadd.s32 $0x1000, s14;
	s21 =	simm.s32 $0xC1C0  }
0x13c: {  	[hbm4b:s20+s9] =	stream.linear.scatter [tilespmem:s21], [sflag:$0x4], $0x80, $0x38;
	[tilespmem:$0xE800] =	vst v63  }
0x13d: {  	s20 =	sadd.s32 $0x1010, s14;
	s21 =	simm.s32 $0xC248  }
0x13e: {  	[hbm4b:s20+s9] =	stream.linear.scatter [tilespmem:s21], [sflag:$0x4], $0x80, $0x38;
	[tilespmem:$0xE800] =	vst v63  }
0x13f: {  	s20 =	sadd.s32 $0x1020, s14;
	s21 =	simm.s32 $0xC2D0  }
0x140: {  	[hbm4b:s20+s9] =	stream.linear.scatter [tilespmem:s21], [sflag:$0x4], $0x80, $0x38;
	[tilespmem:$0xE800] =	vst v63  }
0x141: {  	s20 =	sadd.s32 $0x1030, s14;
	s21 =	simm.s32 $0xC358  }
0x142: {  	[hbm4b:s20+s9] =	stream.linear.scatter [tilespmem:s21], [sflag:$0x4], $0x80, $0x38;
	[tilespmem:$0xE800] =	vst v63  }
0x143: {  	s20 =	sadd.s32 $0x1040, s14;
	s21 =	simm.s32 $0xC3E0  }
0x144: {  	[hbm4b:s20+s9] =	stream.linear.scatter [tilespmem:s21], [sflag:$0x4], $0x80, $0x38;
	[tilespmem:$0xE800] =	vst v63  }
0x145: {  	s20 =	sadd.s32 $0x1050, s14;
	s21 =	simm.s32 $0xC468  }
0x146: {  	[hbm4b:s20+s9] =	stream.linear.scatter [tilespmem:s21], [sflag:$0x4], $0x80, $0x38;
	[tilespmem:$0xE800] =	vst v63  }
0x147: {  	s20 =	sadd.s32 $0x1060, s14;
	s21 =	simm.s32 $0xC4F0  }
0x148: {  	[hbm4b:s20+s9] =	stream.linear.scatter [tilespmem:s21], [sflag:$0x4], $0x80, $0x38;
	[tilespmem:$0xE800] =	vst v63  }
0x149: {  	s15 =	simm.s32 $0xC578;
	s14 =	sadd.s32 $0x1070, s14  }
0x14a: {  	[hbm4b:s14+s9] =	stream.linear.scatter [tilespmem:s15], [sflag:$0x4], $0x80, $0x38;
	[tilespmem:$0xE800] =	vst v63  }
0x14b: {  	s20 =	simm.s32 $0x100  }
0x14c: {  	[tilespmem:s19], [sflag:$0x2] =	stream.indirect.gather [hbm4b:s4+s23], $0x40, s20, s23, $0xb8;
	[tilespmem:$0xE800] =	vst v63  }
0x14d: {  	_ =	swait.ge [sflag:s24], $0x2000  }
0x14e: {  	[sflag:s24] =	ssyncset.done $0x0  }
0x14f: {  	s13 =	simm.s32 $0x8500;
	[sflag:s24] =	ssyncadd.s32 $0xFFFFE000  }
0x150: {  	v9 =	vadd.s32 s9, v0;
	v8 =	vld [tilespmem:s13+$0xFFFFFF00];
	_ =	sdelay $0x4  }
0x151: {  	[tilespmem:v9+s26+$0x0] =	vst.idx.msk $0xffff, v8  }
0x152: {  	v8 =	vld [tilespmem:s13+$0xFFFFFF10];
	_ =	sdelay $0x4  }
0x153: {  	[tilespmem:v9+s7+$0x0] =	vst.idx.msk $0xffff, v8  }
0x154: {  	v8 =	vld [tilespmem:s13+$0xFFFFFF20];
	_ =	sdelay $0x4  }
0x155: {  	[tilespmem:v9+s22+$0x0] =	vst.idx.msk $0xffff, v8  }
0x156: {  	v8 =	vld [tilespmem:s13+$0xFFFFFF30];
	_ =	sdelay $0x4  }
0x157: {  	[tilespmem:v9+s25+$0x0] =	vst.idx.msk $0xffff, v8  }
0x158: {  	v9 =	vadd.s32 s9, v1;
	v8 =	vld [tilespmem:s13+$0xFFFFFF40];
	_ =	sdelay $0x4  }
0x159: {  	[tilespmem:v9+s26+$0x0] =	vst.idx.msk $0xffff, v8  }
0x15a: {  	v8 =	vld [tilespmem:s13+$0xFFFFFF50];
	_ =	sdelay $0x4  }
0x15b: {  	[tilespmem:v9+s7+$0x0] =	vst.idx.msk $0xffff, v8  }
0x15c: {  	v8 =	vld [tilespmem:s13+$0xFFFFFF60];
	_ =	sdelay $0x4  }
0x15d: {  	[tilespmem:v9+s22+$0x0] =	vst.idx.msk $0xffff, v8  }
0x15e: {  	v8 =	vld [tilespmem:s13+$0xFFFFFF70];
	_ =	sdelay $0x4  }
0x15f: {  	[tilespmem:v9+s25+$0x0] =	vst.idx.msk $0xffff, v8  }
0x160: {  	v9 =	vadd.s32 s9, v2;
	v8 =	vld [tilespmem:s13+$0xFFFFFF80];
	_ =	sdelay $0x4  }
0x161: {  	[tilespmem:v9+s26+$0x0] =	vst.idx.msk $0xffff, v8  }
0x162: {  	v8 =	vld [tilespmem:s13+$0xFFFFFF90];
	_ =	sdelay $0x4  }
0x163: {  	[tilespmem:v9+s7+$0x0] =	vst.idx.msk $0xffff, v8  }
0x164: {  	v8 =	vld [tilespmem:s13+$0xFFFFFFA0];
	_ =	sdelay $0x4  }
0x165: {  	[tilespmem:v9+s22+$0x0] =	vst.idx.msk $0xffff, v8  }
0x166: {  	v8 =	vld [tilespmem:s13+$0xFFFFFFB0];
	_ =	sdelay $0x4  }
0x167: {  	[tilespmem:v9+s25+$0x0] =	vst.idx.msk $0xffff, v8  }
0x168: {  	v9 =	vadd.s32 s9, v3;
	v8 =	vld [tilespmem:s13+$0xFFFFFFC0];
	_ =	sdelay $0x4  }
0x169: {  	[tilespmem:v9+s26+$0x0] =	vst.idx.msk $0xffff, v8  }
0x16a: {  	v8 =	vld [tilespmem:s13+$0xFFFFFFD0];
	_ =	sdelay $0x4  }
0x16b: {  	[tilespmem:v9+s7+$0x0] =	vst.idx.msk $0xffff, v8  }
0x16c: {  	v8 =	vld [tilespmem:s13+$0xFFFFFFE0];
	_ =	sdelay $0x4  }
0x16d: {  	[tilespmem:v9+s22+$0x0] =	vst.idx.msk $0xffff, v8  }
0x16e: {  	v8 =	vld [tilespmem:s13+$0xFFFFFFF0]  }
0x16f: {  	s21 =	simm.s32 $0x4  }
0x170: {  	v10 =	vmov s21  }
0x171: {  	v10 =	vand.u32 $0x78, v10  }
0x172: {  	v10 =	vbroadcast v10, $0x0  }
0x173: {  	[tilespmem:v9+s25+$0x0] =	vst.idx.msk $0xffff, v8  }
0x174: {  	v9 =	vadd.s32 v4, v10;
	v8 =	vld [tilespmem:s13+$0x0];
	_ =	sdelay $0x4  }
0x175: {  	[tilespmem:v9+s26+$0x0] =	vst.idx.msk $0xffff, v8  }
0x176: {  	v8 =	vld [tilespmem:s13+$0x10];
	_ =	sdelay $0x4  }
0x177: {  	[tilespmem:v9+s7+$0x0] =	vst.idx.msk $0xffff, v8  }
0x178: {  	v8 =	vld [tilespmem:s13+$0x20];
	_ =	sdelay $0x4  }
0x179: {  	[tilespmem:v9+s22+$0x0] =	vst.idx.msk $0xffff, v8  }
0x17a: {  	v8 =	vld [tilespmem:s13+$0x30];
	_ =	sdelay $0x4  }
0x17b: {  	[tilespmem:v9+s25+$0x0] =	vst.idx.msk $0xffff, v8  }
0x17c: {  	v9 =	vadd.s32 v5, v10;
	v8 =	vld [tilespmem:s13+$0x40];
	_ =	sdelay $0x4  }
0x17d: {  	[tilespmem:v9+s26+$0x0] =	vst.idx.msk $0xffff, v8  }
0x17e: {  	v8 =	vld [tilespmem:s13+$0x50];
	_ =	sdelay $0x4  }
0x17f: {  	[tilespmem:v9+s7+$0x0] =	vst.idx.msk $0xffff, v8  }
0x180: {  	v8 =	vld [tilespmem:s13+$0x60];
	_ =	sdelay $0x4  }
0x181: {  	[tilespmem:v9+s22+$0x0] =	vst.idx.msk $0xffff, v8  }
0x182: {  	v8 =	vld [tilespmem:s13+$0x70];
	_ =	sdelay $0x4  }
0x183: {  	[tilespmem:v9+s25+$0x0] =	vst.idx.msk $0xffff, v8  }
0x184: {  	v9 =	vadd.s32 v6, v10;
	v8 =	vld [tilespmem:s13+$0x80];
	_ =	sdelay $0x4  }
0x185: {  	[tilespmem:v9+s26+$0x0] =	vst.idx.msk $0xffff, v8  }
0x186: {  	v8 =	vld [tilespmem:s13+$0x90];
	_ =	sdelay $0x4  }
0x187: {  	[tilespmem:v9+s7+$0x0] =	vst.idx.msk $0xffff, v8  }
0x188: {  	v8 =	vld [tilespmem:s13+$0xA0];
	_ =	sdelay $0x4  }
0x189: {  	[tilespmem:v9+s22+$0x0] =	vst.idx.msk $0xffff, v8  }
0x18a: {  	v8 =	vld [tilespmem:s13+$0xB0];
	_ =	sdelay $0x4  }
0x18b: {  	[tilespmem:v9+s25+$0x0] =	vst.idx.msk $0xffff, v8  }
0x18c: {  	v8 =	vadd.s32 v7, v10;
	v9 =	vld [tilespmem:s13+$0xC0];
	_ =	sdelay $0x4  }
0x18d: {  	[tilespmem:v8+s26+$0x0] =	vst.idx.msk $0xffff, v9  }
0x18e: {  	v9 =	vld [tilespmem:s13+$0xD0];
	_ =	sdelay $0x4  }
0x18f: {  	[tilespmem:v8+s7+$0x0] =	vst.idx.msk $0xffff, v9  }
0x190: {  	v9 =	vld [tilespmem:s13+$0xE0];
	_ =	sdelay $0x4  }
0x191: {  	[tilespmem:v8+s22+$0x0] =	vst.idx.msk $0xffff, v9  }
0x192: {  	s14 =	simm.s32 $0x0;
	v9 =	vld [tilespmem:s13+$0xF0]  }
.LBB2_4:
0x193: {  	_ =	sdelay $0x3  }
0x194: {  	s14 =	sadd.s32 $0x2, s14;
	s13 =	sadd.s32 $0x200, s13;
	s9 =	sadd.s32 $0x8, s9;
	[tilespmem:v8+s25+$0x0] =	vst.idx.msk $0xffff, v9  }
0x195: {  	p0 =	slt.u32 s14, $0x1E;
	v9 =	vadd.s32 s9, v0;
	v8 =	vld [tilespmem:s13+$0xFFFFFF00];
	_ =	sdelay $0x4  }
0x196: {  	[tilespmem:v9+s26+$0x0] =	vst.idx.msk $0xffff, v8  }
0x197: {  	v8 =	vld [tilespmem:s13+$0xFFFFFF10];
	_ =	sdelay $0x4  }
0x198: {  	[tilespmem:v9+s7+$0x0] =	vst.idx.msk $0xffff, v8  }
0x199: {  	v8 =	vld [tilespmem:s13+$0xFFFFFF20];
	_ =	sdelay $0x4  }
0x19a: {  	[tilespmem:v9+s22+$0x0] =	vst.idx.msk $0xffff, v8  }
0x19b: {  	v8 =	vld [tilespmem:s13+$0xFFFFFF30];
	_ =	sdelay $0x4  }
0x19c: {  	[tilespmem:v9+s25+$0x0] =	vst.idx.msk $0xffff, v8  }
0x19d: {  	v9 =	vadd.s32 s9, v1;
	v8 =	vld [tilespmem:s13+$0xFFFFFF40];
	_ =	sdelay $0x4  }
0x19e: {  	[tilespmem:v9+s26+$0x0] =	vst.idx.msk $0xffff, v8  }
0x19f: {  	v8 =	vld [tilespmem:s13+$0xFFFFFF50];
	_ =	sdelay $0x4  }
0x1a0: {  	[tilespmem:v9+s7+$0x0] =	vst.idx.msk $0xffff, v8  }
0x1a1: {  	v8 =	vld [tilespmem:s13+$0xFFFFFF60];
	_ =	sdelay $0x4  }
0x1a2: {  	[tilespmem:v9+s22+$0x0] =	vst.idx.msk $0xffff, v8  }
0x1a3: {  	v8 =	vld [tilespmem:s13+$0xFFFFFF70];
	_ =	sdelay $0x4  }
0x1a4: {  	[tilespmem:v9+s25+$0x0] =	vst.idx.msk $0xffff, v8  }
0x1a5: {  	v9 =	vadd.s32 s9, v2;
	v8 =	vld [tilespmem:s13+$0xFFFFFF80];
	_ =	sdelay $0x4  }
0x1a6: {  	[tilespmem:v9+s26+$0x0] =	vst.idx.msk $0xffff, v8  }
0x1a7: {  	v8 =	vld [tilespmem:s13+$0xFFFFFF90];
	_ =	sdelay $0x4  }
0x1a8: {  	[tilespmem:v9+s7+$0x0] =	vst.idx.msk $0xffff, v8  }
0x1a9: {  	v8 =	vld [tilespmem:s13+$0xFFFFFFA0];
	_ =	sdelay $0x4  }
0x1aa: {  	[tilespmem:v9+s22+$0x0] =	vst.idx.msk $0xffff, v8  }
0x1ab: {  	v8 =	vld [tilespmem:s13+$0xFFFFFFB0];
	_ =	sdelay $0x4  }
0x1ac: {  	[tilespmem:v9+s25+$0x0] =	vst.idx.msk $0xffff, v8  }
0x1ad: {  	v9 =	vadd.s32 s9, v3;
	v8 =	vld [tilespmem:s13+$0xFFFFFFC0];
	_ =	sdelay $0x4  }
0x1ae: {  	[tilespmem:v9+s26+$0x0] =	vst.idx.msk $0xffff, v8  }
0x1af: {  	v8 =	vld [tilespmem:s13+$0xFFFFFFD0];
	_ =	sdelay $0x4  }
0x1b0: {  	[tilespmem:v9+s7+$0x0] =	vst.idx.msk $0xffff, v8  }
0x1b1: {  	v8 =	vld [tilespmem:s13+$0xFFFFFFE0];
	_ =	sdelay $0x4  }
0x1b2: {  	[tilespmem:v9+s22+$0x0] =	vst.idx.msk $0xffff, v8  }
0x1b3: {  	v8 =	vld [tilespmem:s13+$0xFFFFFFF0]  }
0x1b4: {  	s15 =	sadd.s32 $0x4, s9  }
0x1b5: {  	v10 =	vmov s15  }
0x1b6: {  	v10 =	vand.u32 $0x78, v10  }
0x1b7: {  	v10 =	vbroadcast v10, $0x0  }
0x1b8: {  	[tilespmem:v9+s25+$0x0] =	vst.idx.msk $0xffff, v8  }
0x1b9: {  	v9 =	vadd.s32 v4, v10;
	v8 =	vld [tilespmem:s13+$0x0];
	_ =	sdelay $0x4  }
0x1ba: {  	[tilespmem:v9+s26+$0x0] =	vst.idx.msk $0xffff, v8  }
0x1bb: {  	v8 =	vld [tilespmem:s13+$0x10];
	_ =	sdelay $0x4  }
0x1bc: {  	[tilespmem:v9+s7+$0x0] =	vst.idx.msk $0xffff, v8  }
0x1bd: {  	v8 =	vld [tilespmem:s13+$0x20];
	_ =	sdelay $0x4  }
0x1be: {  	[tilespmem:v9+s22+$0x0] =	vst.idx.msk $0xffff, v8  }
0x1bf: {  	v8 =	vld [tilespmem:s13+$0x30];
	_ =	sdelay $0x4  }
0x1c0: {  	[tilespmem:v9+s25+$0x0] =	vst.idx.msk $0xffff, v8  }
0x1c1: {  	v9 =	vadd.s32 v5, v10;
	v8 =	vld [tilespmem:s13+$0x40];
	_ =	sdelay $0x4  }
0x1c2: {  	[tilespmem:v9+s26+$0x0] =	vst.idx.msk $0xffff, v8  }
0x1c3: {  	v8 =	vld [tilespmem:s13+$0x50];
	_ =	sdelay $0x4  }
0x1c4: {  	[tilespmem:v9+s7+$0x0] =	vst.idx.msk $0xffff, v8  }
0x1c5: {  	v8 =	vld [tilespmem:s13+$0x60];
	_ =	sdelay $0x4  }
0x1c6: {  	[tilespmem:v9+s22+$0x0] =	vst.idx.msk $0xffff, v8  }
0x1c7: {  	v8 =	vld [tilespmem:s13+$0x70];
	_ =	sdelay $0x4  }
0x1c8: {  	[tilespmem:v9+s25+$0x0] =	vst.idx.msk $0xffff, v8  }
0x1c9: {  	v9 =	vadd.s32 v6, v10;
	v8 =	vld [tilespmem:s13+$0x80];
	_ =	sdelay $0x4  }
0x1ca: {  	[tilespmem:v9+s26+$0x0] =	vst.idx.msk $0xffff, v8  }
0x1cb: {  	v8 =	vld [tilespmem:s13+$0x90];
	_ =	sdelay $0x4  }
0x1cc: {  	[tilespmem:v9+s7+$0x0] =	vst.idx.msk $0xffff, v8  }
0x1cd: {  	v8 =	vld [tilespmem:s13+$0xA0];
	_ =	sdelay $0x4  }
0x1ce: {  	[tilespmem:v9+s22+$0x0] =	vst.idx.msk $0xffff, v8  }
0x1cf: {  	v8 =	vld [tilespmem:s13+$0xB0];
	_ =	sdelay $0x4  }
0x1d0: {  	[tilespmem:v9+s25+$0x0] =	vst.idx.msk $0xffff, v8  }
0x1d1: {  	v8 =	vadd.s32 v7, v10;
	v9 =	vld [tilespmem:s13+$0xC0];
	_ =	sdelay $0x4  }
0x1d2: {  	[tilespmem:v8+s26+$0x0] =	vst.idx.msk $0xffff, v9  }
0x1d3: {  	v9 =	vld [tilespmem:s13+$0xD0];
	_ =	sdelay $0x4  }
0x1d4: {  	[tilespmem:v8+s7+$0x0] =	vst.idx.msk $0xffff, v9  }
0x1d5: {  	v9 =	vld [tilespmem:s13+$0xE0];
	_ =	sdelay $0x1  }
.Ltmp3:
0x1d6: {  	(pc) =	sbr.rel @p0 .LBB2_4-.Ltmp3, $3  }
0x1d7: {  	_ =	sdelay $0x1  }
0x1d8: {  	[tilespmem:v8+s22+$0x0] =	vst.idx.msk $0xffff, v9  }
0x1d9: {  	v9 =	vld [tilespmem:s13+$0xF0]  }
0x1da: {  	_ =	sdelay $0x3  }
0x1db: {  	s13 =	rddreg [dreg:$0x8];
	[tilespmem:v8+s25+$0x0] =	vst.idx.msk $0xffff, v9  }
0x1dc: {  	[hbm4b:s13+s3] =	stream.linear.scatter [tilespmem:s26], [sflag:$0x5], $0x80, $0x38;
	[tilespmem:$0xE800] =	vst v63  }
0x1dd: {  	s14 =	simm.s32 $0xC688;
	s9 =	sadd.s32 $0x10, s13  }
0x1de: {  	[hbm4b:s9+s3] =	stream.linear.scatter [tilespmem:s14], [sflag:$0x5], $0x80, $0x38;
	[tilespmem:$0xE800] =	vst v63  }
0x1df: {  	s21 =	simm.s32 $0xC710;
	s20 =	sadd.s32 $0x20, s13  }
0x1e0: {  	[hbm4b:s20+s3] =	stream.linear.scatter [tilespmem:s21], [sflag:$0x5], $0x80, $0x38;
	[tilespmem:$0xE800] =	vst v63  }
0x1e1: {  	s19 =	simm.s32 $0xC798;
	s15 =	sadd.s32 $0x30, s13  }
0x1e2: {  	[hbm4b:s15+s3] =	stream.linear.scatter [tilespmem:s19], [sflag:$0x5], $0x80, $0x38;
	[tilespmem:$0xE800] =	vst v63  }
0x1e3: {  	s20 =	sadd.s32 $0x40, s13;
	s21 =	simm.s32 $0xC820  }
0x1e4: {  	[hbm4b:s20+s3] =	stream.linear.scatter [tilespmem:s21], [sflag:$0x5], $0x80, $0x38;
	[tilespmem:$0xE800] =	vst v63  }
0x1e5: {  	s15 =	sadd.s32 $0x50, s13;
	s19 =	simm.s32 $0xC8A8  }
0x1e6: {  	[hbm4b:s15+s3] =	stream.linear.scatter [tilespmem:s19], [sflag:$0x5], $0x80, $0x38;
	[tilespmem:$0xE800] =	vst v63  }
0x1e7: {  	s20 =	sadd.s32 $0x60, s13;
	s21 =	simm.s32 $0xC930  }
0x1e8: {  	[hbm4b:s20+s3] =	stream.linear.scatter [tilespmem:s21], [sflag:$0x5], $0x80, $0x38;
	[tilespmem:$0xE800] =	vst v63  }
0x1e9: {  	s15 =	sadd.s32 $0x70, s13;
	s19 =	simm.s32 $0xC9B8  }
0x1ea: {  	[hbm4b:s15+s3] =	stream.linear.scatter [tilespmem:s19], [sflag:$0x5], $0x80, $0x38;
	[tilespmem:$0xE800] =	vst v63  }
0x1eb: {  	s20 =	sadd.s32 $0x1000, s13;
	s21 =	simm.s32 $0xCA40  }
0x1ec: {  	[hbm4b:s20+s3] =	stream.linear.scatter [tilespmem:s21], [sflag:$0x5], $0x80, $0x38;
	[tilespmem:$0xE800] =	vst v63  }
0x1ed: {  	s15 =	sadd.s32 $0x1010, s13;
	s19 =	simm.s32 $0xCAC8  }
0x1ee: {  	[hbm4b:s15+s3] =	stream.linear.scatter [tilespmem:s19], [sflag:$0x5], $0x80, $0x38;
	[tilespmem:$0xE800] =	vst v63  }
0x1ef: {  	s20 =	sadd.s32 $0x1020, s13;
	s21 =	simm.s32 $0xCB50  }
0x1f0: {  	[hbm4b:s20+s3] =	stream.linear.scatter [tilespmem:s21], [sflag:$0x5], $0x80, $0x38;
	[tilespmem:$0xE800] =	vst v63  }
0x1f1: {  	s15 =	sadd.s32 $0x1030, s13;
	s19 =	simm.s32 $0xCBD8  }
0x1f2: {  	[hbm4b:s15+s3] =	stream.linear.scatter [tilespmem:s19], [sflag:$0x5], $0x80, $0x38;
	[tilespmem:$0xE800] =	vst v63  }
0x1f3: {  	s20 =	sadd.s32 $0x1040, s13;
	s21 =	simm.s32 $0xCC60  }
0x1f4: {  	[hbm4b:s20+s3] =	stream.linear.scatter [tilespmem:s21], [sflag:$0x5], $0x80, $0x38;
	[tilespmem:$0xE800] =	vst v63  }
0x1f5: {  	s15 =	sadd.s32 $0x1050, s13;
	s19 =	simm.s32 $0xCCE8  }
0x1f6: {  	[hbm4b:s15+s3] =	stream.linear.scatter [tilespmem:s19], [sflag:$0x5], $0x80, $0x38;
	[tilespmem:$0xE800] =	vst v63  }
0x1f7: {  	s20 =	sadd.s32 $0x1060, s13;
	s21 =	simm.s32 $0xCD70  }
0x1f8: {  	[hbm4b:s20+s3] =	stream.linear.scatter [tilespmem:s21], [sflag:$0x5], $0x80, $0x38;
	[tilespmem:$0xE800] =	vst v63  }
0x1f9: {  	s14 =	simm.s32 $0xCDF8;
	s13 =	sadd.s32 $0x1070, s13  }
0x1fa: {  	[hbm4b:s13+s3] =	stream.linear.scatter [tilespmem:s14], [sflag:$0x5], $0x80, $0x38;
	[tilespmem:$0xE800] =	vst v63  }
0x1fb: {  	s13 =	rddreg [dreg:$0x9]  }
0x1fc: {  	[hbm4b:s13+s3] =	stream.linear.scatter [tilespmem:s7], [sflag:$0x5], $0x80, $0x38;
	[tilespmem:$0xE800] =	vst v63  }
0x1fd: {  	s19 =	simm.s32 $0xCF08;
	s15 =	sadd.s32 $0x10, s13  }
0x1fe: {  	[hbm4b:s15+s3] =	stream.linear.scatter [tilespmem:s19], [sflag:$0x5], $0x80, $0x38;
	[tilespmem:$0xE800] =	vst v63  }
0x1ff: {  	s21 =	simm.s32 $0xCF90;
	s20 =	sadd.s32 $0x20, s13  }
0x200: {  	[hbm4b:s20+s3] =	stream.linear.scatter [tilespmem:s21], [sflag:$0x5], $0x80, $0x38;
	[tilespmem:$0xE800] =	vst v63  }
0x201: {  	s15 =	sadd.s32 $0x30, s13;
	s19 =	simm.s32 $0xD018  }
0x202: {  	[hbm4b:s15+s3] =	stream.linear.scatter [tilespmem:s19], [sflag:$0x5], $0x80, $0x38;
	[tilespmem:$0xE800] =	vst v63  }
0x203: {  	s20 =	sadd.s32 $0x40, s13;
	s21 =	simm.s32 $0xD0A0  }
0x204: {  	[hbm4b:s20+s3] =	stream.linear.scatter [tilespmem:s21], [sflag:$0x5], $0x80, $0x38;
	[tilespmem:$0xE800] =	vst v63  }
0x205: {  	s15 =	sadd.s32 $0x50, s13;
	s19 =	simm.s32 $0xD128  }
0x206: {  	[hbm4b:s15+s3] =	stream.linear.scatter [tilespmem:s19], [sflag:$0x5], $0x80, $0x38;
	[tilespmem:$0xE800] =	vst v63  }
0x207: {  	s20 =	sadd.s32 $0x60, s13;
	s21 =	simm.s32 $0xD1B0  }
0x208: {  	[hbm4b:s20+s3] =	stream.linear.scatter [tilespmem:s21], [sflag:$0x5], $0x80, $0x38;
	[tilespmem:$0xE800] =	vst v63  }
0x209: {  	s15 =	sadd.s32 $0x70, s13;
	s19 =	simm.s32 $0xD238  }
0x20a: {  	[hbm4b:s15+s3] =	stream.linear.scatter [tilespmem:s19], [sflag:$0x5], $0x80, $0x38;
	[tilespmem:$0xE800] =	vst v63  }
0x20b: {  	s20 =	sadd.s32 $0x1000, s13;
	s21 =	simm.s32 $0xD2C0  }
0x20c: {  	[hbm4b:s20+s3] =	stream.linear.scatter [tilespmem:s21], [sflag:$0x5], $0x80, $0x38;
	[tilespmem:$0xE800] =	vst v63  }
0x20d: {  	s15 =	sadd.s32 $0x1010, s13;
	s19 =	simm.s32 $0xD348  }
0x20e: {  	[hbm4b:s15+s3] =	stream.linear.scatter [tilespmem:s19], [sflag:$0x5], $0x80, $0x38;
	[tilespmem:$0xE800] =	vst v63  }
0x20f: {  	s20 =	sadd.s32 $0x1020, s13;
	s21 =	simm.s32 $0xD3D0  }
0x210: {  	[hbm4b:s20+s3] =	stream.linear.scatter [tilespmem:s21], [sflag:$0x5], $0x80, $0x38;
	[tilespmem:$0xE800] =	vst v63  }
0x211: {  	s15 =	sadd.s32 $0x1030, s13;
	s19 =	simm.s32 $0xD458  }
0x212: {  	[hbm4b:s15+s3] =	stream.linear.scatter [tilespmem:s19], [sflag:$0x5], $0x80, $0x38;
	[tilespmem:$0xE800] =	vst v63  }
0x213: {  	s20 =	sadd.s32 $0x1040, s13;
	s21 =	simm.s32 $0xD4E0  }
0x214: {  	[hbm4b:s20+s3] =	stream.linear.scatter [tilespmem:s21], [sflag:$0x5], $0x80, $0x38;
	[tilespmem:$0xE800] =	vst v63  }
0x215: {  	s15 =	sadd.s32 $0x1050, s13;
	s19 =	simm.s32 $0xD568  }
0x216: {  	[hbm4b:s15+s3] =	stream.linear.scatter [tilespmem:s19], [sflag:$0x5], $0x80, $0x38;
	[tilespmem:$0xE800] =	vst v63  }
0x217: {  	s20 =	sadd.s32 $0x1060, s13;
	s21 =	simm.s32 $0xD5F0  }
0x218: {  	[hbm4b:s20+s3] =	stream.linear.scatter [tilespmem:s21], [sflag:$0x5], $0x80, $0x38;
	[tilespmem:$0xE800] =	vst v63  }
0x219: {  	s14 =	simm.s32 $0xD678;
	s13 =	sadd.s32 $0x1070, s13  }
0x21a: {  	[hbm4b:s13+s3] =	stream.linear.scatter [tilespmem:s14], [sflag:$0x5], $0x80, $0x38;
	[tilespmem:$0xE800] =	vst v63  }
0x21b: {  	s13 =	rddreg [dreg:$0xa]  }
0x21c: {  	[hbm4b:s13+s3] =	stream.linear.scatter [tilespmem:s22], [sflag:$0x5], $0x80, $0x38;
	[tilespmem:$0xE800] =	vst v63  }
0x21d: {  	s19 =	simm.s32 $0xD788;
	s15 =	sadd.s32 $0x10, s13  }
0x21e: {  	[hbm4b:s15+s3] =	stream.linear.scatter [tilespmem:s19], [sflag:$0x5], $0x80, $0x38;
	[tilespmem:$0xE800] =	vst v63  }
0x21f: {  	s21 =	simm.s32 $0xD810;
	s20 =	sadd.s32 $0x20, s13  }
0x220: {  	[hbm4b:s20+s3] =	stream.linear.scatter [tilespmem:s21], [sflag:$0x5], $0x80, $0x38;
	[tilespmem:$0xE800] =	vst v63  }
0x221: {  	s15 =	sadd.s32 $0x30, s13;
	s19 =	simm.s32 $0xD898  }
0x222: {  	[hbm4b:s15+s3] =	stream.linear.scatter [tilespmem:s19], [sflag:$0x5], $0x80, $0x38;
	[tilespmem:$0xE800] =	vst v63  }
0x223: {  	s20 =	sadd.s32 $0x40, s13;
	s21 =	simm.s32 $0xD920  }
0x224: {  	[hbm4b:s20+s3] =	stream.linear.scatter [tilespmem:s21], [sflag:$0x5], $0x80, $0x38;
	[tilespmem:$0xE800] =	vst v63  }
0x225: {  	s15 =	sadd.s32 $0x50, s13;
	s19 =	simm.s32 $0xD9A8  }
0x226: {  	[hbm4b:s15+s3] =	stream.linear.scatter [tilespmem:s19], [sflag:$0x5], $0x80, $0x38;
	[tilespmem:$0xE800] =	vst v63  }
0x227: {  	s20 =	sadd.s32 $0x60, s13;
	s21 =	simm.s32 $0xDA30  }
0x228: {  	[hbm4b:s20+s3] =	stream.linear.scatter [tilespmem:s21], [sflag:$0x5], $0x80, $0x38;
	[tilespmem:$0xE800] =	vst v63  }
0x229: {  	s15 =	sadd.s32 $0x70, s13;
	s19 =	simm.s32 $0xDAB8  }
0x22a: {  	[hbm4b:s15+s3] =	stream.linear.scatter [tilespmem:s19], [sflag:$0x5], $0x80, $0x38;
	[tilespmem:$0xE800] =	vst v63  }
0x22b: {  	s20 =	sadd.s32 $0x1000, s13;
	s21 =	simm.s32 $0xDB40  }
0x22c: {  	[hbm4b:s20+s3] =	stream.linear.scatter [tilespmem:s21], [sflag:$0x5], $0x80, $0x38;
	[tilespmem:$0xE800] =	vst v63  }
0x22d: {  	s15 =	sadd.s32 $0x1010, s13;
	s19 =	simm.s32 $0xDBC8  }
0x22e: {  	[hbm4b:s15+s3] =	stream.linear.scatter [tilespmem:s19], [sflag:$0x5], $0x80, $0x38;
	[tilespmem:$0xE800] =	vst v63  }
0x22f: {  	s20 =	sadd.s32 $0x1020, s13;
	s21 =	simm.s32 $0xDC50  }
0x230: {  	[hbm4b:s20+s3] =	stream.linear.scatter [tilespmem:s21], [sflag:$0x5], $0x80, $0x38;
	[tilespmem:$0xE800] =	vst v63  }
0x231: {  	s15 =	sadd.s32 $0x1030, s13;
	s19 =	simm.s32 $0xDCD8  }
0x232: {  	[hbm4b:s15+s3] =	stream.linear.scatter [tilespmem:s19], [sflag:$0x5], $0x80, $0x38;
	[tilespmem:$0xE800] =	vst v63  }
0x233: {  	s20 =	sadd.s32 $0x1040, s13;
	s21 =	simm.s32 $0xDD60  }
0x234: {  	[hbm4b:s20+s3] =	stream.linear.scatter [tilespmem:s21], [sflag:$0x5], $0x80, $0x38;
	[tilespmem:$0xE800] =	vst v63  }
0x235: {  	s15 =	sadd.s32 $0x1050, s13;
	s19 =	simm.s32 $0xDDE8  }
0x236: {  	[hbm4b:s15+s3] =	stream.linear.scatter [tilespmem:s19], [sflag:$0x5], $0x80, $0x38;
	[tilespmem:$0xE800] =	vst v63  }
0x237: {  	s20 =	sadd.s32 $0x1060, s13;
	s21 =	simm.s32 $0xDE70  }
0x238: {  	[hbm4b:s20+s3] =	stream.linear.scatter [tilespmem:s21], [sflag:$0x5], $0x80, $0x38;
	[tilespmem:$0xE800] =	vst v63  }
0x239: {  	s15 =	sadd.s32 $0x1070, s13;
	s19 =	simm.s32 $0xDEF8  }
0x23a: {  	[hbm4b:s15+s3] =	stream.linear.scatter [tilespmem:s19], [sflag:$0x5], $0x80, $0x38;
	[tilespmem:$0xE800] =	vst v63  }
0x23b: {  	s13 =	rddreg [dreg:$0xb]  }
0x23c: {  	[hbm4b:s13+s3] =	stream.linear.scatter [tilespmem:s25], [sflag:$0x5], $0x80, $0x38;
	[tilespmem:$0xE800] =	vst v63  }
0x23d: {  	s20 =	sadd.s32 $0x10, s13;
	s21 =	simm.s32 $0xE008  }
0x23e: {  	[hbm4b:s20+s3] =	stream.linear.scatter [tilespmem:s21], [sflag:$0x5], $0x80, $0x38;
	[tilespmem:$0xE800] =	vst v63  }
0x23f: {  	s15 =	sadd.s32 $0x20, s13;
	s19 =	simm.s32 $0xE090  }
0x240: {  	[hbm4b:s15+s3] =	stream.linear.scatter [tilespmem:s19], [sflag:$0x5], $0x80, $0x38;
	[tilespmem:$0xE800] =	vst v63  }
0x241: {  	s20 =	sadd.s32 $0x30, s13;
	s21 =	simm.s32 $0xE118  }
0x242: {  	[hbm4b:s20+s3] =	stream.linear.scatter [tilespmem:s21], [sflag:$0x5], $0x80, $0x38;
	[tilespmem:$0xE800] =	vst v63  }
0x243: {  	s15 =	sadd.s32 $0x40, s13;
	s19 =	simm.s32 $0xE1A0  }
0x244: {  	[hbm4b:s15+s3] =	stream.linear.scatter [tilespmem:s19], [sflag:$0x5], $0x80, $0x38;
	[tilespmem:$0xE800] =	vst v63  }
0x245: {  	s20 =	sadd.s32 $0x50, s13;
	s21 =	simm.s32 $0xE228  }
0x246: {  	[hbm4b:s20+s3] =	stream.linear.scatter [tilespmem:s21], [sflag:$0x5], $0x80, $0x38;
	[tilespmem:$0xE800] =	vst v63  }
0x247: {  	s15 =	sadd.s32 $0x60, s13;
	s19 =	simm.s32 $0xE2B0  }
0x248: {  	[hbm4b:s15+s3] =	stream.linear.scatter [tilespmem:s19], [sflag:$0x5], $0x80, $0x38;
	[tilespmem:$0xE800] =	vst v63  }
0x249: {  	s20 =	sadd.s32 $0x70, s13;
	s21 =	simm.s32 $0xE338  }
0x24a: {  	[hbm4b:s20+s3] =	stream.linear.scatter [tilespmem:s21], [sflag:$0x5], $0x80, $0x38;
	[tilespmem:$0xE800] =	vst v63  }
0x24b: {  	s15 =	sadd.s32 $0x1000, s13;
	s19 =	simm.s32 $0xE3C0  }
0x24c: {  	[hbm4b:s15+s3] =	stream.linear.scatter [tilespmem:s19], [sflag:$0x5], $0x80, $0x38;
	[tilespmem:$0xE800] =	vst v63  }
0x24d: {  	s20 =	sadd.s32 $0x1010, s13;
	s21 =	simm.s32 $0xE448  }
0x24e: {  	[hbm4b:s20+s3] =	stream.linear.scatter [tilespmem:s21], [sflag:$0x5], $0x80, $0x38;
	[tilespmem:$0xE800] =	vst v63  }
0x24f: {  	s15 =	sadd.s32 $0x1020, s13;
	s19 =	simm.s32 $0xE4D0  }
0x250: {  	[hbm4b:s15+s3] =	stream.linear.scatter [tilespmem:s19], [sflag:$0x5], $0x80, $0x38;
	[tilespmem:$0xE800] =	vst v63  }
0x251: {  	s20 =	sadd.s32 $0x1030, s13;
	s21 =	simm.s32 $0xE558  }
0x252: {  	[hbm4b:s20+s3] =	stream.linear.scatter [tilespmem:s21], [sflag:$0x5], $0x80, $0x38;
	[tilespmem:$0xE800] =	vst v63  }
0x253: {  	s15 =	sadd.s32 $0x1040, s13;
	s19 =	simm.s32 $0xE5E0  }
0x254: {  	[hbm4b:s15+s3] =	stream.linear.scatter [tilespmem:s19], [sflag:$0x5], $0x80, $0x38;
	[tilespmem:$0xE800] =	vst v63  }
0x255: {  	s20 =	sadd.s32 $0x1050, s13;
	s21 =	simm.s32 $0xE668  }
0x256: {  	[hbm4b:s20+s3] =	stream.linear.scatter [tilespmem:s21], [sflag:$0x5], $0x80, $0x38;
	[tilespmem:$0xE800] =	vst v63  }
0x257: {  	s14 =	sadd.s32 $0x1060, s13;
	s15 =	simm.s32 $0xE6F0  }
0x258: {  	[hbm4b:s14+s3] =	stream.linear.scatter [tilespmem:s15], [sflag:$0x5], $0x80, $0x38;
	[tilespmem:$0xE800] =	vst v63  }
0x259: {  	s19 =	sadd.s32 $0x1070, s13  }
0x25a: {  	[hbm4b:s19+s3] =	stream.linear.scatter [tilespmem:s28], [sflag:$0x5], $0x80, $0x38;
	[tilespmem:$0xE800] =	vst v63  }
0x25b: {  	s9 =	simm.s32 $0x1;
	s20 =	simm.s32 $0x8400;
	s21 =	simm.s32 $0x180  }
0x25c: {  	[tilespmem:s20], [sflag:$0x3] =	stream.indirect.gather [hbm4b:s4+s23], $0x40, s21, s23, $0xb8;
	[tilespmem:$0xE800] =	vst v63  }
.LBB2_6:
0x25d: {  	_ =	swait.ge [sflag:s29], $0x2000  }
0x25e: {  	[sflag:s29] =	ssyncset.done $0x0  }
0x25f: {  	[sflag:s29] =	ssyncadd.s32 $0xFFFFE000  }
0x260: {  	_ =	swait.ge [sflag:s2], $0x800  }
0x261: {  	[sflag:s2] =	ssyncset.done $0x0  }
0x262: {  	[sflag:s2] =	ssyncadd.s32 $0xFFFFF800  }
0x263: {  	_ =	swait.ge [sflag:s2], $0x800  }
0x264: {  	[sflag:s2] =	ssyncset.done $0x0  }
0x265: {  	[sflag:s2] =	ssyncadd.s32 $0xFFFFF800  }
0x266: {  	_ =	swait.ge [sflag:s2], $0x800  }
0x267: {  	[sflag:s2] =	ssyncset.done $0x0  }
0x268: {  	[sflag:s2] =	ssyncadd.s32 $0xFFFFF800  }
0x269: {  	_ =	swait.ge [sflag:s2], $0x800  }
0x26a: {  	[sflag:s2] =	ssyncset.done $0x0  }
0x26b: {  	s13 =	simm.s32 $0x6500;
	s14 =	simm.s32 $0x0;
	[sflag:s2] =	ssyncadd.s32 $0xFFFFF800  }
0x26c: {  	v9 =	vadd.s32 s14, v0;
	v8 =	vld [tilespmem:s13+$0xFFFFFF00];
	_ =	sdelay $0x4  }
0x26d: {  	[tilespmem:v9+s30+$0x0] =	vst.idx.msk $0xffff, v8  }
0x26e: {  	v8 =	vld [tilespmem:s13+$0xFFFFFF10];
	_ =	sdelay $0x4  }
0x26f: {  	[tilespmem:v9+s31+$0x0] =	vst.idx.msk $0xffff, v8  }
0x270: {  	v8 =	vld [tilespmem:s13+$0xFFFFFF20];
	_ =	sdelay $0x4  }
0x271: {  	[tilespmem:v9+s0+$0x0] =	vst.idx.msk $0xffff, v8  }
0x272: {  	v8 =	vld [tilespmem:s13+$0xFFFFFF30];
	_ =	sdelay $0x4  }
0x273: {  	[tilespmem:v9+s1+$0x0] =	vst.idx.msk $0xffff, v8  }
0x274: {  	v9 =	vadd.s32 s14, v1;
	v8 =	vld [tilespmem:s13+$0xFFFFFF40];
	_ =	sdelay $0x4  }
0x275: {  	[tilespmem:v9+s30+$0x0] =	vst.idx.msk $0xffff, v8  }
0x276: {  	v8 =	vld [tilespmem:s13+$0xFFFFFF50];
	_ =	sdelay $0x4  }
0x277: {  	[tilespmem:v9+s31+$0x0] =	vst.idx.msk $0xffff, v8  }
0x278: {  	v8 =	vld [tilespmem:s13+$0xFFFFFF60];
	_ =	sdelay $0x4  }
0x279: {  	[tilespmem:v9+s0+$0x0] =	vst.idx.msk $0xffff, v8  }
0x27a: {  	v8 =	vld [tilespmem:s13+$0xFFFFFF70];
	_ =	sdelay $0x4  }
0x27b: {  	[tilespmem:v9+s1+$0x0] =	vst.idx.msk $0xffff, v8  }
0x27c: {  	v9 =	vadd.s32 s14, v2;
	v8 =	vld [tilespmem:s13+$0xFFFFFF80];
	_ =	sdelay $0x4  }
0x27d: {  	[tilespmem:v9+s30+$0x0] =	vst.idx.msk $0xffff, v8  }
0x27e: {  	v8 =	vld [tilespmem:s13+$0xFFFFFF90];
	_ =	sdelay $0x4  }
0x27f: {  	[tilespmem:v9+s31+$0x0] =	vst.idx.msk $0xffff, v8  }
0x280: {  	v8 =	vld [tilespmem:s13+$0xFFFFFFA0];
	_ =	sdelay $0x4  }
0x281: {  	[tilespmem:v9+s0+$0x0] =	vst.idx.msk $0xffff, v8  }
0x282: {  	v8 =	vld [tilespmem:s13+$0xFFFFFFB0];
	_ =	sdelay $0x4  }
0x283: {  	[tilespmem:v9+s1+$0x0] =	vst.idx.msk $0xffff, v8  }
0x284: {  	v9 =	vadd.s32 s14, v3;
	v8 =	vld [tilespmem:s13+$0xFFFFFFC0];
	_ =	sdelay $0x4  }
0x285: {  	[tilespmem:v9+s30+$0x0] =	vst.idx.msk $0xffff, v8  }
0x286: {  	v8 =	vld [tilespmem:s13+$0xFFFFFFD0];
	_ =	sdelay $0x4  }
0x287: {  	[tilespmem:v9+s31+$0x0] =	vst.idx.msk $0xffff, v8  }
0x288: {  	v8 =	vld [tilespmem:s13+$0xFFFFFFE0];
	_ =	sdelay $0x4  }
0x289: {  	[tilespmem:v9+s0+$0x0] =	vst.idx.msk $0xffff, v8  }
0x28a: {  	v8 =	vld [tilespmem:s13+$0xFFFFFFF0]  }
0x28b: {  	s15 =	simm.s32 $0x4  }
0x28c: {  	v10 =	vmov s15  }
0x28d: {  	v10 =	vand.u32 $0x78, v10  }
0x28e: {  	v10 =	vbroadcast v10, $0x0  }
0x28f: {  	[tilespmem:v9+s1+$0x0] =	vst.idx.msk $0xffff, v8  }
0x290: {  	v9 =	vadd.s32 v4, v10;
	v8 =	vld [tilespmem:s13+$0x0];
	_ =	sdelay $0x4  }
0x291: {  	[tilespmem:v9+s30+$0x0] =	vst.idx.msk $0xffff, v8  }
0x292: {  	v8 =	vld [tilespmem:s13+$0x10];
	_ =	sdelay $0x4  }
0x293: {  	[tilespmem:v9+s31+$0x0] =	vst.idx.msk $0xffff, v8  }
0x294: {  	v8 =	vld [tilespmem:s13+$0x20];
	_ =	sdelay $0x4  }
0x295: {  	[tilespmem:v9+s0+$0x0] =	vst.idx.msk $0xffff, v8  }
0x296: {  	v8 =	vld [tilespmem:s13+$0x30];
	_ =	sdelay $0x4  }
0x297: {  	[tilespmem:v9+s1+$0x0] =	vst.idx.msk $0xffff, v8  }
0x298: {  	v9 =	vadd.s32 v5, v10;
	v8 =	vld [tilespmem:s13+$0x40];
	_ =	sdelay $0x4  }
0x299: {  	[tilespmem:v9+s30+$0x0] =	vst.idx.msk $0xffff, v8  }
0x29a: {  	v8 =	vld [tilespmem:s13+$0x50];
	_ =	sdelay $0x4  }
0x29b: {  	[tilespmem:v9+s31+$0x0] =	vst.idx.msk $0xffff, v8  }
0x29c: {  	v8 =	vld [tilespmem:s13+$0x60];
	_ =	sdelay $0x4  }
0x29d: {  	[tilespmem:v9+s0+$0x0] =	vst.idx.msk $0xffff, v8  }
0x29e: {  	v8 =	vld [tilespmem:s13+$0x70];
	_ =	sdelay $0x4  }
0x29f: {  	[tilespmem:v9+s1+$0x0] =	vst.idx.msk $0xffff, v8  }
0x2a0: {  	v9 =	vadd.s32 v6, v10;
	v8 =	vld [tilespmem:s13+$0x80];
	_ =	sdelay $0x4  }
0x2a1: {  	[tilespmem:v9+s30+$0x0] =	vst.idx.msk $0xffff, v8  }
0x2a2: {  	v8 =	vld [tilespmem:s13+$0x90];
	_ =	sdelay $0x4  }
0x2a3: {  	[tilespmem:v9+s31+$0x0] =	vst.idx.msk $0xffff, v8  }
0x2a4: {  	v8 =	vld [tilespmem:s13+$0xA0];
	_ =	sdelay $0x4  }
0x2a5: {  	[tilespmem:v9+s0+$0x0] =	vst.idx.msk $0xffff, v8  }
0x2a6: {  	v8 =	vld [tilespmem:s13+$0xB0];
	_ =	sdelay $0x4  }
0x2a7: {  	[tilespmem:v9+s1+$0x0] =	vst.idx.msk $0xffff, v8  }
0x2a8: {  	v8 =	vadd.s32 v7, v10;
	v9 =	vld [tilespmem:s13+$0xC0];
	_ =	sdelay $0x4  }
0x2a9: {  	[tilespmem:v8+s30+$0x0] =	vst.idx.msk $0xffff, v9  }
0x2aa: {  	v9 =	vld [tilespmem:s13+$0xD0];
	_ =	sdelay $0x4  }
0x2ab: {  	[tilespmem:v8+s31+$0x0] =	vst.idx.msk $0xffff, v9  }
0x2ac: {  	v9 =	vld [tilespmem:s13+$0xE0];
	_ =	sdelay $0x4  }
0x2ad: {  	[tilespmem:v8+s0+$0x0] =	vst.idx.msk $0xffff, v9  }
0x2ae: {  	s15 =	simm.s32 $0x0;
	v9 =	vld [tilespmem:s13+$0xF0]  }
.LBB2_7:
0x2af: {  	_ =	sdelay $0x3  }
0x2b0: {  	s15 =	sadd.s32 $0x2, s15;
	s13 =	sadd.s32 $0x200, s13;
	s14 =	sadd.s32 $0x8, s14;
	[tilespmem:v8+s1+$0x0] =	vst.idx.msk $0xffff, v9  }
0x2b1: {  	p0 =	slt.u32 s15, $0x1E;
	v9 =	vadd.s32 s14, v0;
	v8 =	vld [tilespmem:s13+$0xFFFFFF00];
	_ =	sdelay $0x4  }
0x2b2: {  	[tilespmem:v9+s30+$0x0] =	vst.idx.msk $0xffff, v8  }
0x2b3: {  	v8 =	vld [tilespmem:s13+$0xFFFFFF10];
	_ =	sdelay $0x4  }
0x2b4: {  	[tilespmem:v9+s31+$0x0] =	vst.idx.msk $0xffff, v8  }
0x2b5: {  	v8 =	vld [tilespmem:s13+$0xFFFFFF20];
	_ =	sdelay $0x4  }
0x2b6: {  	[tilespmem:v9+s0+$0x0] =	vst.idx.msk $0xffff, v8  }
0x2b7: {  	v8 =	vld [tilespmem:s13+$0xFFFFFF30];
	_ =	sdelay $0x4  }
0x2b8: {  	[tilespmem:v9+s1+$0x0] =	vst.idx.msk $0xffff, v8  }
0x2b9: {  	v9 =	vadd.s32 s14, v1;
	v8 =	vld [tilespmem:s13+$0xFFFFFF40];
	_ =	sdelay $0x4  }
0x2ba: {  	[tilespmem:v9+s30+$0x0] =	vst.idx.msk $0xffff, v8  }
0x2bb: {  	v8 =	vld [tilespmem:s13+$0xFFFFFF50];
	_ =	sdelay $0x4  }
0x2bc: {  	[tilespmem:v9+s31+$0x0] =	vst.idx.msk $0xffff, v8  }
0x2bd: {  	v8 =	vld [tilespmem:s13+$0xFFFFFF60];
	_ =	sdelay $0x4  }
0x2be: {  	[tilespmem:v9+s0+$0x0] =	vst.idx.msk $0xffff, v8  }
0x2bf: {  	v8 =	vld [tilespmem:s13+$0xFFFFFF70];
	_ =	sdelay $0x4  }
0x2c0: {  	[tilespmem:v9+s1+$0x0] =	vst.idx.msk $0xffff, v8  }
0x2c1: {  	v9 =	vadd.s32 s14, v2;
	v8 =	vld [tilespmem:s13+$0xFFFFFF80];
	_ =	sdelay $0x4  }
0x2c2: {  	[tilespmem:v9+s30+$0x0] =	vst.idx.msk $0xffff, v8  }
0x2c3: {  	v8 =	vld [tilespmem:s13+$0xFFFFFF90];
	_ =	sdelay $0x4  }
0x2c4: {  	[tilespmem:v9+s31+$0x0] =	vst.idx.msk $0xffff, v8  }
0x2c5: {  	v8 =	vld [tilespmem:s13+$0xFFFFFFA0];
	_ =	sdelay $0x4  }
0x2c6: {  	[tilespmem:v9+s0+$0x0] =	vst.idx.msk $0xffff, v8  }
0x2c7: {  	v8 =	vld [tilespmem:s13+$0xFFFFFFB0];
	_ =	sdelay $0x4  }
0x2c8: {  	[tilespmem:v9+s1+$0x0] =	vst.idx.msk $0xffff, v8  }
0x2c9: {  	v9 =	vadd.s32 s14, v3;
	v8 =	vld [tilespmem:s13+$0xFFFFFFC0];
	_ =	sdelay $0x4  }
0x2ca: {  	[tilespmem:v9+s30+$0x0] =	vst.idx.msk $0xffff, v8  }
0x2cb: {  	v8 =	vld [tilespmem:s13+$0xFFFFFFD0];
	_ =	sdelay $0x4  }
0x2cc: {  	[tilespmem:v9+s31+$0x0] =	vst.idx.msk $0xffff, v8  }
0x2cd: {  	v8 =	vld [tilespmem:s13+$0xFFFFFFE0];
	_ =	sdelay $0x4  }
0x2ce: {  	[tilespmem:v9+s0+$0x0] =	vst.idx.msk $0xffff, v8  }
0x2cf: {  	v8 =	vld [tilespmem:s13+$0xFFFFFFF0]  }
0x2d0: {  	s19 =	sadd.s32 $0x4, s14  }
0x2d1: {  	v10 =	vmov s19  }
0x2d2: {  	v10 =	vand.u32 $0x78, v10  }
0x2d3: {  	v10 =	vbroadcast v10, $0x0  }
0x2d4: {  	[tilespmem:v9+s1+$0x0] =	vst.idx.msk $0xffff, v8  }
0x2d5: {  	v9 =	vadd.s32 v4, v10;
	v8 =	vld [tilespmem:s13+$0x0];
	_ =	sdelay $0x4  }
0x2d6: {  	[tilespmem:v9+s30+$0x0] =	vst.idx.msk $0xffff, v8  }
0x2d7: {  	v8 =	vld [tilespmem:s13+$0x10];
	_ =	sdelay $0x4  }
0x2d8: {  	[tilespmem:v9+s31+$0x0] =	vst.idx.msk $0xffff, v8  }
0x2d9: {  	v8 =	vld [tilespmem:s13+$0x20];
	_ =	sdelay $0x4  }
0x2da: {  	[tilespmem:v9+s0+$0x0] =	vst.idx.msk $0xffff, v8  }
0x2db: {  	v8 =	vld [tilespmem:s13+$0x30];
	_ =	sdelay $0x4  }
0x2dc: {  	[tilespmem:v9+s1+$0x0] =	vst.idx.msk $0xffff, v8  }
0x2dd: {  	v9 =	vadd.s32 v5, v10;
	v8 =	vld [tilespmem:s13+$0x40];
	_ =	sdelay $0x4  }
0x2de: {  	[tilespmem:v9+s30+$0x0] =	vst.idx.msk $0xffff, v8  }
0x2df: {  	v8 =	vld [tilespmem:s13+$0x50];
	_ =	sdelay $0x4  }
0x2e0: {  	[tilespmem:v9+s31+$0x0] =	vst.idx.msk $0xffff, v8  }
0x2e1: {  	v8 =	vld [tilespmem:s13+$0x60];
	_ =	sdelay $0x4  }
0x2e2: {  	[tilespmem:v9+s0+$0x0] =	vst.idx.msk $0xffff, v8  }
0x2e3: {  	v8 =	vld [tilespmem:s13+$0x70];
	_ =	sdelay $0x4  }
0x2e4: {  	[tilespmem:v9+s1+$0x0] =	vst.idx.msk $0xffff, v8  }
0x2e5: {  	v9 =	vadd.s32 v6, v10;
	v8 =	vld [tilespmem:s13+$0x80];
	_ =	sdelay $0x4  }
0x2e6: {  	[tilespmem:v9+s30+$0x0] =	vst.idx.msk $0xffff, v8  }
0x2e7: {  	v8 =	vld [tilespmem:s13+$0x90];
	_ =	sdelay $0x4  }
0x2e8: {  	[tilespmem:v9+s31+$0x0] =	vst.idx.msk $0xffff, v8  }
0x2e9: {  	v8 =	vld [tilespmem:s13+$0xA0];
	_ =	sdelay $0x4  }
0x2ea: {  	[tilespmem:v9+s0+$0x0] =	vst.idx.msk $0xffff, v8  }
0x2eb: {  	v8 =	vld [tilespmem:s13+$0xB0];
	_ =	sdelay $0x4  }
0x2ec: {  	[tilespmem:v9+s1+$0x0] =	vst.idx.msk $0xffff, v8  }
0x2ed: {  	v8 =	vadd.s32 v7, v10;
	v9 =	vld [tilespmem:s13+$0xC0];
	_ =	sdelay $0x4  }
0x2ee: {  	[tilespmem:v8+s30+$0x0] =	vst.idx.msk $0xffff, v9  }
0x2ef: {  	v9 =	vld [tilespmem:s13+$0xD0];
	_ =	sdelay $0x4  }
0x2f0: {  	[tilespmem:v8+s31+$0x0] =	vst.idx.msk $0xffff, v9  }
0x2f1: {  	v9 =	vld [tilespmem:s13+$0xE0];
	_ =	sdelay $0x1  }
.Ltmp4:
0x2f2: {  	(pc) =	sbr.rel @p0 .LBB2_7-.Ltmp4, $3  }
0x2f3: {  	_ =	sdelay $0x1  }
0x2f4: {  	[tilespmem:v8+s0+$0x0] =	vst.idx.msk $0xffff, v9  }
0x2f5: {  	v9 =	vld [tilespmem:s13+$0xF0]  }
0x2f6: {  	_ =	sdelay $0x1  }
0x2f7: {  	s13 =	sshll.u32 s9, $0x10  }
0x2f8: {  	s14 =	rddreg [dreg:$0x1];
	s13 =	sor.u32 s5, s13  }
0x2f9: {  	s14 =	sadd.s32 s14, s13;
	[tilespmem:v8+s1+$0x0] =	vst.idx.msk $0xffff, v9  }
0x2fa: {  	[hbm4b:s14+s3] =	stream.linear.scatter [tilespmem:s30], [sflag:$0x4], $0x80, $0x38;
	[tilespmem:$0xE800] =	vst v63  }
0x2fb: {  	s19 =	simm.s32 $0xA488;
	s15 =	sadd.s32 $0x10, s14  }
0x2fc: {  	[hbm4b:s15+s3] =	stream.linear.scatter [tilespmem:s19], [sflag:$0x4], $0x80, $0x38;
	[tilespmem:$0xE800] =	vst v63  }
0x2fd: {  	s21 =	simm.s32 $0xA510;
	s20 =	sadd.s32 $0x20, s14  }
0x2fe: {  	[hbm4b:s20+s3] =	stream.linear.scatter [tilespmem:s21], [sflag:$0x4], $0x80, $0x38;
	[tilespmem:$0xE800] =	vst v63  }
0x2ff: {  	s20 =	sadd.s32 $0x30, s14;
	s21 =	simm.s32 $0xA598  }
0x300: {  	[hbm4b:s20+s3] =	stream.linear.scatter [tilespmem:s21], [sflag:$0x4], $0x80, $0x38;
	[tilespmem:$0xE800] =	vst v63  }
0x301: {  	s20 =	sadd.s32 $0x40, s14;
	s21 =	simm.s32 $0xA620  }
0x302: {  	[hbm4b:s20+s3] =	stream.linear.scatter [tilespmem:s21], [sflag:$0x4], $0x80, $0x38;
	[tilespmem:$0xE800] =	vst v63  }
0x303: {  	s20 =	sadd.s32 $0x50, s14;
	s21 =	simm.s32 $0xA6A8  }
0x304: {  	[hbm4b:s20+s3] =	stream.linear.scatter [tilespmem:s21], [sflag:$0x4], $0x80, $0x38;
	[tilespmem:$0xE800] =	vst v63  }
0x305: {  	s20 =	sadd.s32 $0x60, s14;
	s21 =	simm.s32 $0xA730  }
0x306: {  	[hbm4b:s20+s3] =	stream.linear.scatter [tilespmem:s21], [sflag:$0x4], $0x80, $0x38;
	[tilespmem:$0xE800] =	vst v63  }
0x307: {  	s20 =	sadd.s32 $0x70, s14;
	s21 =	simm.s32 $0xA7B8  }
0x308: {  	[hbm4b:s20+s3] =	stream.linear.scatter [tilespmem:s21], [sflag:$0x4], $0x80, $0x38;
	[tilespmem:$0xE800] =	vst v63  }
0x309: {  	s20 =	sadd.s32 $0x1000, s14;
	s21 =	simm.s32 $0xA840  }
0x30a: {  	[hbm4b:s20+s3] =	stream.linear.scatter [tilespmem:s21], [sflag:$0x4], $0x80, $0x38;
	[tilespmem:$0xE800] =	vst v63  }
0x30b: {  	s20 =	sadd.s32 $0x1010, s14;
	s21 =	simm.s32 $0xA8C8  }
0x30c: {  	[hbm4b:s20+s3] =	stream.linear.scatter [tilespmem:s21], [sflag:$0x4], $0x80, $0x38;
	[tilespmem:$0xE800] =	vst v63  }
0x30d: {  	s20 =	sadd.s32 $0x1020, s14;
	s21 =	simm.s32 $0xA950  }
0x30e: {  	[hbm4b:s20+s3] =	stream.linear.scatter [tilespmem:s21], [sflag:$0x4], $0x80, $0x38;
	[tilespmem:$0xE800] =	vst v63  }
0x30f: {  	s20 =	sadd.s32 $0x1030, s14;
	s21 =	simm.s32 $0xA9D8  }
0x310: {  	[hbm4b:s20+s3] =	stream.linear.scatter [tilespmem:s21], [sflag:$0x4], $0x80, $0x38;
	[tilespmem:$0xE800] =	vst v63  }
0x311: {  	s20 =	sadd.s32 $0x1040, s14;
	s21 =	simm.s32 $0xAA60  }
0x312: {  	[hbm4b:s20+s3] =	stream.linear.scatter [tilespmem:s21], [sflag:$0x4], $0x80, $0x38;
	[tilespmem:$0xE800] =	vst v63  }
0x313: {  	s20 =	sadd.s32 $0x1050, s14;
	s21 =	simm.s32 $0xAAE8  }
0x314: {  	[hbm4b:s20+s3] =	stream.linear.scatter [tilespmem:s21], [sflag:$0x4], $0x80, $0x38;
	[tilespmem:$0xE800] =	vst v63  }
0x315: {  	s20 =	sadd.s32 $0x1060, s14;
	s21 =	simm.s32 $0xAB70  }
0x316: {  	[hbm4b:s20+s3] =	stream.linear.scatter [tilespmem:s21], [sflag:$0x4], $0x80, $0x38;
	[tilespmem:$0xE800] =	vst v63  }
0x317: {  	s19 =	simm.s32 $0xABF8;
	s14 =	sadd.s32 $0x1070, s14  }
0x318: {  	[hbm4b:s14+s3] =	stream.linear.scatter [tilespmem:s19], [sflag:$0x4], $0x80, $0x38;
	[tilespmem:$0xE800] =	vst v63  }
0x319: {  	s14 =	sadd.s32 s13, s6  }
0x31a: {  	[hbm4b:s14+s3] =	stream.linear.scatter [tilespmem:s31], [sflag:$0x4], $0x80, $0x38;
	[tilespmem:$0xE800] =	vst v63  }
0x31b: {  	s21 =	simm.s32 $0xAD08;
	s20 =	sadd.s32 $0x10, s14  }
0x31c: {  	[hbm4b:s20+s3] =	stream.linear.scatter [tilespmem:s21], [sflag:$0x4], $0x80, $0x38;
	[tilespmem:$0xE800] =	vst v63  }
0x31d: {  	s20 =	sadd.s32 $0x20, s14;
	s21 =	simm.s32 $0xAD90  }
0x31e: {  	[hbm4b:s20+s3] =	stream.linear.scatter [tilespmem:s21], [sflag:$0x4], $0x80, $0x38;
	[tilespmem:$0xE800] =	vst v63  }
0x31f: {  	s20 =	sadd.s32 $0x30, s14;
	s21 =	simm.s32 $0xAE18  }
0x320: {  	[hbm4b:s20+s3] =	stream.linear.scatter [tilespmem:s21], [sflag:$0x4], $0x80, $0x38;
	[tilespmem:$0xE800] =	vst v63  }
0x321: {  	s20 =	sadd.s32 $0x40, s14;
	s21 =	simm.s32 $0xAEA0  }
0x322: {  	[hbm4b:s20+s3] =	stream.linear.scatter [tilespmem:s21], [sflag:$0x4], $0x80, $0x38;
	[tilespmem:$0xE800] =	vst v63  }
0x323: {  	s20 =	sadd.s32 $0x50, s14;
	s21 =	simm.s32 $0xAF28  }
0x324: {  	[hbm4b:s20+s3] =	stream.linear.scatter [tilespmem:s21], [sflag:$0x4], $0x80, $0x38;
	[tilespmem:$0xE800] =	vst v63  }
0x325: {  	s20 =	sadd.s32 $0x60, s14;
	s21 =	simm.s32 $0xAFB0  }
0x326: {  	[hbm4b:s20+s3] =	stream.linear.scatter [tilespmem:s21], [sflag:$0x4], $0x80, $0x38;
	[tilespmem:$0xE800] =	vst v63  }
0x327: {  	s20 =	sadd.s32 $0x70, s14;
	s21 =	simm.s32 $0xB038  }
0x328: {  	[hbm4b:s20+s3] =	stream.linear.scatter [tilespmem:s21], [sflag:$0x4], $0x80, $0x38;
	[tilespmem:$0xE800] =	vst v63  }
0x329: {  	s20 =	sadd.s32 $0x1000, s14;
	s21 =	simm.s32 $0xB0C0  }
0x32a: {  	[hbm4b:s20+s3] =	stream.linear.scatter [tilespmem:s21], [sflag:$0x4], $0x80, $0x38;
	[tilespmem:$0xE800] =	vst v63  }
0x32b: {  	s20 =	sadd.s32 $0x1010, s14;
	s21 =	simm.s32 $0xB148  }
0x32c: {  	[hbm4b:s20+s3] =	stream.linear.scatter [tilespmem:s21], [sflag:$0x4], $0x80, $0x38;
	[tilespmem:$0xE800] =	vst v63  }
0x32d: {  	s20 =	sadd.s32 $0x1020, s14;
	s21 =	simm.s32 $0xB1D0  }
0x32e: {  	[hbm4b:s20+s3] =	stream.linear.scatter [tilespmem:s21], [sflag:$0x4], $0x80, $0x38;
	[tilespmem:$0xE800] =	vst v63  }
0x32f: {  	s20 =	sadd.s32 $0x1030, s14;
	s21 =	simm.s32 $0xB258  }
0x330: {  	[hbm4b:s20+s3] =	stream.linear.scatter [tilespmem:s21], [sflag:$0x4], $0x80, $0x38;
	[tilespmem:$0xE800] =	vst v63  }
0x331: {  	s20 =	sadd.s32 $0x1040, s14;
	s21 =	simm.s32 $0xB2E0  }
0x332: {  	[hbm4b:s20+s3] =	stream.linear.scatter [tilespmem:s21], [sflag:$0x4], $0x80, $0x38;
	[tilespmem:$0xE800] =	vst v63  }
0x333: {  	s20 =	sadd.s32 $0x1050, s14;
	s21 =	simm.s32 $0xB368  }
0x334: {  	[hbm4b:s20+s3] =	stream.linear.scatter [tilespmem:s21], [sflag:$0x4], $0x80, $0x38;
	[tilespmem:$0xE800] =	vst v63  }
0x335: {  	s20 =	sadd.s32 $0x1060, s14;
	s21 =	simm.s32 $0xB3F0  }
0x336: {  	[hbm4b:s20+s3] =	stream.linear.scatter [tilespmem:s21], [sflag:$0x4], $0x80, $0x38;
	[tilespmem:$0xE800] =	vst v63  }
0x337: {  	s19 =	simm.s32 $0xB478;
	s14 =	sadd.s32 $0x1070, s14  }
0x338: {  	[hbm4b:s14+s3] =	stream.linear.scatter [tilespmem:s19], [sflag:$0x4], $0x80, $0x38;
	[tilespmem:$0xE800] =	vst v63  }
0x339: {  	s14 =	sadd.s32 s13, s10  }
0x33a: {  	[hbm4b:s14+s3] =	stream.linear.scatter [tilespmem:s0], [sflag:$0x4], $0x80, $0x38;
	[tilespmem:$0xE800] =	vst v63  }
0x33b: {  	s21 =	simm.s32 $0xB588;
	s20 =	sadd.s32 $0x10, s14  }
0x33c: {  	[hbm4b:s20+s3] =	stream.linear.scatter [tilespmem:s21], [sflag:$0x4], $0x80, $0x38;
	[tilespmem:$0xE800] =	vst v63  }
0x33d: {  	s20 =	sadd.s32 $0x20, s14;
	s21 =	simm.s32 $0xB610  }
0x33e: {  	[hbm4b:s20+s3] =	stream.linear.scatter [tilespmem:s21], [sflag:$0x4], $0x80, $0x38;
	[tilespmem:$0xE800] =	vst v63  }
0x33f: {  	s20 =	sadd.s32 $0x30, s14;
	s21 =	simm.s32 $0xB698  }
0x340: {  	[hbm4b:s20+s3] =	stream.linear.scatter [tilespmem:s21], [sflag:$0x4], $0x80, $0x38;
	[tilespmem:$0xE800] =	vst v63  }
0x341: {  	s20 =	sadd.s32 $0x40, s14;
	s21 =	simm.s32 $0xB720  }
0x342: {  	[hbm4b:s20+s3] =	stream.linear.scatter [tilespmem:s21], [sflag:$0x4], $0x80, $0x38;
	[tilespmem:$0xE800] =	vst v63  }
0x343: {  	s20 =	sadd.s32 $0x50, s14;
	s21 =	simm.s32 $0xB7A8  }
0x344: {  	[hbm4b:s20+s3] =	stream.linear.scatter [tilespmem:s21], [sflag:$0x4], $0x80, $0x38;
	[tilespmem:$0xE800] =	vst v63  }
0x345: {  	s20 =	sadd.s32 $0x60, s14;
	s21 =	simm.s32 $0xB830  }
0x346: {  	[hbm4b:s20+s3] =	stream.linear.scatter [tilespmem:s21], [sflag:$0x4], $0x80, $0x38;
	[tilespmem:$0xE800] =	vst v63  }
0x347: {  	s20 =	sadd.s32 $0x70, s14;
	s21 =	simm.s32 $0xB8B8  }
0x348: {  	[hbm4b:s20+s3] =	stream.linear.scatter [tilespmem:s21], [sflag:$0x4], $0x80, $0x38;
	[tilespmem:$0xE800] =	vst v63  }
0x349: {  	s20 =	sadd.s32 $0x1000, s14;
	s21 =	simm.s32 $0xB940  }
0x34a: {  	[hbm4b:s20+s3] =	stream.linear.scatter [tilespmem:s21], [sflag:$0x4], $0x80, $0x38;
	[tilespmem:$0xE800] =	vst v63  }
0x34b: {  	s20 =	sadd.s32 $0x1010, s14;
	s21 =	simm.s32 $0xB9C8  }
0x34c: {  	[hbm4b:s20+s3] =	stream.linear.scatter [tilespmem:s21], [sflag:$0x4], $0x80, $0x38;
	[tilespmem:$0xE800] =	vst v63  }
0x34d: {  	s20 =	sadd.s32 $0x1020, s14;
	s21 =	simm.s32 $0xBA50  }
0x34e: {  	[hbm4b:s20+s3] =	stream.linear.scatter [tilespmem:s21], [sflag:$0x4], $0x80, $0x38;
	[tilespmem:$0xE800] =	vst v63  }
0x34f: {  	s20 =	sadd.s32 $0x1030, s14;
	s21 =	simm.s32 $0xBAD8  }
0x350: {  	[hbm4b:s20+s3] =	stream.linear.scatter [tilespmem:s21], [sflag:$0x4], $0x80, $0x38;
	[tilespmem:$0xE800] =	vst v63  }
0x351: {  	s20 =	sadd.s32 $0x1040, s14;
	s21 =	simm.s32 $0xBB60  }
0x352: {  	[hbm4b:s20+s3] =	stream.linear.scatter [tilespmem:s21], [sflag:$0x4], $0x80, $0x38;
	[tilespmem:$0xE800] =	vst v63  }
0x353: {  	s20 =	sadd.s32 $0x1050, s14;
	s21 =	simm.s32 $0xBBE8  }
0x354: {  	[hbm4b:s20+s3] =	stream.linear.scatter [tilespmem:s21], [sflag:$0x4], $0x80, $0x38;
	[tilespmem:$0xE800] =	vst v63  }
0x355: {  	s20 =	sadd.s32 $0x1060, s14;
	s21 =	simm.s32 $0xBC70  }
0x356: {  	[hbm4b:s20+s3] =	stream.linear.scatter [tilespmem:s21], [sflag:$0x4], $0x80, $0x38;
	[tilespmem:$0xE800] =	vst v63  }
0x357: {  	s19 =	simm.s32 $0xBCF8;
	s14 =	sadd.s32 $0x1070, s14  }
0x358: {  	[hbm4b:s14+s3] =	stream.linear.scatter [tilespmem:s19], [sflag:$0x4], $0x80, $0x38;
	[tilespmem:$0xE800] =	vst v63  }
0x359: {  	s14 =	sadd.s32 s13, s11  }
0x35a: {  	[hbm4b:s14+s3] =	stream.linear.scatter [tilespmem:s1], [sflag:$0x4], $0x80, $0x38;
	[tilespmem:$0xE800] =	vst v63  }
0x35b: {  	s21 =	simm.s32 $0xBE08;
	s20 =	sadd.s32 $0x10, s14  }
0x35c: {  	[hbm4b:s20+s3] =	stream.linear.scatter [tilespmem:s21], [sflag:$0x4], $0x80, $0x38;
	[tilespmem:$0xE800] =	vst v63  }
0x35d: {  	s20 =	sadd.s32 $0x20, s14;
	s21 =	simm.s32 $0xBE90  }
0x35e: {  	[hbm4b:s20+s3] =	stream.linear.scatter [tilespmem:s21], [sflag:$0x4], $0x80, $0x38;
	[tilespmem:$0xE800] =	vst v63  }
0x35f: {  	s20 =	sadd.s32 $0x30, s14;
	s21 =	simm.s32 $0xBF18  }
0x360: {  	[hbm4b:s20+s3] =	stream.linear.scatter [tilespmem:s21], [sflag:$0x4], $0x80, $0x38;
	[tilespmem:$0xE800] =	vst v63  }
0x361: {  	s20 =	sadd.s32 $0x40, s14;
	s21 =	simm.s32 $0xBFA0  }
0x362: {  	[hbm4b:s20+s3] =	stream.linear.scatter [tilespmem:s21], [sflag:$0x4], $0x80, $0x38;
	[tilespmem:$0xE800] =	vst v63  }
0x363: {  	s20 =	sadd.s32 $0x50, s14;
	s21 =	simm.s32 $0xC028  }
0x364: {  	[hbm4b:s20+s3] =	stream.linear.scatter [tilespmem:s21], [sflag:$0x4], $0x80, $0x38;
	[tilespmem:$0xE800] =	vst v63  }
0x365: {  	s20 =	sadd.s32 $0x60, s14;
	s21 =	simm.s32 $0xC0B0  }
0x366: {  	[hbm4b:s20+s3] =	stream.linear.scatter [tilespmem:s21], [sflag:$0x4], $0x80, $0x38;
	[tilespmem:$0xE800] =	vst v63  }
0x367: {  	s20 =	sadd.s32 $0x70, s14;
	s21 =	simm.s32 $0xC138  }
0x368: {  	[hbm4b:s20+s3] =	stream.linear.scatter [tilespmem:s21], [sflag:$0x4], $0x80, $0x38;
	[tilespmem:$0xE800] =	vst v63  }
0x369: {  	s20 =	sadd.s32 $0x1000, s14;
	s21 =	simm.s32 $0xC1C0  }
0x36a: {  	[hbm4b:s20+s3] =	stream.linear.scatter [tilespmem:s21], [sflag:$0x4], $0x80, $0x38;
	[tilespmem:$0xE800] =	vst v63  }
0x36b: {  	s20 =	sadd.s32 $0x1010, s14;
	s21 =	simm.s32 $0xC248  }
0x36c: {  	[hbm4b:s20+s3] =	stream.linear.scatter [tilespmem:s21], [sflag:$0x4], $0x80, $0x38;
	[tilespmem:$0xE800] =	vst v63  }
0x36d: {  	s20 =	sadd.s32 $0x1020, s14;
	s21 =	simm.s32 $0xC2D0  }
0x36e: {  	[hbm4b:s20+s3] =	stream.linear.scatter [tilespmem:s21], [sflag:$0x4], $0x80, $0x38;
	[tilespmem:$0xE800] =	vst v63  }
0x36f: {  	s20 =	sadd.s32 $0x1030, s14;
	s21 =	simm.s32 $0xC358  }
0x370: {  	[hbm4b:s20+s3] =	stream.linear.scatter [tilespmem:s21], [sflag:$0x4], $0x80, $0x38;
	[tilespmem:$0xE800] =	vst v63  }
0x371: {  	s20 =	sadd.s32 $0x1040, s14;
	s21 =	simm.s32 $0xC3E0  }
0x372: {  	[hbm4b:s20+s3] =	stream.linear.scatter [tilespmem:s21], [sflag:$0x4], $0x80, $0x38;
	[tilespmem:$0xE800] =	vst v63  }
0x373: {  	s20 =	sadd.s32 $0x1050, s14;
	s21 =	simm.s32 $0xC468  }
0x374: {  	[hbm4b:s20+s3] =	stream.linear.scatter [tilespmem:s21], [sflag:$0x4], $0x80, $0x38;
	[tilespmem:$0xE800] =	vst v63  }
0x375: {  	s20 =	sadd.s32 $0x1060, s14;
	s21 =	simm.s32 $0xC4F0  }
0x376: {  	[hbm4b:s20+s3] =	stream.linear.scatter [tilespmem:s21], [sflag:$0x4], $0x80, $0x38;
	[tilespmem:$0xE800] =	vst v63  }
0x377: {  	s14 =	sadd.s32 $0x1070, s14;
	s20 =	simm.s32 $0xC578  }
0x378: {  	[hbm4b:s14+s3] =	stream.linear.scatter [tilespmem:s20], [sflag:$0x4], $0x80, $0x38;
	[tilespmem:$0xE800] =	vst v63  }
0x379: {  	p0 =	seq.s32 s9, $0x63;
	s14 =	sshll.u32 s9, $0xA  }
0x37a: {  	s15 =	sshrl.u32 @!p0 s14, $0x2  }
0x37b: {  	s19 =	simm.s32 @!p0 $0x80;
	s20 =	simm.s32 @!p0 $0x6400;
	s15 =	sadd.s32 @!p0 $0x100, s15  }
0x37c: {  	[tilespmem:s20], [sflag:$0x2] =	stream.indirect.gather @!p0 [hbm4b:s4+s19], $0x40, s15, s19, $0xb8;
	[tilespmem:$0xE800] =	vst v63  }
0x37d: {  	_ =	swait.ge [sflag:s24], $0x2000  }
0x37e: {  	[sflag:s24] =	ssyncset.done $0x0  }
0x37f: {  	[sflag:s24] =	ssyncadd.s32 $0xFFFFE000  }
0x380: {  	_ =	swait.ge [sflag:s8], $0x800  }
0x381: {  	[sflag:s8] =	ssyncset.done $0x0  }
0x382: {  	[sflag:s8] =	ssyncadd.s32 $0xFFFFF800  }
0x383: {  	_ =	swait.ge [sflag:s8], $0x800  }
0x384: {  	[sflag:s8] =	ssyncset.done $0x0  }
0x385: {  	[sflag:s8] =	ssyncadd.s32 $0xFFFFF800  }
0x386: {  	_ =	swait.ge [sflag:s8], $0x800  }
0x387: {  	[sflag:s8] =	ssyncset.done $0x0  }
0x388: {  	[sflag:s8] =	ssyncadd.s32 $0xFFFFF800  }
0x389: {  	_ =	swait.ge [sflag:s8], $0x800  }
0x38a: {  	[sflag:s8] =	ssyncset.done $0x0  }
0x38b: {  	s15 =	simm.s32 $0x8500;
	s19 =	simm.s32 $0x0;
	[sflag:s8] =	ssyncadd.s32 $0xFFFFF800  }
0x38c: {  	v9 =	vadd.s32 s19, v0;
	v8 =	vld [tilespmem:s15+$0xFFFFFF00];
	_ =	sdelay $0x4  }
0x38d: {  	[tilespmem:v9+s26+$0x0] =	vst.idx.msk $0xffff, v8  }
0x38e: {  	v8 =	vld [tilespmem:s15+$0xFFFFFF10];
	_ =	sdelay $0x4  }
0x38f: {  	[tilespmem:v9+s7+$0x0] =	vst.idx.msk $0xffff, v8  }
0x390: {  	v8 =	vld [tilespmem:s15+$0xFFFFFF20];
	_ =	sdelay $0x4  }
0x391: {  	[tilespmem:v9+s22+$0x0] =	vst.idx.msk $0xffff, v8  }
0x392: {  	v8 =	vld [tilespmem:s15+$0xFFFFFF30];
	_ =	sdelay $0x4  }
0x393: {  	[tilespmem:v9+s25+$0x0] =	vst.idx.msk $0xffff, v8  }
0x394: {  	v9 =	vadd.s32 s19, v1;
	v8 =	vld [tilespmem:s15+$0xFFFFFF40];
	_ =	sdelay $0x4  }
0x395: {  	[tilespmem:v9+s26+$0x0] =	vst.idx.msk $0xffff, v8  }
0x396: {  	v8 =	vld [tilespmem:s15+$0xFFFFFF50];
	_ =	sdelay $0x4  }
0x397: {  	[tilespmem:v9+s7+$0x0] =	vst.idx.msk $0xffff, v8  }
0x398: {  	v8 =	vld [tilespmem:s15+$0xFFFFFF60];
	_ =	sdelay $0x4  }
0x399: {  	[tilespmem:v9+s22+$0x0] =	vst.idx.msk $0xffff, v8  }
0x39a: {  	v8 =	vld [tilespmem:s15+$0xFFFFFF70];
	_ =	sdelay $0x4  }
0x39b: {  	[tilespmem:v9+s25+$0x0] =	vst.idx.msk $0xffff, v8  }
0x39c: {  	v9 =	vadd.s32 s19, v2;
	v8 =	vld [tilespmem:s15+$0xFFFFFF80];
	_ =	sdelay $0x4  }
0x39d: {  	[tilespmem:v9+s26+$0x0] =	vst.idx.msk $0xffff, v8  }
0x39e: {  	v8 =	vld [tilespmem:s15+$0xFFFFFF90];
	_ =	sdelay $0x4  }
0x39f: {  	[tilespmem:v9+s7+$0x0] =	vst.idx.msk $0xffff, v8  }
0x3a0: {  	v8 =	vld [tilespmem:s15+$0xFFFFFFA0];
	_ =	sdelay $0x4  }
0x3a1: {  	[tilespmem:v9+s22+$0x0] =	vst.idx.msk $0xffff, v8  }
0x3a2: {  	v8 =	vld [tilespmem:s15+$0xFFFFFFB0];
	_ =	sdelay $0x4  }
0x3a3: {  	[tilespmem:v9+s25+$0x0] =	vst.idx.msk $0xffff, v8  }
0x3a4: {  	v9 =	vadd.s32 s19, v3;
	v8 =	vld [tilespmem:s15+$0xFFFFFFC0];
	_ =	sdelay $0x4  }
0x3a5: {  	[tilespmem:v9+s26+$0x0] =	vst.idx.msk $0xffff, v8  }
0x3a6: {  	v8 =	vld [tilespmem:s15+$0xFFFFFFD0];
	_ =	sdelay $0x4  }
0x3a7: {  	[tilespmem:v9+s7+$0x0] =	vst.idx.msk $0xffff, v8  }
0x3a8: {  	v8 =	vld [tilespmem:s15+$0xFFFFFFE0];
	_ =	sdelay $0x4  }
0x3a9: {  	[tilespmem:v9+s22+$0x0] =	vst.idx.msk $0xffff, v8  }
0x3aa: {  	v8 =	vld [tilespmem:s15+$0xFFFFFFF0]  }
0x3ab: {  	s21 =	simm.s32 $0x4  }
0x3ac: {  	v10 =	vmov s21  }
0x3ad: {  	v10 =	vand.u32 $0x78, v10  }
0x3ae: {  	v10 =	vbroadcast v10, $0x0  }
0x3af: {  	[tilespmem:v9+s25+$0x0] =	vst.idx.msk $0xffff, v8  }
0x3b0: {  	v9 =	vadd.s32 v4, v10;
	v8 =	vld [tilespmem:s15+$0x0];
	_ =	sdelay $0x4  }
0x3b1: {  	[tilespmem:v9+s26+$0x0] =	vst.idx.msk $0xffff, v8  }
0x3b2: {  	v8 =	vld [tilespmem:s15+$0x10];
	_ =	sdelay $0x4  }
0x3b3: {  	[tilespmem:v9+s7+$0x0] =	vst.idx.msk $0xffff, v8  }
0x3b4: {  	v8 =	vld [tilespmem:s15+$0x20];
	_ =	sdelay $0x4  }
0x3b5: {  	[tilespmem:v9+s22+$0x0] =	vst.idx.msk $0xffff, v8  }
0x3b6: {  	v8 =	vld [tilespmem:s15+$0x30];
	_ =	sdelay $0x4  }
0x3b7: {  	[tilespmem:v9+s25+$0x0] =	vst.idx.msk $0xffff, v8  }
0x3b8: {  	v9 =	vadd.s32 v5, v10;
	v8 =	vld [tilespmem:s15+$0x40];
	_ =	sdelay $0x4  }
0x3b9: {  	[tilespmem:v9+s26+$0x0] =	vst.idx.msk $0xffff, v8  }
0x3ba: {  	v8 =	vld [tilespmem:s15+$0x50];
	_ =	sdelay $0x4  }
0x3bb: {  	[tilespmem:v9+s7+$0x0] =	vst.idx.msk $0xffff, v8  }
0x3bc: {  	v8 =	vld [tilespmem:s15+$0x60];
	_ =	sdelay $0x4  }
0x3bd: {  	[tilespmem:v9+s22+$0x0] =	vst.idx.msk $0xffff, v8  }
0x3be: {  	v8 =	vld [tilespmem:s15+$0x70];
	_ =	sdelay $0x4  }
0x3bf: {  	[tilespmem:v9+s25+$0x0] =	vst.idx.msk $0xffff, v8  }
0x3c0: {  	v9 =	vadd.s32 v6, v10;
	v8 =	vld [tilespmem:s15+$0x80];
	_ =	sdelay $0x4  }
0x3c1: {  	[tilespmem:v9+s26+$0x0] =	vst.idx.msk $0xffff, v8  }
0x3c2: {  	v8 =	vld [tilespmem:s15+$0x90];
	_ =	sdelay $0x4  }
0x3c3: {  	[tilespmem:v9+s7+$0x0] =	vst.idx.msk $0xffff, v8  }
0x3c4: {  	v8 =	vld [tilespmem:s15+$0xA0];
	_ =	sdelay $0x4  }
0x3c5: {  	[tilespmem:v9+s22+$0x0] =	vst.idx.msk $0xffff, v8  }
0x3c6: {  	v8 =	vld [tilespmem:s15+$0xB0];
	_ =	sdelay $0x4  }
0x3c7: {  	[tilespmem:v9+s25+$0x0] =	vst.idx.msk $0xffff, v8  }
0x3c8: {  	v8 =	vadd.s32 v7, v10;
	v9 =	vld [tilespmem:s15+$0xC0];
	_ =	sdelay $0x4  }
0x3c9: {  	[tilespmem:v8+s26+$0x0] =	vst.idx.msk $0xffff, v9  }
0x3ca: {  	v9 =	vld [tilespmem:s15+$0xD0];
	_ =	sdelay $0x4  }
0x3cb: {  	[tilespmem:v8+s7+$0x0] =	vst.idx.msk $0xffff, v9  }
0x3cc: {  	v9 =	vld [tilespmem:s15+$0xE0];
	_ =	sdelay $0x4  }
0x3cd: {  	[tilespmem:v8+s22+$0x0] =	vst.idx.msk $0xffff, v9  }
0x3ce: {  	s20 =	simm.s32 $0x0;
	v9 =	vld [tilespmem:s15+$0xF0]  }
.LBB2_9:
0x3cf: {  	_ =	sdelay $0x3  }
0x3d0: {  	s20 =	sadd.s32 $0x2, s20;
	s15 =	sadd.s32 $0x200, s15;
	s19 =	sadd.s32 $0x8, s19;
	[tilespmem:v8+s25+$0x0] =	vst.idx.msk $0xffff, v9  }
0x3d1: {  	p1 =	slt.u32 s20, $0x1E;
	v9 =	vadd.s32 s19, v0;
	v8 =	vld [tilespmem:s15+$0xFFFFFF00];
	_ =	sdelay $0x4  }
0x3d2: {  	[tilespmem:v9+s26+$0x0] =	vst.idx.msk $0xffff, v8  }
0x3d3: {  	v8 =	vld [tilespmem:s15+$0xFFFFFF10];
	_ =	sdelay $0x4  }
0x3d4: {  	[tilespmem:v9+s7+$0x0] =	vst.idx.msk $0xffff, v8  }
0x3d5: {  	v8 =	vld [tilespmem:s15+$0xFFFFFF20];
	_ =	sdelay $0x4  }
0x3d6: {  	[tilespmem:v9+s22+$0x0] =	vst.idx.msk $0xffff, v8  }
0x3d7: {  	v8 =	vld [tilespmem:s15+$0xFFFFFF30];
	_ =	sdelay $0x4  }
0x3d8: {  	[tilespmem:v9+s25+$0x0] =	vst.idx.msk $0xffff, v8  }
0x3d9: {  	v9 =	vadd.s32 s19, v1;
	v8 =	vld [tilespmem:s15+$0xFFFFFF40];
	_ =	sdelay $0x4  }
0x3da: {  	[tilespmem:v9+s26+$0x0] =	vst.idx.msk $0xffff, v8  }
0x3db: {  	v8 =	vld [tilespmem:s15+$0xFFFFFF50];
	_ =	sdelay $0x4  }
0x3dc: {  	[tilespmem:v9+s7+$0x0] =	vst.idx.msk $0xffff, v8  }
0x3dd: {  	v8 =	vld [tilespmem:s15+$0xFFFFFF60];
	_ =	sdelay $0x4  }
0x3de: {  	[tilespmem:v9+s22+$0x0] =	vst.idx.msk $0xffff, v8  }
0x3df: {  	v8 =	vld [tilespmem:s15+$0xFFFFFF70];
	_ =	sdelay $0x4  }
0x3e0: {  	[tilespmem:v9+s25+$0x0] =	vst.idx.msk $0xffff, v8  }
0x3e1: {  	v9 =	vadd.s32 s19, v2;
	v8 =	vld [tilespmem:s15+$0xFFFFFF80];
	_ =	sdelay $0x4  }
0x3e2: {  	[tilespmem:v9+s26+$0x0] =	vst.idx.msk $0xffff, v8  }
0x3e3: {  	v8 =	vld [tilespmem:s15+$0xFFFFFF90];
	_ =	sdelay $0x4  }
0x3e4: {  	[tilespmem:v9+s7+$0x0] =	vst.idx.msk $0xffff, v8  }
0x3e5: {  	v8 =	vld [tilespmem:s15+$0xFFFFFFA0];
	_ =	sdelay $0x4  }
0x3e6: {  	[tilespmem:v9+s22+$0x0] =	vst.idx.msk $0xffff, v8  }
0x3e7: {  	v8 =	vld [tilespmem:s15+$0xFFFFFFB0];
	_ =	sdelay $0x4  }
0x3e8: {  	[tilespmem:v9+s25+$0x0] =	vst.idx.msk $0xffff, v8  }
0x3e9: {  	v9 =	vadd.s32 s19, v3;
	v8 =	vld [tilespmem:s15+$0xFFFFFFC0];
	_ =	sdelay $0x4  }
0x3ea: {  	[tilespmem:v9+s26+$0x0] =	vst.idx.msk $0xffff, v8  }
0x3eb: {  	v8 =	vld [tilespmem:s15+$0xFFFFFFD0];
	_ =	sdelay $0x4  }
0x3ec: {  	[tilespmem:v9+s7+$0x0] =	vst.idx.msk $0xffff, v8  }
0x3ed: {  	v8 =	vld [tilespmem:s15+$0xFFFFFFE0];
	_ =	sdelay $0x4  }
0x3ee: {  	[tilespmem:v9+s22+$0x0] =	vst.idx.msk $0xffff, v8  }
0x3ef: {  	v8 =	vld [tilespmem:s15+$0xFFFFFFF0]  }
0x3f0: {  	s21 =	sadd.s32 $0x4, s19  }
0x3f1: {  	v10 =	vmov s21  }
0x3f2: {  	v10 =	vand.u32 $0x78, v10  }
0x3f3: {  	v10 =	vbroadcast v10, $0x0  }
0x3f4: {  	[tilespmem:v9+s25+$0x0] =	vst.idx.msk $0xffff, v8  }
0x3f5: {  	v9 =	vadd.s32 v4, v10;
	v8 =	vld [tilespmem:s15+$0x0];
	_ =	sdelay $0x4  }
0x3f6: {  	[tilespmem:v9+s26+$0x0] =	vst.idx.msk $0xffff, v8  }
0x3f7: {  	v8 =	vld [tilespmem:s15+$0x10];
	_ =	sdelay $0x4  }
0x3f8: {  	[tilespmem:v9+s7+$0x0] =	vst.idx.msk $0xffff, v8  }
0x3f9: {  	v8 =	vld [tilespmem:s15+$0x20];
	_ =	sdelay $0x4  }
0x3fa: {  	[tilespmem:v9+s22+$0x0] =	vst.idx.msk $0xffff, v8  }
0x3fb: {  	v8 =	vld [tilespmem:s15+$0x30];
	_ =	sdelay $0x4  }
0x3fc: {  	[tilespmem:v9+s25+$0x0] =	vst.idx.msk $0xffff, v8  }
0x3fd: {  	v9 =	vadd.s32 v5, v10;
	v8 =	vld [tilespmem:s15+$0x40];
	_ =	sdelay $0x4  }
0x3fe: {  	[tilespmem:v9+s26+$0x0] =	vst.idx.msk $0xffff, v8  }
0x3ff: {  	v8 =	vld [tilespmem:s15+$0x50];
	_ =	sdelay $0x4  }
0x400: {  	[tilespmem:v9+s7+$0x0] =	vst.idx.msk $0xffff, v8  }
0x401: {  	v8 =	vld [tilespmem:s15+$0x60];
	_ =	sdelay $0x4  }
0x402: {  	[tilespmem:v9+s22+$0x0] =	vst.idx.msk $0xffff, v8  }
0x403: {  	v8 =	vld [tilespmem:s15+$0x70];
	_ =	sdelay $0x4  }
0x404: {  	[tilespmem:v9+s25+$0x0] =	vst.idx.msk $0xffff, v8  }
0x405: {  	v9 =	vadd.s32 v6, v10;
	v8 =	vld [tilespmem:s15+$0x80];
	_ =	sdelay $0x4  }
0x406: {  	[tilespmem:v9+s26+$0x0] =	vst.idx.msk $0xffff, v8  }
0x407: {  	v8 =	vld [tilespmem:s15+$0x90];
	_ =	sdelay $0x4  }
0x408: {  	[tilespmem:v9+s7+$0x0] =	vst.idx.msk $0xffff, v8  }
0x409: {  	v8 =	vld [tilespmem:s15+$0xA0];
	_ =	sdelay $0x4  }
0x40a: {  	[tilespmem:v9+s22+$0x0] =	vst.idx.msk $0xffff, v8  }
0x40b: {  	v8 =	vld [tilespmem:s15+$0xB0];
	_ =	sdelay $0x4  }
0x40c: {  	[tilespmem:v9+s25+$0x0] =	vst.idx.msk $0xffff, v8  }
0x40d: {  	v8 =	vadd.s32 v7, v10;
	v9 =	vld [tilespmem:s15+$0xC0];
	_ =	sdelay $0x4  }
0x40e: {  	[tilespmem:v8+s26+$0x0] =	vst.idx.msk $0xffff, v9  }
0x40f: {  	v9 =	vld [tilespmem:s15+$0xD0];
	_ =	sdelay $0x4  }
0x410: {  	[tilespmem:v8+s7+$0x0] =	vst.idx.msk $0xffff, v9  }
0x411: {  	v9 =	vld [tilespmem:s15+$0xE0];
	_ =	sdelay $0x1  }
.Ltmp5:
0x412: {  	(pc) =	sbr.rel @p1 .LBB2_9-.Ltmp5, $3  }
0x413: {  	_ =	sdelay $0x1  }
0x414: {  	[tilespmem:v8+s22+$0x0] =	vst.idx.msk $0xffff, v9  }
0x415: {  	v9 =	vld [tilespmem:s15+$0xF0]  }
0x416: {  	_ =	sdelay $0x3  }
0x417: {  	s15 =	sadd.s32 s13, s12;
	[tilespmem:v8+s25+$0x0] =	vst.idx.msk $0xffff, v9  }
0x418: {  	[hbm4b:s15+s3] =	stream.linear.scatter [tilespmem:s26], [sflag:$0x5], $0x80, $0x38;
	[tilespmem:$0xE800] =	vst v63  }
0x419: {  	s20 =	simm.s32 $0xC688;
	s19 =	sadd.s32 $0x10, s15  }
0x41a: {  	[hbm4b:s19+s3] =	stream.linear.scatter [tilespmem:s20], [sflag:$0x5], $0x80, $0x38;
	[tilespmem:$0xE800] =	vst v63  }
0x41b: {  	s21 =	simm.s32 $0xC710;
	s20 =	sadd.s32 $0x20, s15  }
0x41c: {  	[hbm4b:s20+s3] =	stream.linear.scatter [tilespmem:s21], [sflag:$0x5], $0x80, $0x38;
	[tilespmem:$0xE800] =	vst v63  }
0x41d: {  	s20 =	sadd.s32 $0x30, s15;
	s21 =	simm.s32 $0xC798  }
0x41e: {  	[hbm4b:s20+s3] =	stream.linear.scatter [tilespmem:s21], [sflag:$0x5], $0x80, $0x38;
	[tilespmem:$0xE800] =	vst v63  }
0x41f: {  	s20 =	sadd.s32 $0x40, s15;
	s21 =	simm.s32 $0xC820  }
0x420: {  	[hbm4b:s20+s3] =	stream.linear.scatter [tilespmem:s21], [sflag:$0x5], $0x80, $0x38;
	[tilespmem:$0xE800] =	vst v63  }
0x421: {  	s20 =	sadd.s32 $0x50, s15;
	s21 =	simm.s32 $0xC8A8  }
0x422: {  	[hbm4b:s20+s3] =	stream.linear.scatter [tilespmem:s21], [sflag:$0x5], $0x80, $0x38;
	[tilespmem:$0xE800] =	vst v63  }
0x423: {  	s20 =	sadd.s32 $0x60, s15;
	s21 =	simm.s32 $0xC930  }
0x424: {  	[hbm4b:s20+s3] =	stream.linear.scatter [tilespmem:s21], [sflag:$0x5], $0x80, $0x38;
	[tilespmem:$0xE800] =	vst v63  }
0x425: {  	s20 =	sadd.s32 $0x70, s15;
	s21 =	simm.s32 $0xC9B8  }
0x426: {  	[hbm4b:s20+s3] =	stream.linear.scatter [tilespmem:s21], [sflag:$0x5], $0x80, $0x38;
	[tilespmem:$0xE800] =	vst v63  }
0x427: {  	s20 =	sadd.s32 $0x1000, s15;
	s21 =	simm.s32 $0xCA40  }
0x428: {  	[hbm4b:s20+s3] =	stream.linear.scatter [tilespmem:s21], [sflag:$0x5], $0x80, $0x38;
	[tilespmem:$0xE800] =	vst v63  }
0x429: {  	s20 =	sadd.s32 $0x1010, s15;
	s21 =	simm.s32 $0xCAC8  }
0x42a: {  	[hbm4b:s20+s3] =	stream.linear.scatter [tilespmem:s21], [sflag:$0x5], $0x80, $0x38;
	[tilespmem:$0xE800] =	vst v63  }
0x42b: {  	s20 =	sadd.s32 $0x1020, s15;
	s21 =	simm.s32 $0xCB50  }
0x42c: {  	[hbm4b:s20+s3] =	stream.linear.scatter [tilespmem:s21], [sflag:$0x5], $0x80, $0x38;
	[tilespmem:$0xE800] =	vst v63  }
0x42d: {  	s20 =	sadd.s32 $0x1030, s15;
	s21 =	simm.s32 $0xCBD8  }
0x42e: {  	[hbm4b:s20+s3] =	stream.linear.scatter [tilespmem:s21], [sflag:$0x5], $0x80, $0x38;
	[tilespmem:$0xE800] =	vst v63  }
0x42f: {  	s20 =	sadd.s32 $0x1040, s15;
	s21 =	simm.s32 $0xCC60  }
0x430: {  	[hbm4b:s20+s3] =	stream.linear.scatter [tilespmem:s21], [sflag:$0x5], $0x80, $0x38;
	[tilespmem:$0xE800] =	vst v63  }
0x431: {  	s20 =	sadd.s32 $0x1050, s15;
	s21 =	simm.s32 $0xCCE8  }
0x432: {  	[hbm4b:s20+s3] =	stream.linear.scatter [tilespmem:s21], [sflag:$0x5], $0x80, $0x38;
	[tilespmem:$0xE800] =	vst v63  }
0x433: {  	s20 =	sadd.s32 $0x1060, s15;
	s21 =	simm.s32 $0xCD70  }
0x434: {  	[hbm4b:s20+s3] =	stream.linear.scatter [tilespmem:s21], [sflag:$0x5], $0x80, $0x38;
	[tilespmem:$0xE800] =	vst v63  }
0x435: {  	s15 =	sadd.s32 $0x1070, s15;
	s21 =	simm.s32 $0xCDF8  }
0x436: {  	[hbm4b:s15+s3] =	stream.linear.scatter [tilespmem:s21], [sflag:$0x5], $0x80, $0x38;
	[tilespmem:$0xE800] =	vst v63  }
0x437: {  	s15 =	sadd.s32 s13, s16  }
0x438: {  	[hbm4b:s15+s3] =	stream.linear.scatter [tilespmem:s7], [sflag:$0x5], $0x80, $0x38;
	[tilespmem:$0xE800] =	vst v63  }
0x439: {  	s21 =	simm.s32 $0xCF08;
	s20 =	sadd.s32 $0x10, s15  }
0x43a: {  	[hbm4b:s20+s3] =	stream.linear.scatter [tilespmem:s21], [sflag:$0x5], $0x80, $0x38;
	[tilespmem:$0xE800] =	vst v63  }
0x43b: {  	s20 =	sadd.s32 $0x20, s15;
	s21 =	simm.s32 $0xCF90  }
0x43c: {  	[hbm4b:s20+s3] =	stream.linear.scatter [tilespmem:s21], [sflag:$0x5], $0x80, $0x38;
	[tilespmem:$0xE800] =	vst v63  }
0x43d: {  	s20 =	sadd.s32 $0x30, s15;
	s21 =	simm.s32 $0xD018  }
0x43e: {  	[hbm4b:s20+s3] =	stream.linear.scatter [tilespmem:s21], [sflag:$0x5], $0x80, $0x38;
	[tilespmem:$0xE800] =	vst v63  }
0x43f: {  	s20 =	sadd.s32 $0x40, s15;
	s21 =	simm.s32 $0xD0A0  }
0x440: {  	[hbm4b:s20+s3] =	stream.linear.scatter [tilespmem:s21], [sflag:$0x5], $0x80, $0x38;
	[tilespmem:$0xE800] =	vst v63  }
0x441: {  	s20 =	sadd.s32 $0x50, s15;
	s21 =	simm.s32 $0xD128  }
0x442: {  	[hbm4b:s20+s3] =	stream.linear.scatter [tilespmem:s21], [sflag:$0x5], $0x80, $0x38;
	[tilespmem:$0xE800] =	vst v63  }
0x443: {  	s20 =	sadd.s32 $0x60, s15;
	s21 =	simm.s32 $0xD1B0  }
0x444: {  	[hbm4b:s20+s3] =	stream.linear.scatter [tilespmem:s21], [sflag:$0x5], $0x80, $0x38;
	[tilespmem:$0xE800] =	vst v63  }
0x445: {  	s20 =	sadd.s32 $0x70, s15;
	s21 =	simm.s32 $0xD238  }
0x446: {  	[hbm4b:s20+s3] =	stream.linear.scatter [tilespmem:s21], [sflag:$0x5], $0x80, $0x38;
	[tilespmem:$0xE800] =	vst v63  }
0x447: {  	s20 =	sadd.s32 $0x1000, s15;
	s21 =	simm.s32 $0xD2C0  }
0x448: {  	[hbm4b:s20+s3] =	stream.linear.scatter [tilespmem:s21], [sflag:$0x5], $0x80, $0x38;
	[tilespmem:$0xE800] =	vst v63  }
0x449: {  	s20 =	sadd.s32 $0x1010, s15;
	s21 =	simm.s32 $0xD348  }
0x44a: {  	[hbm4b:s20+s3] =	stream.linear.scatter [tilespmem:s21], [sflag:$0x5], $0x80, $0x38;
	[tilespmem:$0xE800] =	vst v63  }
0x44b: {  	s20 =	sadd.s32 $0x1020, s15;
	s21 =	simm.s32 $0xD3D0  }
0x44c: {  	[hbm4b:s20+s3] =	stream.linear.scatter [tilespmem:s21], [sflag:$0x5], $0x80, $0x38;
	[tilespmem:$0xE800] =	vst v63  }
0x44d: {  	s20 =	sadd.s32 $0x1030, s15;
	s21 =	simm.s32 $0xD458  }
0x44e: {  	[hbm4b:s20+s3] =	stream.linear.scatter [tilespmem:s21], [sflag:$0x5], $0x80, $0x38;
	[tilespmem:$0xE800] =	vst v63  }
0x44f: {  	s20 =	sadd.s32 $0x1040, s15;
	s21 =	simm.s32 $0xD4E0  }
0x450: {  	[hbm4b:s20+s3] =	stream.linear.scatter [tilespmem:s21], [sflag:$0x5], $0x80, $0x38;
	[tilespmem:$0xE800] =	vst v63  }
0x451: {  	s20 =	sadd.s32 $0x1050, s15;
	s21 =	simm.s32 $0xD568  }
0x452: {  	[hbm4b:s20+s3] =	stream.linear.scatter [tilespmem:s21], [sflag:$0x5], $0x80, $0x38;
	[tilespmem:$0xE800] =	vst v63  }
0x453: {  	s20 =	sadd.s32 $0x1060, s15;
	s21 =	simm.s32 $0xD5F0  }
0x454: {  	[hbm4b:s20+s3] =	stream.linear.scatter [tilespmem:s21], [sflag:$0x5], $0x80, $0x38;
	[tilespmem:$0xE800] =	vst v63  }
0x455: {  	s15 =	sadd.s32 $0x1070, s15;
	s21 =	simm.s32 $0xD678  }
0x456: {  	[hbm4b:s15+s3] =	stream.linear.scatter [tilespmem:s21], [sflag:$0x5], $0x80, $0x38;
	[tilespmem:$0xE800] =	vst v63  }
0x457: {  	s15 =	sadd.s32 s13, s17  }
0x458: {  	[hbm4b:s15+s3] =	stream.linear.scatter [tilespmem:s22], [sflag:$0x5], $0x80, $0x38;
	[tilespmem:$0xE800] =	vst v63  }
0x459: {  	s21 =	simm.s32 $0xD788;
	s20 =	sadd.s32 $0x10, s15  }
0x45a: {  	[hbm4b:s20+s3] =	stream.linear.scatter [tilespmem:s21], [sflag:$0x5], $0x80, $0x38;
	[tilespmem:$0xE800] =	vst v63  }
0x45b: {  	s20 =	sadd.s32 $0x20, s15;
	s21 =	simm.s32 $0xD810  }
0x45c: {  	[hbm4b:s20+s3] =	stream.linear.scatter [tilespmem:s21], [sflag:$0x5], $0x80, $0x38;
	[tilespmem:$0xE800] =	vst v63  }
0x45d: {  	s20 =	sadd.s32 $0x30, s15;
	s21 =	simm.s32 $0xD898  }
0x45e: {  	[hbm4b:s20+s3] =	stream.linear.scatter [tilespmem:s21], [sflag:$0x5], $0x80, $0x38;
	[tilespmem:$0xE800] =	vst v63  }
0x45f: {  	s20 =	sadd.s32 $0x40, s15;
	s21 =	simm.s32 $0xD920  }
0x460: {  	[hbm4b:s20+s3] =	stream.linear.scatter [tilespmem:s21], [sflag:$0x5], $0x80, $0x38;
	[tilespmem:$0xE800] =	vst v63  }
0x461: {  	s20 =	sadd.s32 $0x50, s15;
	s21 =	simm.s32 $0xD9A8  }
0x462: {  	[hbm4b:s20+s3] =	stream.linear.scatter [tilespmem:s21], [sflag:$0x5], $0x80, $0x38;
	[tilespmem:$0xE800] =	vst v63  }
0x463: {  	s20 =	sadd.s32 $0x60, s15;
	s21 =	simm.s32 $0xDA30  }
0x464: {  	[hbm4b:s20+s3] =	stream.linear.scatter [tilespmem:s21], [sflag:$0x5], $0x80, $0x38;
	[tilespmem:$0xE800] =	vst v63  }
0x465: {  	s20 =	sadd.s32 $0x70, s15;
	s21 =	simm.s32 $0xDAB8  }
0x466: {  	[hbm4b:s20+s3] =	stream.linear.scatter [tilespmem:s21], [sflag:$0x5], $0x80, $0x38;
	[tilespmem:$0xE800] =	vst v63  }
0x467: {  	s20 =	sadd.s32 $0x1000, s15;
	s21 =	simm.s32 $0xDB40  }
0x468: {  	[hbm4b:s20+s3] =	stream.linear.scatter [tilespmem:s21], [sflag:$0x5], $0x80, $0x38;
	[tilespmem:$0xE800] =	vst v63  }
0x469: {  	s20 =	sadd.s32 $0x1010, s15;
	s21 =	simm.s32 $0xDBC8  }
0x46a: {  	[hbm4b:s20+s3] =	stream.linear.scatter [tilespmem:s21], [sflag:$0x5], $0x80, $0x38;
	[tilespmem:$0xE800] =	vst v63  }
0x46b: {  	s20 =	sadd.s32 $0x1020, s15;
	s21 =	simm.s32 $0xDC50  }
0x46c: {  	[hbm4b:s20+s3] =	stream.linear.scatter [tilespmem:s21], [sflag:$0x5], $0x80, $0x38;
	[tilespmem:$0xE800] =	vst v63  }
0x46d: {  	s20 =	sadd.s32 $0x1030, s15;
	s21 =	simm.s32 $0xDCD8  }
0x46e: {  	[hbm4b:s20+s3] =	stream.linear.scatter [tilespmem:s21], [sflag:$0x5], $0x80, $0x38;
	[tilespmem:$0xE800] =	vst v63  }
0x46f: {  	s20 =	sadd.s32 $0x1040, s15;
	s21 =	simm.s32 $0xDD60  }
0x470: {  	[hbm4b:s20+s3] =	stream.linear.scatter [tilespmem:s21], [sflag:$0x5], $0x80, $0x38;
	[tilespmem:$0xE800] =	vst v63  }
0x471: {  	s20 =	sadd.s32 $0x1050, s15;
	s21 =	simm.s32 $0xDDE8  }
0x472: {  	[hbm4b:s20+s3] =	stream.linear.scatter [tilespmem:s21], [sflag:$0x5], $0x80, $0x38;
	[tilespmem:$0xE800] =	vst v63  }
0x473: {  	s20 =	sadd.s32 $0x1060, s15;
	s21 =	simm.s32 $0xDE70  }
0x474: {  	[hbm4b:s20+s3] =	stream.linear.scatter [tilespmem:s21], [sflag:$0x5], $0x80, $0x38;
	[tilespmem:$0xE800] =	vst v63  }
0x475: {  	s15 =	sadd.s32 $0x1070, s15;
	s21 =	simm.s32 $0xDEF8  }
0x476: {  	[hbm4b:s15+s3] =	stream.linear.scatter [tilespmem:s21], [sflag:$0x5], $0x80, $0x38;
	[tilespmem:$0xE800] =	vst v63  }
0x477: {  	s13 =	sadd.s32 s13, s18  }
0x478: {  	[hbm4b:s13+s3] =	stream.linear.scatter [tilespmem:s25], [sflag:$0x5], $0x80, $0x38;
	[tilespmem:$0xE800] =	vst v63  }
0x479: {  	s20 =	sadd.s32 $0x10, s13;
	s21 =	simm.s32 $0xE008  }
0x47a: {  	[hbm4b:s20+s3] =	stream.linear.scatter [tilespmem:s21], [sflag:$0x5], $0x80, $0x38;
	[tilespmem:$0xE800] =	vst v63  }
0x47b: {  	s20 =	sadd.s32 $0x20, s13;
	s21 =	simm.s32 $0xE090  }
0x47c: {  	[hbm4b:s20+s3] =	stream.linear.scatter [tilespmem:s21], [sflag:$0x5], $0x80, $0x38;
	[tilespmem:$0xE800] =	vst v63  }
0x47d: {  	s20 =	sadd.s32 $0x30, s13;
	s21 =	simm.s32 $0xE118  }
0x47e: {  	[hbm4b:s20+s3] =	stream.linear.scatter [tilespmem:s21], [sflag:$0x5], $0x80, $0x38;
	[tilespmem:$0xE800] =	vst v63  }
0x47f: {  	s20 =	sadd.s32 $0x40, s13;
	s21 =	simm.s32 $0xE1A0  }
0x480: {  	[hbm4b:s20+s3] =	stream.linear.scatter [tilespmem:s21], [sflag:$0x5], $0x80, $0x38;
	[tilespmem:$0xE800] =	vst v63  }
0x481: {  	s20 =	sadd.s32 $0x50, s13;
	s21 =	simm.s32 $0xE228  }
0x482: {  	[hbm4b:s20+s3] =	stream.linear.scatter [tilespmem:s21], [sflag:$0x5], $0x80, $0x38;
	[tilespmem:$0xE800] =	vst v63  }
0x483: {  	s20 =	sadd.s32 $0x60, s13;
	s21 =	simm.s32 $0xE2B0  }
0x484: {  	[hbm4b:s20+s3] =	stream.linear.scatter [tilespmem:s21], [sflag:$0x5], $0x80, $0x38;
	[tilespmem:$0xE800] =	vst v63  }
0x485: {  	s20 =	sadd.s32 $0x70, s13;
	s21 =	simm.s32 $0xE338  }
0x486: {  	[hbm4b:s20+s3] =	stream.linear.scatter [tilespmem:s21], [sflag:$0x5], $0x80, $0x38;
	[tilespmem:$0xE800] =	vst v63  }
0x487: {  	s20 =	sadd.s32 $0x1000, s13;
	s21 =	simm.s32 $0xE3C0  }
0x488: {  	[hbm4b:s20+s3] =	stream.linear.scatter [tilespmem:s21], [sflag:$0x5], $0x80, $0x38;
	[tilespmem:$0xE800] =	vst v63  }
0x489: {  	s20 =	sadd.s32 $0x1010, s13;
	s21 =	simm.s32 $0xE448  }
0x48a: {  	[hbm4b:s20+s3] =	stream.linear.scatter [tilespmem:s21], [sflag:$0x5], $0x80, $0x38;
	[tilespmem:$0xE800] =	vst v63  }
0x48b: {  	s20 =	sadd.s32 $0x1020, s13;
	s21 =	simm.s32 $0xE4D0  }
0x48c: {  	[hbm4b:s20+s3] =	stream.linear.scatter [tilespmem:s21], [sflag:$0x5], $0x80, $0x38;
	[tilespmem:$0xE800] =	vst v63  }
0x48d: {  	s20 =	sadd.s32 $0x1030, s13;
	s21 =	simm.s32 $0xE558  }
0x48e: {  	[hbm4b:s20+s3] =	stream.linear.scatter [tilespmem:s21], [sflag:$0x5], $0x80, $0x38;
	[tilespmem:$0xE800] =	vst v63  }
0x48f: {  	s20 =	sadd.s32 $0x1040, s13;
	s21 =	simm.s32 $0xE5E0  }
0x490: {  	[hbm4b:s20+s3] =	stream.linear.scatter [tilespmem:s21], [sflag:$0x5], $0x80, $0x38;
	[tilespmem:$0xE800] =	vst v63  }
0x491: {  	s20 =	sadd.s32 $0x1050, s13;
	s21 =	simm.s32 $0xE668  }
0x492: {  	[hbm4b:s20+s3] =	stream.linear.scatter [tilespmem:s21], [sflag:$0x5], $0x80, $0x38;
	[tilespmem:$0xE800] =	vst v63  }
.Ltmp6:
0x493: {  	_ = 	snop;
	(pc) =	sbr.rel @p0 .LBB2_12-.Ltmp6, $4  }
0x494: {  	s20 =	sadd.s32 $0x1060, s13;
	s21 =	simm.s32 $0xE6F0  }
0x495: {  	[hbm4b:s20+s3] =	stream.linear.scatter [tilespmem:s21], [sflag:$0x5], $0x80, $0x38;
	[tilespmem:$0xE800] =	vst v63  }
0x496: {  	s13 =	sadd.s32 $0x1070, s13  }
0x497: {  	[hbm4b:s13+s3] =	stream.linear.scatter [tilespmem:s28], [sflag:$0x5], $0x80, $0x38;
	[tilespmem:$0xE800] =	vst v63  }
.Ltmp7:
0x498: {  	(pc) =	sbr.rel .LBB2_6-.Ltmp7, $4  }
0x499: {  	_ = 	snop  }
0x49a: {  	s13 =	sshrl.u32 s14, $0x2  }
0x49b: {  	s21 =	simm.s32 $0x8400;
	s9 =	sadd.s32 $0x1, s9;
	s13 =	sadd.s32 $0x180, s13  }
0x49c: {  	[tilespmem:s21], [sflag:$0x3] =	stream.indirect.gather [hbm4b:s4+s23], $0x40, s13, s23, $0xb8;
	[tilespmem:$0xE800] =	vst v63  }
.LBB2_13:
0x49d: {  	_ =	sfence.sel $0x180000  }
0x49e: {  	[bflag:$0x0] =	sbarrier.arrive $0xFFFF  }
0x49f: {  	_ =	strace $0x90000047  }
0x4a0: {  	s0 =	stileid.u32;
	[bflag:$0x2] =	sbarrier.arrive $0xFFFF  }
0x4a1: {  	p0 =	sne.s32 s0, $0x0;
	s0 =	rddreg [dreg:$0x2]  }
0x4a2: {  	s0 =	sadd.s32 @!p0 $0x100000, s0  }
0x4a3: {  	[sflag:s0] =	ssyncadd.tile.s32 @!p0 $0x1;
	_ =	shalt  }
.Lfunc_end2:
_tile_overlayer_lowered:
.L_overlay_start_2:
0x4a4: {  	(tag) =	ssettag $0x2  }
0x4a5: {  	s0 =	rddreg [dreg:$0x0];
	s2 =	stileid.u32  }
0x4a6: {  	s1 =	rddreg [dreg:$0x1];
	p0 =	sne.s32 s2, $0x0  }
0x4a7: {  	s3 =	rddreg [dreg:$0x2];
	[bflag:$0x3] =	sbarrier.arrive $0xFFFF;
	s2 =	simm.s32 @!p0 $0x1C06  }
0x4a8: {  	[timem:s3], [sflag:s2] =	dma.local @!p0 [hbm:s0], s1  }
0x4a9: {  	s0 =	simm.s32 @!p0 $0x6  }
0x4aa: {  	_ =	swait.ge @!p0 [sflag:s0], s1  }
0x4ab: {  	s1 =	ssub.s32 @!p0 $0x0, s1;
	[sflag:s0] =	ssyncset.done @!p0 $0x0  }
0x4ac: {  	[sflag:s0] =	ssyncadd.s32 @!p0 s1  }
0x4ad: {  	[bflag:$0x3] =	sbarrier.arrive $0xFFFF  }
0x4ae: {  	_ =	shalt  }

</sc_bundles>
